<compile_context>
chip_gen: v7x
topology: tpu7x:2x2x1
jax: 0.10.2.dev20260603
libtpu: 0.0.44.dev20260713+nightly
codegen_flags: <defaults>
</compile_context>

<pallas_src>
import functools

import jax
import jax.numpy as jnp
from jax import lax
from jax.experimental import pallas as pl
from jax.experimental.pallas import tpu as pltpu
from jax.experimental.pallas import tpu_sc as plsc

N = 10000
E = 320000
D = 128

NC = 2
NS = 16
NW = NC * NS
K = 128
NCH = 80
E_PAD = NW * NCH * K
EROWS = E_PAD // K
RPW = NCH
N_PAD = N + 8
RPS = 624
TAIL = N - RPS * NS


def _sc_body(with_cnt, h_hbm, packed_hbm, zeros_hbm, ones_hbm,
             acc_out, cnt_out, packed, srow0, drow0, srow1, drow1,
             rows0, rows1, acc_sh, sem0, sem1):
    c = lax.axis_index("c")
    s = lax.axis_index("s")
    wid = c * NS + s
    stripe = pl.ds(s * RPS, RPS)
    tail = pl.ds(RPS * NS, TAIL)

    def unpack(j, srow, drow):
        for v in range(K // 16):
            sl = pl.ds(v * 16, 16)
            p = packed[j, sl]
            srow[sl] = p & 0xFFFF
            drow[sl] = lax.shift_right_logical(p, 16)

    def zero_acc():
        pltpu.sync_copy(zeros_hbm.at[stripe], acc_sh.at[stripe])

        @pl.when(s == 0)
        def _():
            pltpu.sync_copy(zeros_hbm.at[tail], acc_sh.at[tail])

    def write_acc(out):
        pltpu.sync_copy(acc_sh.at[stripe], out.at[c, stripe])

        @pl.when(s == 0)
        def _():
            pltpu.sync_copy(acc_sh.at[tail], out.at[c, tail])

    pltpu.sync_copy(packed_hbm.at[pl.ds(wid * RPW, RPW)], packed)

    if with_cnt:
        zero_acc()
        pltpu.sync_copy(ones_hbm, rows0)
        plsc.subcore_barrier()

        def cchunk(i, carry):
            unpack(i, srow0, drow0)
            pltpu.sync_copy(rows0, acc_sh.at[drow0], add=True)
            return carry

        lax.fori_loop(0, NCH, cchunk, 0)
        plsc.subcore_barrier()
        write_acc(cnt_out)
        plsc.subcore_barrier()

    zero_acc()
    plsc.subcore_barrier()

    unpack(0, srow0, drow0)
    pltpu.async_copy(h_hbm.at[srow0], rows0, sem0)

    def chunk(k, carry):
        j0 = 2 * k
        j1 = j0 + 1
        unpack(j1, srow1, drow1)
        pltpu.make_async_copy(h_hbm.at[srow0], rows0, sem0).wait()
        pltpu.async_copy(h_hbm.at[srow1], rows1, sem1)
        pltpu.sync_copy(rows0, acc_sh.at[drow0], add=True)

        @pl.when(k < NCH // 2 - 1)
        def _():
            unpack(j0 + 2, srow0, drow0)
            pltpu.async_copy(h_hbm.at[srow0], rows0, sem0)

        pltpu.make_async_copy(h_hbm.at[srow1], rows1, sem1).wait()
        pltpu.sync_copy(rows1, acc_sh.at[drow1], add=True)
        return carry

    lax.fori_loop(0, NCH // 2, chunk, 0)
    plsc.subcore_barrier()
    write_acc(acc_out)


@functools.lru_cache(maxsize=None)
def _make_sc(with_cnt):
    mesh = plsc.VectorSubcoreMesh(core_axis_name="c", subcore_axis_name="s",
                                  num_cores=NC, num_subcores=NS)
    out_type = [jax.ShapeDtypeStruct((NC, N, D), jnp.float32)]
    if with_cnt:
        out_type.append(jax.ShapeDtypeStruct((NC, N, D), jnp.float32))
    scratch = [
        pltpu.VMEM((RPW, K), jnp.int32),
        pltpu.VMEM((K,), jnp.int32),
        pltpu.VMEM((K,), jnp.int32),
        pltpu.VMEM((K,), jnp.int32),
        pltpu.VMEM((K,), jnp.int32),
        pltpu.VMEM((K, D), jnp.float32),
        pltpu.VMEM((K, D), jnp.float32),
        pltpu.VMEM_SHARED((N_PAD, D), jnp.float32),
        pltpu.SemaphoreType.DMA,
        pltpu.SemaphoreType.DMA,
    ]

    if with_cnt:
        def body(h, pk, z, o, acc, cnt, *scr):
            _sc_body(True, h, pk, z, o, acc, cnt, *scr)
    else:
        def body(h, pk, z, o, acc, *scr):
            _sc_body(False, h, pk, z, o, acc, None, *scr)

    return pl.kernel(body, out_type=tuple(out_type), mesh=mesh,
                     scratch_types=scratch)


_R = 1000


def _tc_body(last, acc_ref, cnt_ref, h_ref, wl_ref, wr_ref, b_ref, o_ref):
    agg = acc_ref[0] + acc_ref[1]
    cnt = cnt_ref[0, :, 0:1] + cnt_ref[1, :, 0:1]
    mean = agg / jnp.maximum(cnt, 1.0)
    t = (jnp.dot(mean, wl_ref[...], preferred_element_type=jnp.float32)
         + jnp.dot(h_ref[...], wr_ref[...], preferred_element_type=jnp.float32)
         + b_ref[...])
    sig = jax.nn.sigmoid(t)
    if last:
        @pl.when(pl.program_id(0) == 0)
        def _():
            o_ref[...] = jnp.zeros_like(o_ref)
        o_ref[...] += jnp.sum(sig, axis=0, keepdims=True)
    else:
        o_ref[...] = sig


def _tc_combine(acc, cnt, h, wlT, wrT, b, last):
    grid = (N // _R,)
    in_specs = [
        pl.BlockSpec((NC, _R, D), lambda i: (0, i, 0)),
        pl.BlockSpec((NC, _R, D), lambda i: (0, i, 0)),
        pl.BlockSpec((_R, D), lambda i: (i, 0)),
        pl.BlockSpec((D, D), lambda i: (0, 0)),
        pl.BlockSpec((D, D), lambda i: (0, 0)),
        pl.BlockSpec((1, D), lambda i: (0, 0)),
    ]
    if last:
        out_spec = pl.BlockSpec((1, D), lambda i: (0, 0))
        out_shape = jax.ShapeDtypeStruct((1, D), jnp.float32)
    else:
        out_spec = pl.BlockSpec((_R, D), lambda i: (i, 0))
        out_shape = jax.ShapeDtypeStruct((N, D), jnp.float32)
    return pl.pallas_call(
        functools.partial(_tc_body, last),
        grid=grid,
        in_specs=in_specs,
        out_specs=out_spec,
        out_shape=out_shape,
    )(acc, cnt, h, wlT, wrT, b)


def kernel(x, edge_index, Wl1, Wr1, b1, Wl2, Wr2, b2, Wl3, Wr3, b3):
    npad = E_PAD - E
    src = jnp.concatenate([edge_index[0], jnp.zeros((npad,), jnp.int32)])
    dst = jnp.concatenate([edge_index[1], jnp.full((npad,), N, jnp.int32)])
    packed = (src | (dst << 16)).reshape(EROWS, K)
    zeros = jnp.zeros((N, D), jnp.float32)
    ones = jnp.ones((K, D), jnp.float32)

    acc1, cnt = _make_sc(True)(x, packed, zeros, ones)
    h2 = _tc_combine(acc1, cnt, x, Wl1.T, Wr1.T, b1.reshape(1, D), False)
    (acc2,) = _make_sc(False)(h2, packed, zeros, ones)
    h3 = _tc_combine(acc2, cnt, h2, Wl2.T, Wr2.T, b2.reshape(1, D), False)
    (acc3,) = _make_sc(False)(h3, packed, zeros, ones)
    out = _tc_combine(acc3, cnt, h3, Wl3.T, Wr3.T, b3.reshape(1, D), True)
    return out.reshape(D)

# --- scband reference (transcript-rebuilt; emitter-appended) ---
"""Pipeline reference for scband-graph-sage-9466107921073 (READ-ONLY COPY).

The authoritative reference and input builder live on the scoring server;
editing this copy changes nothing except your own understanding.
"""

import jax, jax.numpy as jnp
import numpy as np

N = 10000
E = 320000
D_IN = 128
D_H = 128
D_OUT = 128


def setup_inputs(seed: int = 0) -> dict:
    key = jax.random.key(seed)
    ks = jax.random.split(key, 12)
    s_in = 1.0 / np.sqrt(D_IN)
    s_h = 1.0 / np.sqrt(D_H)
    return {
        "x": jax.random.normal(ks[0], (N, D_IN), dtype=jnp.float32),
        "edge_index": jax.random.randint(ks[1], (2, E), 0, N, dtype=jnp.int32),
        "Wl1": jax.random.normal(ks[2], (D_H, D_IN), dtype=jnp.float32) * s_in,
        "Wr1": jax.random.normal(ks[3], (D_H, D_IN), dtype=jnp.float32) * s_in,
        "b1": jnp.zeros((D_H,), dtype=jnp.float32),
        "Wl2": jax.random.normal(ks[4], (D_H, D_H), dtype=jnp.float32) * s_h,
        "Wr2": jax.random.normal(ks[5], (D_H, D_H), dtype=jnp.float32) * s_h,
        "b2": jnp.zeros((D_H,), dtype=jnp.float32),
        "Wl3": jax.random.normal(ks[6], (D_OUT, D_H), dtype=jnp.float32) * s_h,
        "Wr3": jax.random.normal(ks[7], (D_OUT, D_H), dtype=jnp.float32) * s_h,
        "b3": jnp.zeros((D_OUT,), dtype=jnp.float32),
    }


def _sage_conv(x, edge_index, Wl, Wr, b):
    # PyG SAGEConv (mean aggregation): out = lin_l(mean_{j in N(i)} x_j) + lin_r(x_i)
    src = edge_index[0]
    dst = edge_index[1]
    msgs = x[src]  # gather over source nodes
    agg = jax.ops.segment_sum(msgs, dst, num_segments=N)
    cnt = jax.ops.segment_sum(jnp.ones((edge_index.shape[1],), dtype=jnp.float32), dst, num_segments=N)
    mean = agg / jnp.maximum(cnt, 1.0)[:, None]
    return mean @ Wl.T + b + x @ Wr.T


def reference(x, edge_index, Wl1, Wr1, b1, Wl2, Wr2, b2, Wl3, Wr3, b3):
    h = jax.nn.sigmoid(_sage_conv(x, edge_index, Wl1, Wr1, b1))
    h = jax.nn.sigmoid(_sage_conv(h, edge_index, Wl2, Wr2, b2))
    h = jax.nn.sigmoid(_sage_conv(h, edge_index, Wl3, Wr3, b3))
    return jnp.sum(h, axis=0)

if __name__ == "__main__":
    import jax
    _d = setup_inputs()
    print(jax.jit(kernel)(*tuple(_d.values())))

</pallas_src>

<mosaic_0001>
#map = affine_map<(d0, d1) -> (0, 0)>
#map1 = affine_map<(d0, d1) -> (0, 0, 0)>
module attributes {stable_mosaic.version = 14 : i64} {
  func.func @body(%arg0: i32, %arg1: i32, %arg2: memref<10000x128xf32, #tpu.memory_space<hbm>>, %arg3: memref<2560x128xi32, #tpu.memory_space<hbm>>, %arg4: memref<10000x128xf32, #tpu.memory_space<hbm>>, %arg5: memref<128x128xf32, #tpu.memory_space<hbm>>, %arg6: memref<2x10000x128xf32, #tpu.memory_space<hbm>>, %arg7: memref<80x128xi32, #tpu.memory_space<vmem>>, %arg8: memref<128xi32, #tpu.memory_space<vmem>>, %arg9: memref<128xi32, #tpu.memory_space<vmem>>, %arg10: memref<128xi32, #tpu.memory_space<vmem>>, %arg11: memref<128xi32, #tpu.memory_space<vmem>>, %arg12: memref<128x128xf32, #tpu.memory_space<vmem>>, %arg13: memref<128x128xf32, #tpu.memory_space<vmem>>, %arg14: memref<10008x128xf32, #tpu.memory_space<vmem_shared>>, %arg15: memref<!tpu.dma_semaphore, #tpu.memory_space<semaphore_mem>>, %arg16: memref<!tpu.dma_semaphore, #tpu.memory_space<semaphore_mem>>) attributes {dimension_semantics = [#tpu.dimension_semantics<core_parallel>, #tpu.dimension_semantics<subcore_parallel>], iteration_bounds = array<i64: 2, 16>, scalar_prefetch = 0 : i64, scratch_operands = 10 : i64, tpu.core_type = #tpu.core_type<sc_vector_subcore>, window_params = [{transform_indices = #map}, {transform_indices = #map}, {transform_indices = #map}, {transform_indices = #map}, {transform_indices = #map1}]} {
    %mul3A = arith.constant 16 : i32
    %mul3A_0 = arith.muli %arg0, %mul3A : i32
    %add3A = arith.addi %mul3A_0, %arg1 : i32
    %mul3A_1 = arith.constant 624 : i32
    %mul3A_2 = arith.muli %arg1, %mul3A_1 : i32
    %mul3A_3 = arith.constant 80 : i32
    %mul3A_4 = arith.muli %add3A, %mul3A_3 : i32
    "tpu.region"() ({
      %run_scoped3A = tpu.sem_alloc : memref<!tpu.dma_semaphore, #tpu.memory_space<semaphore_mem>>
      %dma_start3A_168 = arith.constant 0 : i32
      %dma_start3A_169 = tpu.memref_slice %arg3[%mul3A_4, %dma_start3A_168] : memref<2560x128xi32, #tpu.memory_space<hbm>> -> memref<80x128xi32, #tpu.memory_space<hbm>>
      %dma_start3A_170 = arith.constant 0 : i32
      %dma_start3A_171 = tpu.memref_slice %arg3[%mul3A_4, %dma_start3A_170] : memref<2560x128xi32, #tpu.memory_space<hbm>> -> memref<80x128xi32, #tpu.memory_space<hbm>>
      tpu.enqueue_dma source(%dma_start3A_171 : memref<80x128xi32, #tpu.memory_space<hbm>>) target(%arg7 : memref<80x128xi32, #tpu.memory_space<vmem>>) target_semaphore(%run_scoped3A : memref<!tpu.dma_semaphore, #tpu.memory_space<semaphore_mem>>)
      %dma_wait3A = arith.constant 0 : i32
      %dma_wait3A_172 = tpu.memref_slice %arg3[%mul3A_4, %dma_wait3A] : memref<2560x128xi32, #tpu.memory_space<hbm>> -> memref<80x128xi32, #tpu.memory_space<hbm>>
      %dma_wait3A_173 = arith.constant 0 : i32
      %dma_wait3A_174 = tpu.memref_slice %arg3[%mul3A_4, %dma_wait3A_173] : memref<2560x128xi32, #tpu.memory_space<hbm>> -> memref<80x128xi32, #tpu.memory_space<hbm>>
      tpu.wait_dma2 semaphore(%run_scoped3A : memref<!tpu.dma_semaphore, #tpu.memory_space<semaphore_mem>>) src(%dma_wait3A_174 : memref<80x128xi32, #tpu.memory_space<hbm>>) dst(%arg7 : memref<80x128xi32, #tpu.memory_space<vmem>>)
      tpu.yield
    }) : () -> ()
    "tpu.region"() ({
      %run_scoped3A = tpu.sem_alloc : memref<!tpu.dma_semaphore, #tpu.memory_space<semaphore_mem>>
      %dma_start3A_168 = arith.constant 0 : i32
      %dma_start3A_169 = tpu.memref_slice %arg14[%mul3A_2, %dma_start3A_168] : memref<10008x128xf32, #tpu.memory_space<vmem_shared>> -> memref<624x128xf32, #tpu.memory_space<vmem_shared>>
      %dma_start3A_170 = arith.constant 0 : i32
      %dma_start3A_171 = tpu.memref_slice %arg4[%mul3A_2, %dma_start3A_170] : memref<10000x128xf32, #tpu.memory_space<hbm>> -> memref<624x128xf32, #tpu.memory_space<hbm>>
      tpu.enqueue_dma source(%dma_start3A_171 : memref<624x128xf32, #tpu.memory_space<hbm>>) target(%dma_start3A_169 : memref<624x128xf32, #tpu.memory_space<vmem_shared>>) target_semaphore(%run_scoped3A : memref<!tpu.dma_semaphore, #tpu.memory_space<semaphore_mem>>)
      %dma_wait3A = arith.constant 0 : i32
      %dma_wait3A_172 = tpu.memref_slice %arg14[%mul3A_2, %dma_wait3A] : memref<10008x128xf32, #tpu.memory_space<vmem_shared>> -> memref<624x128xf32, #tpu.memory_space<vmem_shared>>
      %dma_wait3A_173 = arith.constant 0 : i32
      %dma_wait3A_174 = tpu.memref_slice %arg4[%mul3A_2, %dma_wait3A_173] : memref<10000x128xf32, #tpu.memory_space<hbm>> -> memref<624x128xf32, #tpu.memory_space<hbm>>
      tpu.wait_dma2 semaphore(%run_scoped3A : memref<!tpu.dma_semaphore, #tpu.memory_space<semaphore_mem>>) src(%dma_wait3A_174 : memref<624x128xf32, #tpu.memory_space<hbm>>) dst(%dma_wait3A_172 : memref<624x128xf32, #tpu.memory_space<vmem_shared>>)
      tpu.yield
    }) : () -> ()
    %eq3A = arith.constant 0 : i32
    %eq3A_5 = arith.cmpi eq, %arg1, %eq3A : i32
    %convert_element_type3A = arith.extui %eq3A_5 : i1 to i32
    %cond3A = arith.constant 0 : i32
    %cond3A_6 = arith.cmpi ne, %convert_element_type3A, %cond3A : i32
    scf.if %cond3A_6 {
      "tpu.region"() ({
        %run_scoped3A = tpu.sem_alloc : memref<!tpu.dma_semaphore, #tpu.memory_space<semaphore_mem>>
        %dma_start3A_168 = arith.constant 9984 : i32
        %dma_start3A_169 = arith.constant 0 : i32
        %dma_start3A_170 = tpu.memref_slice %arg14[%dma_start3A_168, %dma_start3A_169] : memref<10008x128xf32, #tpu.memory_space<vmem_shared>> -> memref<16x128xf32, #tpu.memory_space<vmem_shared>>
        %dma_start3A_171 = arith.constant 9984 : i32
        %dma_start3A_172 = arith.constant 0 : i32
        %dma_start3A_173 = tpu.memref_slice %arg4[%dma_start3A_171, %dma_start3A_172] : memref<10000x128xf32, #tpu.memory_space<hbm>> -> memref<16x128xf32, #tpu.memory_space<hbm>>
        tpu.enqueue_dma source(%dma_start3A_173 : memref<16x128xf32, #tpu.memory_space<hbm>>) target(%dma_start3A_170 : memref<16x128xf32, #tpu.memory_space<vmem_shared>>) target_semaphore(%run_scoped3A : memref<!tpu.dma_semaphore, #tpu.memory_space<semaphore_mem>>)
        %dma_wait3A = arith.constant 9984 : i32
        %dma_wait3A_174 = arith.constant 0 : i32
        %dma_wait3A_175 = tpu.memref_slice %arg14[%dma_wait3A, %dma_wait3A_174] : memref<10008x128xf32, #tpu.memory_space<vmem_shared>> -> memref<16x128xf32, #tpu.memory_space<vmem_shared>>
        %dma_wait3A_176 = arith.constant 9984 : i32
        %dma_wait3A_177 = arith.constant 0 : i32
        %dma_wait3A_178 = tpu.memref_slice %arg4[%dma_wait3A_176, %dma_wait3A_177] : memref<10000x128xf32, #tpu.memory_space<hbm>> -> memref<16x128xf32, #tpu.memory_space<hbm>>
        tpu.wait_dma2 semaphore(%run_scoped3A : memref<!tpu.dma_semaphore, #tpu.memory_space<semaphore_mem>>) src(%dma_wait3A_178 : memref<16x128xf32, #tpu.memory_space<hbm>>) dst(%dma_wait3A_175 : memref<16x128xf32, #tpu.memory_space<vmem_shared>>)
        tpu.yield
      }) : () -> ()
    } else {
    }
    %barrier3A = arith.constant 0 : index
    tpu.barrier barrier_id(%barrier3A)
    %get3A = arith.constant 0 : i32
    %get3A_7 = arith.index_cast %get3A : i32 to index
    %get3A_8 = arith.constant 0 : index
    %get3A_9 = tpu.vector_load %arg7[%get3A_7, %get3A_8] {strides = array<i32>} : memref<80x128xi32, #tpu.memory_space<vmem>>, vector<1x16xi32>,
    %get3A_10 = vector.shape_cast %get3A_9 : vector<1x16xi32> to vector<16xi32>
    %and3A = arith.constant 65535 : i32
    %and3A_11 = vector.broadcast %and3A : i32 to vector<16xi32>
    %and3A_12 = arith.andi %get3A_10, %and3A_11 : vector<16xi32>
    %swap3A = arith.constant 0 : index
    %swap3A_13 = tpu.vector_load %arg8[%swap3A] {strides = array<i32>} : memref<128xi32, #tpu.memory_space<vmem>>, vector<16xi32>,
    %swap3A_14 = vector.shape_cast %swap3A_13 : vector<16xi32> to vector<16xi32>
    %swap3A_15 = vector.shape_cast %and3A_12 : vector<16xi32> to vector<16xi32>
    tpu.vector_store %arg8[%swap3A], %swap3A_15 {strides = array<i32>} : memref<128xi32, #tpu.memory_space<vmem>>, vector<16xi32>,
    %shift_right_logical3A = arith.constant 16 : i32
    %shift_right_logical3A_16 = vector.broadcast %shift_right_logical3A : i32 to vector<16xi32>
    %shift_right_logical3A_17 = arith.shrui %get3A_10, %shift_right_logical3A_16 : vector<16xi32>
    %swap3A_18 = arith.constant 0 : index
    %swap3A_19 = tpu.vector_load %arg9[%swap3A_18] {strides = array<i32>} : memref<128xi32, #tpu.memory_space<vmem>>, vector<16xi32>,
    %swap3A_20 = vector.shape_cast %swap3A_19 : vector<16xi32> to vector<16xi32>
    %swap3A_21 = vector.shape_cast %shift_right_logical3A_17 : vector<16xi32> to vector<16xi32>
    tpu.vector_store %arg9[%swap3A_18], %swap3A_21 {strides = array<i32>} : memref<128xi32, #tpu.memory_space<vmem>>, vector<16xi32>,
    %get3A_22 = arith.constant 0 : i32
    %get3A_23 = arith.index_cast %get3A_22 : i32 to index
    %get3A_24 = arith.constant 16 : index
    %get3A_25 = tpu.vector_load %arg7[%get3A_23, %get3A_24] {strides = array<i32>} : memref<80x128xi32, #tpu.memory_space<vmem>>, vector<1x16xi32>,
    %get3A_26 = vector.shape_cast %get3A_25 : vector<1x16xi32> to vector<16xi32>
    %and3A_27 = arith.constant 65535 : i32
    %and3A_28 = vector.broadcast %and3A_27 : i32 to vector<16xi32>
    %and3A_29 = arith.andi %get3A_26, %and3A_28 : vector<16xi32>
    %swap3A_30 = arith.constant 16 : index
    %swap3A_31 = tpu.vector_load %arg8[%swap3A_30] {strides = array<i32>} : memref<128xi32, #tpu.memory_space<vmem>>, vector<16xi32>,
    %swap3A_32 = vector.shape_cast %swap3A_31 : vector<16xi32> to vector<16xi32>
    %swap3A_33 = vector.shape_cast %and3A_29 : vector<16xi32> to vector<16xi32>
    tpu.vector_store %arg8[%swap3A_30], %swap3A_33 {strides = array<i32>} : memref<128xi32, #tpu.memory_space<vmem>>, vector<16xi32>,
    %shift_right_logical3A_34 = arith.constant 16 : i32
    %shift_right_logical3A_35 = vector.broadcast %shift_right_logical3A_34 : i32 to vector<16xi32>
    %shift_right_logical3A_36 = arith.shrui %get3A_26, %shift_right_logical3A_35 : vector<16xi32>
    %swap3A_37 = arith.constant 16 : index
    %swap3A_38 = tpu.vector_load %arg9[%swap3A_37] {strides = array<i32>} : memref<128xi32, #tpu.memory_space<vmem>>, vector<16xi32>,
    %swap3A_39 = vector.shape_cast %swap3A_38 : vector<16xi32> to vector<16xi32>
    %swap3A_40 = vector.shape_cast %shift_right_logical3A_36 : vector<16xi32> to vector<16xi32>
    tpu.vector_store %arg9[%swap3A_37], %swap3A_40 {strides = array<i32>} : memref<128xi32, #tpu.memory_space<vmem>>, vector<16xi32>,
    %get3A_41 = arith.constant 0 : i32
    %get3A_42 = arith.index_cast %get3A_41 : i32 to index
    %get3A_43 = arith.constant 32 : index
    %get3A_44 = tpu.vector_load %arg7[%get3A_42, %get3A_43] {strides = array<i32>} : memref<80x128xi32, #tpu.memory_space<vmem>>, vector<1x16xi32>,
    %get3A_45 = vector.shape_cast %get3A_44 : vector<1x16xi32> to vector<16xi32>
    %and3A_46 = arith.constant 65535 : i32
    %and3A_47 = vector.broadcast %and3A_46 : i32 to vector<16xi32>
    %and3A_48 = arith.andi %get3A_45, %and3A_47 : vector<16xi32>
    %swap3A_49 = arith.constant 32 : index
    %swap3A_50 = tpu.vector_load %arg8[%swap3A_49] {strides = array<i32>} : memref<128xi32, #tpu.memory_space<vmem>>, vector<16xi32>,
    %swap3A_51 = vector.shape_cast %swap3A_50 : vector<16xi32> to vector<16xi32>
    %swap3A_52 = vector.shape_cast %and3A_48 : vector<16xi32> to vector<16xi32>
    tpu.vector_store %arg8[%swap3A_49], %swap3A_52 {strides = array<i32>} : memref<128xi32, #tpu.memory_space<vmem>>, vector<16xi32>,
    %shift_right_logical3A_53 = arith.constant 16 : i32
    %shift_right_logical3A_54 = vector.broadcast %shift_right_logical3A_53 : i32 to vector<16xi32>
    %shift_right_logical3A_55 = arith.shrui %get3A_45, %shift_right_logical3A_54 : vector<16xi32>
    %swap3A_56 = arith.constant 32 : index
    %swap3A_57 = tpu.vector_load %arg9[%swap3A_56] {strides = array<i32>} : memref<128xi32, #tpu.memory_space<vmem>>, vector<16xi32>,
    %swap3A_58 = vector.shape_cast %swap3A_57 : vector<16xi32> to vector<16xi32>
    %swap3A_59 = vector.shape_cast %shift_right_logical3A_55 : vector<16xi32> to vector<16xi32>
    tpu.vector_store %arg9[%swap3A_56], %swap3A_59 {strides = array<i32>} : memref<128xi32, #tpu.memory_space<vmem>>, vector<16xi32>,
    %get3A_60 = arith.constant 0 : i32
    %get3A_61 = arith.index_cast %get3A_60 : i32 to index
    %get3A_62 = arith.constant 48 : index
    %get3A_63 = tpu.vector_load %arg7[%get3A_61, %get3A_62] {strides = array<i32>} : memref<80x128xi32, #tpu.memory_space<vmem>>, vector<1x16xi32>,
    %get3A_64 = vector.shape_cast %get3A_63 : vector<1x16xi32> to vector<16xi32>
    %and3A_65 = arith.constant 65535 : i32
    %and3A_66 = vector.broadcast %and3A_65 : i32 to vector<16xi32>
    %and3A_67 = arith.andi %get3A_64, %and3A_66 : vector<16xi32>
    %swap3A_68 = arith.constant 48 : index
    %swap3A_69 = tpu.vector_load %arg8[%swap3A_68] {strides = array<i32>} : memref<128xi32, #tpu.memory_space<vmem>>, vector<16xi32>,
    %swap3A_70 = vector.shape_cast %swap3A_69 : vector<16xi32> to vector<16xi32>
    %swap3A_71 = vector.shape_cast %and3A_67 : vector<16xi32> to vector<16xi32>
    tpu.vector_store %arg8[%swap3A_68], %swap3A_71 {strides = array<i32>} : memref<128xi32, #tpu.memory_space<vmem>>, vector<16xi32>,
    %shift_right_logical3A_72 = arith.constant 16 : i32
    %shift_right_logical3A_73 = vector.broadcast %shift_right_logical3A_72 : i32 to vector<16xi32>
    %shift_right_logical3A_74 = arith.shrui %get3A_64, %shift_right_logical3A_73 : vector<16xi32>
    %swap3A_75 = arith.constant 48 : index
    %swap3A_76 = tpu.vector_load %arg9[%swap3A_75] {strides = array<i32>} : memref<128xi32, #tpu.memory_space<vmem>>, vector<16xi32>,
    %swap3A_77 = vector.shape_cast %swap3A_76 : vector<16xi32> to vector<16xi32>
    %swap3A_78 = vector.shape_cast %shift_right_logical3A_74 : vector<16xi32> to vector<16xi32>
    tpu.vector_store %arg9[%swap3A_75], %swap3A_78 {strides = array<i32>} : memref<128xi32, #tpu.memory_space<vmem>>, vector<16xi32>,
    %get3A_79 = arith.constant 0 : i32
    %get3A_80 = arith.index_cast %get3A_79 : i32 to index
    %get3A_81 = arith.constant 64 : index
    %get3A_82 = tpu.vector_load %arg7[%get3A_80, %get3A_81] {strides = array<i32>} : memref<80x128xi32, #tpu.memory_space<vmem>>, vector<1x16xi32>,
    %get3A_83 = vector.shape_cast %get3A_82 : vector<1x16xi32> to vector<16xi32>
    %and3A_84 = arith.constant 65535 : i32
    %and3A_85 = vector.broadcast %and3A_84 : i32 to vector<16xi32>
    %and3A_86 = arith.andi %get3A_83, %and3A_85 : vector<16xi32>
    %swap3A_87 = arith.constant 64 : index
    %swap3A_88 = tpu.vector_load %arg8[%swap3A_87] {strides = array<i32>} : memref<128xi32, #tpu.memory_space<vmem>>, vector<16xi32>,
    %swap3A_89 = vector.shape_cast %swap3A_88 : vector<16xi32> to vector<16xi32>
    %swap3A_90 = vector.shape_cast %and3A_86 : vector<16xi32> to vector<16xi32>
    tpu.vector_store %arg8[%swap3A_87], %swap3A_90 {strides = array<i32>} : memref<128xi32, #tpu.memory_space<vmem>>, vector<16xi32>,
    %shift_right_logical3A_91 = arith.constant 16 : i32
    %shift_right_logical3A_92 = vector.broadcast %shift_right_logical3A_91 : i32 to vector<16xi32>
    %shift_right_logical3A_93 = arith.shrui %get3A_83, %shift_right_logical3A_92 : vector<16xi32>
    %swap3A_94 = arith.constant 64 : index
    %swap3A_95 = tpu.vector_load %arg9[%swap3A_94] {strides = array<i32>} : memref<128xi32, #tpu.memory_space<vmem>>, vector<16xi32>,
    %swap3A_96 = vector.shape_cast %swap3A_95 : vector<16xi32> to vector<16xi32>
    %swap3A_97 = vector.shape_cast %shift_right_logical3A_93 : vector<16xi32> to vector<16xi32>
    tpu.vector_store %arg9[%swap3A_94], %swap3A_97 {strides = array<i32>} : memref<128xi32, #tpu.memory_space<vmem>>, vector<16xi32>,
    %get3A_98 = arith.constant 0 : i32
    %get3A_99 = arith.index_cast %get3A_98 : i32 to index
    %get3A_100 = arith.constant 80 : index
    %get3A_101 = tpu.vector_load %arg7[%get3A_99, %get3A_100] {strides = array<i32>} : memref<80x128xi32, #tpu.memory_space<vmem>>, vector<1x16xi32>,
    %get3A_102 = vector.shape_cast %get3A_101 : vector<1x16xi32> to vector<16xi32>
    %and3A_103 = arith.constant 65535 : i32
    %and3A_104 = vector.broadcast %and3A_103 : i32 to vector<16xi32>
    %and3A_105 = arith.andi %get3A_102, %and3A_104 : vector<16xi32>
    %swap3A_106 = arith.constant 80 : index
    %swap3A_107 = tpu.vector_load %arg8[%swap3A_106] {strides = array<i32>} : memref<128xi32, #tpu.memory_space<vmem>>, vector<16xi32>,
    %swap3A_108 = vector.shape_cast %swap3A_107 : vector<16xi32> to vector<16xi32>
    %swap3A_109 = vector.shape_cast %and3A_105 : vector<16xi32> to vector<16xi32>
    tpu.vector_store %arg8[%swap3A_106], %swap3A_109 {strides = array<i32>} : memref<128xi32, #tpu.memory_space<vmem>>, vector<16xi32>,
    %shift_right_logical3A_110 = arith.constant 16 : i32
    %shift_right_logical3A_111 = vector.broadcast %shift_right_logical3A_110 : i32 to vector<16xi32>
    %shift_right_logical3A_112 = arith.shrui %get3A_102, %shift_right_logical3A_111 : vector<16xi32>
    %swap3A_113 = arith.constant 80 : index
    %swap3A_114 = tpu.vector_load %arg9[%swap3A_113] {strides = array<i32>} : memref<128xi32, #tpu.memory_space<vmem>>, vector<16xi32>,
    %swap3A_115 = vector.shape_cast %swap3A_114 : vector<16xi32> to vector<16xi32>
    %swap3A_116 = vector.shape_cast %shift_right_logical3A_112 : vector<16xi32> to vector<16xi32>
    tpu.vector_store %arg9[%swap3A_113], %swap3A_116 {strides = array<i32>} : memref<128xi32, #tpu.memory_space<vmem>>, vector<16xi32>,
    %get3A_117 = arith.constant 0 : i32
    %get3A_118 = arith.index_cast %get3A_117 : i32 to index
    %get3A_119 = arith.constant 96 : index
    %get3A_120 = tpu.vector_load %arg7[%get3A_118, %get3A_119] {strides = array<i32>} : memref<80x128xi32, #tpu.memory_space<vmem>>, vector<1x16xi32>,
    %get3A_121 = vector.shape_cast %get3A_120 : vector<1x16xi32> to vector<16xi32>
    %and3A_122 = arith.constant 65535 : i32
    %and3A_123 = vector.broadcast %and3A_122 : i32 to vector<16xi32>
    %and3A_124 = arith.andi %get3A_121, %and3A_123 : vector<16xi32>
    %swap3A_125 = arith.constant 96 : index
    %swap3A_126 = tpu.vector_load %arg8[%swap3A_125] {strides = array<i32>} : memref<128xi32, #tpu.memory_space<vmem>>, vector<16xi32>,
    %swap3A_127 = vector.shape_cast %swap3A_126 : vector<16xi32> to vector<16xi32>
    %swap3A_128 = vector.shape_cast %and3A_124 : vector<16xi32> to vector<16xi32>
    tpu.vector_store %arg8[%swap3A_125], %swap3A_128 {strides = array<i32>} : memref<128xi32, #tpu.memory_space<vmem>>, vector<16xi32>,
    %shift_right_logical3A_129 = arith.constant 16 : i32
    %shift_right_logical3A_130 = vector.broadcast %shift_right_logical3A_129 : i32 to vector<16xi32>
    %shift_right_logical3A_131 = arith.shrui %get3A_121, %shift_right_logical3A_130 : vector<16xi32>
    %swap3A_132 = arith.constant 96 : index
    %swap3A_133 = tpu.vector_load %arg9[%swap3A_132] {strides = array<i32>} : memref<128xi32, #tpu.memory_space<vmem>>, vector<16xi32>,
    %swap3A_134 = vector.shape_cast %swap3A_133 : vector<16xi32> to vector<16xi32>
    %swap3A_135 = vector.shape_cast %shift_right_logical3A_131 : vector<16xi32> to vector<16xi32>
    tpu.vector_store %arg9[%swap3A_132], %swap3A_135 {strides = array<i32>} : memref<128xi32, #tpu.memory_space<vmem>>, vector<16xi32>,
    %get3A_136 = arith.constant 0 : i32
    %get3A_137 = arith.index_cast %get3A_136 : i32 to index
    %get3A_138 = arith.constant 112 : index
    %get3A_139 = tpu.vector_load %arg7[%get3A_137, %get3A_138] {strides = array<i32>} : memref<80x128xi32, #tpu.memory_space<vmem>>, vector<1x16xi32>,
    %get3A_140 = vector.shape_cast %get3A_139 : vector<1x16xi32> to vector<16xi32>
    %and3A_141 = arith.constant 65535 : i32
    %and3A_142 = vector.broadcast %and3A_141 : i32 to vector<16xi32>
    %and3A_143 = arith.andi %get3A_140, %and3A_142 : vector<16xi32>
    %swap3A_144 = arith.constant 112 : index
    %swap3A_145 = tpu.vector_load %arg8[%swap3A_144] {strides = array<i32>} : memref<128xi32, #tpu.memory_space<vmem>>, vector<16xi32>,
    %swap3A_146 = vector.shape_cast %swap3A_145 : vector<16xi32> to vector<16xi32>
    %swap3A_147 = vector.shape_cast %and3A_143 : vector<16xi32> to vector<16xi32>
    tpu.vector_store %arg8[%swap3A_144], %swap3A_147 {strides = array<i32>} : memref<128xi32, #tpu.memory_space<vmem>>, vector<16xi32>,
    %shift_right_logical3A_148 = arith.constant 16 : i32
    %shift_right_logical3A_149 = vector.broadcast %shift_right_logical3A_148 : i32 to vector<16xi32>
    %shift_right_logical3A_150 = arith.shrui %get3A_140, %shift_right_logical3A_149 : vector<16xi32>
    %swap3A_151 = arith.constant 112 : index
    %swap3A_152 = tpu.vector_load %arg9[%swap3A_151] {strides = array<i32>} : memref<128xi32, #tpu.memory_space<vmem>>, vector<16xi32>,
    %swap3A_153 = vector.shape_cast %swap3A_152 : vector<16xi32> to vector<16xi32>
    %swap3A_154 = vector.shape_cast %shift_right_logical3A_150 : vector<16xi32> to vector<16xi32>
    tpu.vector_store %arg9[%swap3A_151], %swap3A_154 {strides = array<i32>} : memref<128xi32, #tpu.memory_space<vmem>>, vector<16xi32>,
    %dma_start3A = arith.constant 0 : i32
    %dma_start3A_155 = arith.constant 0 : i32
    %dma_start3A_156 = tpu.memref_slice %arg2[%dma_start3A, %dma_start3A_155] : memref<10000x128xf32, #tpu.memory_space<hbm>> -> memref<10000x128xf32, #tpu.memory_space<hbm>>
    tpu.enqueue_indirect_dma source(%dma_start3A_156 : memref<10000x128xf32, #tpu.memory_space<hbm>>) target(%arg12 : memref<128x128xf32, #tpu.memory_space<vmem>>) offsets(%arg8 : memref<128xi32, #tpu.memory_space<vmem>>) semaphore(%arg15 : memref<!tpu.dma_semaphore, #tpu.memory_space<semaphore_mem>>)
    %scan3A = arith.constant 0 : i32
    %scan3A_157 = arith.constant 0 : i32
    %scan3A_158 = arith.constant 40 : i32
    %scan3A_159 = arith.addi %scan3A_157, %scan3A_158 : i32
    %scan3A_160 = arith.constant 1 : i32
    scf.for %scan3A_168 = %scan3A_157 to %scan3A_159 step %scan3A_160  : i32 {
      %mul3A_169 = arith.constant 2 : i32
      %mul3A_170 = arith.muli %mul3A_169, %scan3A_168 : i32
      %add3A_171 = arith.constant 1 : i32
      %add3A_172 = arith.addi %mul3A_170, %add3A_171 : i32
      %get3A_173 = arith.index_cast %add3A_172 : i32 to index
      %get3A_174 = arith.constant 0 : index
      %get3A_175 = tpu.vector_load %arg7[%get3A_173, %get3A_174] {strides = array<i32>} : memref<80x128xi32, #tpu.memory_space<vmem>>, vector<1x16xi32>,
      %get3A_176 = vector.shape_cast %get3A_175 : vector<1x16xi32> to vector<16xi32>
      %and3A_177 = arith.constant 65535 : i32
      %and3A_178 = vector.broadcast %and3A_177 : i32 to vector<16xi32>
      %and3A_179 = arith.andi %get3A_176, %and3A_178 : vector<16xi32>
      %swap3A_180 = arith.constant 0 : index
      %swap3A_181 = tpu.vector_load %arg10[%swap3A_180] {strides = array<i32>} : memref<128xi32, #tpu.memory_space<vmem>>, vector<16xi32>,
      %swap3A_182 = vector.shape_cast %swap3A_181 : vector<16xi32> to vector<16xi32>
      %swap3A_183 = vector.shape_cast %and3A_179 : vector<16xi32> to vector<16xi32>
      tpu.vector_store %arg10[%swap3A_180], %swap3A_183 {strides = array<i32>} : memref<128xi32, #tpu.memory_space<vmem>>, vector<16xi32>,
      %shift_right_logical3A_184 = arith.constant 16 : i32
      %shift_right_logical3A_185 = vector.broadcast %shift_right_logical3A_184 : i32 to vector<16xi32>
      %shift_right_logical3A_186 = arith.shrui %get3A_176, %shift_right_logical3A_185 : vector<16xi32>
      %swap3A_187 = arith.constant 0 : index
      %swap3A_188 = tpu.vector_load %arg11[%swap3A_187] {strides = array<i32>} : memref<128xi32, #tpu.memory_space<vmem>>, vector<16xi32>,
      %swap3A_189 = vector.shape_cast %swap3A_188 : vector<16xi32> to vector<16xi32>
      %swap3A_190 = vector.shape_cast %shift_right_logical3A_186 : vector<16xi32> to vector<16xi32>
      tpu.vector_store %arg11[%swap3A_187], %swap3A_190 {strides = array<i32>} : memref<128xi32, #tpu.memory_space<vmem>>, vector<16xi32>,
      %get3A_191 = arith.index_cast %add3A_172 : i32 to index
      %get3A_192 = arith.constant 16 : index
      %get3A_193 = tpu.vector_load %arg7[%get3A_191, %get3A_192] {strides = array<i32>} : memref<80x128xi32, #tpu.memory_space<vmem>>, vector<1x16xi32>,
      %get3A_194 = vector.shape_cast %get3A_193 : vector<1x16xi32> to vector<16xi32>
      %and3A_195 = arith.constant 65535 : i32
      %and3A_196 = vector.broadcast %and3A_195 : i32 to vector<16xi32>
      %and3A_197 = arith.andi %get3A_194, %and3A_196 : vector<16xi32>
      %swap3A_198 = arith.constant 16 : index
      %swap3A_199 = tpu.vector_load %arg10[%swap3A_198] {strides = array<i32>} : memref<128xi32, #tpu.memory_space<vmem>>, vector<16xi32>,
      %swap3A_200 = vector.shape_cast %swap3A_199 : vector<16xi32> to vector<16xi32>
      %swap3A_201 = vector.shape_cast %and3A_197 : vector<16xi32> to vector<16xi32>
      tpu.vector_store %arg10[%swap3A_198], %swap3A_201 {strides = array<i32>} : memref<128xi32, #tpu.memory_space<vmem>>, vector<16xi32>,
      %shift_right_logical3A_202 = arith.constant 16 : i32
      %shift_right_logical3A_203 = vector.broadcast %shift_right_logical3A_202 : i32 to vector<16xi32>
      %shift_right_logical3A_204 = arith.shrui %get3A_194, %shift_right_logical3A_203 : vector<16xi32>
      %swap3A_205 = arith.constant 16 : index
      %swap3A_206 = tpu.vector_load %arg11[%swap3A_205] {strides = array<i32>} : memref<128xi32, #tpu.memory_space<vmem>>, vector<16xi32>,
      %swap3A_207 = vector.shape_cast %swap3A_206 : vector<16xi32> to vector<16xi32>
      %swap3A_208 = vector.shape_cast %shift_right_logical3A_204 : vector<16xi32> to vector<16xi32>
      tpu.vector_store %arg11[%swap3A_205], %swap3A_208 {strides = array<i32>} : memref<128xi32, #tpu.memory_space<vmem>>, vector<16xi32>,
      %get3A_209 = arith.index_cast %add3A_172 : i32 to index
      %get3A_210 = arith.constant 32 : index
      %get3A_211 = tpu.vector_load %arg7[%get3A_209, %get3A_210] {strides = array<i32>} : memref<80x128xi32, #tpu.memory_space<vmem>>, vector<1x16xi32>,
      %get3A_212 = vector.shape_cast %get3A_211 : vector<1x16xi32> to vector<16xi32>
      %and3A_213 = arith.constant 65535 : i32
      %and3A_214 = vector.broadcast %and3A_213 : i32 to vector<16xi32>
      %and3A_215 = arith.andi %get3A_212, %and3A_214 : vector<16xi32>
      %swap3A_216 = arith.constant 32 : index
      %swap3A_217 = tpu.vector_load %arg10[%swap3A_216] {strides = array<i32>} : memref<128xi32, #tpu.memory_space<vmem>>, vector<16xi32>,
      %swap3A_218 = vector.shape_cast %swap3A_217 : vector<16xi32> to vector<16xi32>
      %swap3A_219 = vector.shape_cast %and3A_215 : vector<16xi32> to vector<16xi32>
      tpu.vector_store %arg10[%swap3A_216], %swap3A_219 {strides = array<i32>} : memref<128xi32, #tpu.memory_space<vmem>>, vector<16xi32>,
      %shift_right_logical3A_220 = arith.constant 16 : i32
      %shift_right_logical3A_221 = vector.broadcast %shift_right_logical3A_220 : i32 to vector<16xi32>
      %shift_right_logical3A_222 = arith.shrui %get3A_212, %shift_right_logical3A_221 : vector<16xi32>
      %swap3A_223 = arith.constant 32 : index
      %swap3A_224 = tpu.vector_load %arg11[%swap3A_223] {strides = array<i32>} : memref<128xi32, #tpu.memory_space<vmem>>, vector<16xi32>,
      %swap3A_225 = vector.shape_cast %swap3A_224 : vector<16xi32> to vector<16xi32>
      %swap3A_226 = vector.shape_cast %shift_right_logical3A_222 : vector<16xi32> to vector<16xi32>
      tpu.vector_store %arg11[%swap3A_223], %swap3A_226 {strides = array<i32>} : memref<128xi32, #tpu.memory_space<vmem>>, vector<16xi32>,
      %get3A_227 = arith.index_cast %add3A_172 : i32 to index
      %get3A_228 = arith.constant 48 : index
      %get3A_229 = tpu.vector_load %arg7[%get3A_227, %get3A_228] {strides = array<i32>} : memref<80x128xi32, #tpu.memory_space<vmem>>, vector<1x16xi32>,
      %get3A_230 = vector.shape_cast %get3A_229 : vector<1x16xi32> to vector<16xi32>
      %and3A_231 = arith.constant 65535 : i32
      %and3A_232 = vector.broadcast %and3A_231 : i32 to vector<16xi32>
      %and3A_233 = arith.andi %get3A_230, %and3A_232 : vector<16xi32>
      %swap3A_234 = arith.constant 48 : index
      %swap3A_235 = tpu.vector_load %arg10[%swap3A_234] {strides = array<i32>} : memref<128xi32, #tpu.memory_space<vmem>>, vector<16xi32>,
      %swap3A_236 = vector.shape_cast %swap3A_235 : vector<16xi32> to vector<16xi32>
      %swap3A_237 = vector.shape_cast %and3A_233 : vector<16xi32> to vector<16xi32>
      tpu.vector_store %arg10[%swap3A_234], %swap3A_237 {strides = array<i32>} : memref<128xi32, #tpu.memory_space<vmem>>, vector<16xi32>,
      %shift_right_logical3A_238 = arith.constant 16 : i32
      %shift_right_logical3A_239 = vector.broadcast %shift_right_logical3A_238 : i32 to vector<16xi32>
      %shift_right_logical3A_240 = arith.shrui %get3A_230, %shift_right_logical3A_239 : vector<16xi32>
      %swap3A_241 = arith.constant 48 : index
      %swap3A_242 = tpu.vector_load %arg11[%swap3A_241] {strides = array<i32>} : memref<128xi32, #tpu.memory_space<vmem>>, vector<16xi32>,
      %swap3A_243 = vector.shape_cast %swap3A_242 : vector<16xi32> to vector<16xi32>
      %swap3A_244 = vector.shape_cast %shift_right_logical3A_240 : vector<16xi32> to vector<16xi32>
      tpu.vector_store %arg11[%swap3A_241], %swap3A_244 {strides = array<i32>} : memref<128xi32, #tpu.memory_space<vmem>>, vector<16xi32>,
      %get3A_245 = arith.index_cast %add3A_172 : i32 to index
      %get3A_246 = arith.constant 64 : index
      %get3A_247 = tpu.vector_load %arg7[%get3A_245, %get3A_246] {strides = array<i32>} : memref<80x128xi32, #tpu.memory_space<vmem>>, vector<1x16xi32>,
      %get3A_248 = vector.shape_cast %get3A_247 : vector<1x16xi32> to vector<16xi32>
      %and3A_249 = arith.constant 65535 : i32
      %and3A_250 = vector.broadcast %and3A_249 : i32 to vector<16xi32>
      %and3A_251 = arith.andi %get3A_248, %and3A_250 : vector<16xi32>
      %swap3A_252 = arith.constant 64 : index
      %swap3A_253 = tpu.vector_load %arg10[%swap3A_252] {strides = array<i32>} : memref<128xi32, #tpu.memory_space<vmem>>, vector<16xi32>,
      %swap3A_254 = vector.shape_cast %swap3A_253 : vector<16xi32> to vector<16xi32>
      %swap3A_255 = vector.shape_cast %and3A_251 : vector<16xi32> to vector<16xi32>
      tpu.vector_store %arg10[%swap3A_252], %swap3A_255 {strides = array<i32>} : memref<128xi32, #tpu.memory_space<vmem>>, vector<16xi32>,
      %shift_right_logical3A_256 = arith.constant 16 : i32
      %shift_right_logical3A_257 = vector.broadcast %shift_right_logical3A_256 : i32 to vector<16xi32>
      %shift_right_logical3A_258 = arith.shrui %get3A_248, %shift_right_logical3A_257 : vector<16xi32>
      %swap3A_259 = arith.constant 64 : index
      %swap3A_260 = tpu.vector_load %arg11[%swap3A_259] {strides = array<i32>} : memref<128xi32, #tpu.memory_space<vmem>>, vector<16xi32>,
      %swap3A_261 = vector.shape_cast %swap3A_260 : vector<16xi32> to vector<16xi32>
      %swap3A_262 = vector.shape_cast %shift_right_logical3A_258 : vector<16xi32> to vector<16xi32>
      tpu.vector_store %arg11[%swap3A_259], %swap3A_262 {strides = array<i32>} : memref<128xi32, #tpu.memory_space<vmem>>, vector<16xi32>,
      %get3A_263 = arith.index_cast %add3A_172 : i32 to index
      %get3A_264 = arith.constant 80 : index
      %get3A_265 = tpu.vector_load %arg7[%get3A_263, %get3A_264] {strides = array<i32>} : memref<80x128xi32, #tpu.memory_space<vmem>>, vector<1x16xi32>,
      %get3A_266 = vector.shape_cast %get3A_265 : vector<1x16xi32> to vector<16xi32>
      %and3A_267 = arith.constant 65535 : i32
      %and3A_268 = vector.broadcast %and3A_267 : i32 to vector<16xi32>
      %and3A_269 = arith.andi %get3A_266, %and3A_268 : vector<16xi32>
      %swap3A_270 = arith.constant 80 : index
      %swap3A_271 = tpu.vector_load %arg10[%swap3A_270] {strides = array<i32>} : memref<128xi32, #tpu.memory_space<vmem>>, vector<16xi32>,
      %swap3A_272 = vector.shape_cast %swap3A_271 : vector<16xi32> to vector<16xi32>
      %swap3A_273 = vector.shape_cast %and3A_269 : vector<16xi32> to vector<16xi32>
      tpu.vector_store %arg10[%swap3A_270], %swap3A_273 {strides = array<i32>} : memref<128xi32, #tpu.memory_space<vmem>>, vector<16xi32>,
      %shift_right_logical3A_274 = arith.constant 16 : i32
      %shift_right_logical3A_275 = vector.broadcast %shift_right_logical3A_274 : i32 to vector<16xi32>
      %shift_right_logical3A_276 = arith.shrui %get3A_266, %shift_right_logical3A_275 : vector<16xi32>
      %swap3A_277 = arith.constant 80 : index
      %swap3A_278 = tpu.vector_load %arg11[%swap3A_277] {strides = array<i32>} : memref<128xi32, #tpu.memory_space<vmem>>, vector<16xi32>,
      %swap3A_279 = vector.shape_cast %swap3A_278 : vector<16xi32> to vector<16xi32>
      %swap3A_280 = vector.shape_cast %shift_right_logical3A_276 : vector<16xi32> to vector<16xi32>
      tpu.vector_store %arg11[%swap3A_277], %swap3A_280 {strides = array<i32>} : memref<128xi32, #tpu.memory_space<vmem>>, vector<16xi32>,
      %get3A_281 = arith.index_cast %add3A_172 : i32 to index
      %get3A_282 = arith.constant 96 : index
      %get3A_283 = tpu.vector_load %arg7[%get3A_281, %get3A_282] {strides = array<i32>} : memref<80x128xi32, #tpu.memory_space<vmem>>, vector<1x16xi32>,
      %get3A_284 = vector.shape_cast %get3A_283 : vector<1x16xi32> to vector<16xi32>
      %and3A_285 = arith.constant 65535 : i32
      %and3A_286 = vector.broadcast %and3A_285 : i32 to vector<16xi32>
      %and3A_287 = arith.andi %get3A_284, %and3A_286 : vector<16xi32>
      %swap3A_288 = arith.constant 96 : index
      %swap3A_289 = tpu.vector_load %arg10[%swap3A_288] {strides = array<i32>} : memref<128xi32, #tpu.memory_space<vmem>>, vector<16xi32>,
      %swap3A_290 = vector.shape_cast %swap3A_289 : vector<16xi32> to vector<16xi32>
      %swap3A_291 = vector.shape_cast %and3A_287 : vector<16xi32> to vector<16xi32>
      tpu.vector_store %arg10[%swap3A_288], %swap3A_291 {strides = array<i32>} : memref<128xi32, #tpu.memory_space<vmem>>, vector<16xi32>,
      %shift_right_logical3A_292 = arith.constant 16 : i32
      %shift_right_logical3A_293 = vector.broadcast %shift_right_logical3A_292 : i32 to vector<16xi32>
      %shift_right_logical3A_294 = arith.shrui %get3A_284, %shift_right_logical3A_293 : vector<16xi32>
      %swap3A_295 = arith.constant 96 : index
      %swap3A_296 = tpu.vector_load %arg11[%swap3A_295] {strides = array<i32>} : memref<128xi32, #tpu.memory_space<vmem>>, vector<16xi32>,
      %swap3A_297 = vector.shape_cast %swap3A_296 : vector<16xi32> to vector<16xi32>
      %swap3A_298 = vector.shape_cast %shift_right_logical3A_294 : vector<16xi32> to vector<16xi32>
      tpu.vector_store %arg11[%swap3A_295], %swap3A_298 {strides = array<i32>} : memref<128xi32, #tpu.memory_space<vmem>>, vector<16xi32>,
      %get3A_299 = arith.index_cast %add3A_172 : i32 to index
      %get3A_300 = arith.constant 112 : index
      %get3A_301 = tpu.vector_load %arg7[%get3A_299, %get3A_300] {strides = array<i32>} : memref<80x128xi32, #tpu.memory_space<vmem>>, vector<1x16xi32>,
      %get3A_302 = vector.shape_cast %get3A_301 : vector<1x16xi32> to vector<16xi32>
      %and3A_303 = arith.constant 65535 : i32
      %and3A_304 = vector.broadcast %and3A_303 : i32 to vector<16xi32>
      %and3A_305 = arith.andi %get3A_302, %and3A_304 : vector<16xi32>
      %swap3A_306 = arith.constant 112 : index
      %swap3A_307 = tpu.vector_load %arg10[%swap3A_306] {strides = array<i32>} : memref<128xi32, #tpu.memory_space<vmem>>, vector<16xi32>,
      %swap3A_308 = vector.shape_cast %swap3A_307 : vector<16xi32> to vector<16xi32>
      %swap3A_309 = vector.shape_cast %and3A_305 : vector<16xi32> to vector<16xi32>
      tpu.vector_store %arg10[%swap3A_306], %swap3A_309 {strides = array<i32>} : memref<128xi32, #tpu.memory_space<vmem>>, vector<16xi32>,
      %shift_right_logical3A_310 = arith.constant 16 : i32
      %shift_right_logical3A_311 = vector.broadcast %shift_right_logical3A_310 : i32 to vector<16xi32>
      %shift_right_logical3A_312 = arith.shrui %get3A_302, %shift_right_logical3A_311 : vector<16xi32>
      %swap3A_313 = arith.constant 112 : index
      %swap3A_314 = tpu.vector_load %arg11[%swap3A_313] {strides = array<i32>} : memref<128xi32, #tpu.memory_space<vmem>>, vector<16xi32>,
      %swap3A_315 = vector.shape_cast %swap3A_314 : vector<16xi32> to vector<16xi32>
      %swap3A_316 = vector.shape_cast %shift_right_logical3A_312 : vector<16xi32> to vector<16xi32>
      tpu.vector_store %arg11[%swap3A_313], %swap3A_316 {strides = array<i32>} : memref<128xi32, #tpu.memory_space<vmem>>, vector<16xi32>,
      %dma_wait3A = arith.constant 0 : i32
      %dma_wait3A_317 = arith.constant 0 : i32
      %dma_wait3A_318 = tpu.memref_slice %arg2[%dma_wait3A, %dma_wait3A_317] : memref<10000x128xf32, #tpu.memory_space<hbm>> -> memref<10000x128xf32, #tpu.memory_space<hbm>>
      tpu.wait_indirect_dma semaphore(%arg15 : memref<!tpu.dma_semaphore, #tpu.memory_space<semaphore_mem>>) src(%dma_wait3A_318 : memref<10000x128xf32, #tpu.memory_space<hbm>>) dst(%arg12 : memref<128x128xf32, #tpu.memory_space<vmem>>)
      %dma_start3A_319 = arith.constant 0 : i32
      %dma_start3A_320 = arith.constant 0 : i32
      %dma_start3A_321 = tpu.memref_slice %arg2[%dma_start3A_319, %dma_start3A_320] : memref<10000x128xf32, #tpu.memory_space<hbm>> -> memref<10000x128xf32, #tpu.memory_space<hbm>>
      tpu.enqueue_indirect_dma source(%dma_start3A_321 : memref<10000x128xf32, #tpu.memory_space<hbm>>) target(%arg13 : memref<128x128xf32, #tpu.memory_space<vmem>>) offsets(%arg10 : memref<128xi32, #tpu.memory_space<vmem>>) semaphore(%arg16 : memref<!tpu.dma_semaphore, #tpu.memory_space<semaphore_mem>>)
      "tpu.region"() ({
        %run_scoped3A = tpu.sem_alloc : memref<!tpu.dma_semaphore, #tpu.memory_space<semaphore_mem>>
        %dma_start3A_329 = arith.constant 0 : i32
        %dma_start3A_330 = arith.constant 0 : i32
        %dma_start3A_331 = tpu.memref_slice %arg14[%dma_start3A_329, %dma_start3A_330] : memref<10008x128xf32, #tpu.memory_space<vmem_shared>> -> memref<10008x128xf32, #tpu.memory_space<vmem_shared>>
        tpu.enqueue_indirect_dma source(%arg12 : memref<128x128xf32, #tpu.memory_space<vmem>>) target(%dma_start3A_331 : memref<10008x128xf32, #tpu.memory_space<vmem_shared>>) offsets(%arg9 : memref<128xi32, #tpu.memory_space<vmem>>) semaphore(%run_scoped3A : memref<!tpu.dma_semaphore, #tpu.memory_space<semaphore_mem>>) {add = true}
        %dma_wait3A_332 = arith.constant 0 : i32
        %dma_wait3A_333 = arith.constant 0 : i32
        %dma_wait3A_334 = tpu.memref_slice %arg14[%dma_wait3A_332, %dma_wait3A_333] : memref<10008x128xf32, #tpu.memory_space<vmem_shared>> -> memref<10008x128xf32, #tpu.memory_space<vmem_shared>>
        tpu.wait_indirect_dma semaphore(%run_scoped3A : memref<!tpu.dma_semaphore, #tpu.memory_space<semaphore_mem>>) src(%arg12 : memref<128x128xf32, #tpu.memory_space<vmem>>) dst(%dma_wait3A_334 : memref<10008x128xf32, #tpu.memory_space<vmem_shared>>)
        tpu.yield
      }) : () -> ()
      %lt3A = arith.constant 39 : i32
      %lt3A_322 = arith.cmpi slt, %scan3A_168, %lt3A : i32
      %convert_element_type3A_323 = arith.extui %lt3A_322 : i1 to i32
      %cond3A_324 = arith.constant 0 : i32
      %cond3A_325 = arith.cmpi ne, %convert_element_type3A_323, %cond3A_324 : i32
      scf.if %cond3A_325 {
        %add3A_329 = arith.constant 2 : i32
        %add3A_330 = arith.addi %mul3A_170, %add3A_329 : i32
        %get3A_331 = arith.index_cast %add3A_330 : i32 to index
        %get3A_332 = arith.constant 0 : index
        %get3A_333 = tpu.vector_load %arg7[%get3A_331, %get3A_332] {strides = array<i32>} : memref<80x128xi32, #tpu.memory_space<vmem>>, vector<1x16xi32>,
        %get3A_334 = vector.shape_cast %get3A_333 : vector<1x16xi32> to vector<16xi32>
        %and3A_335 = arith.constant 65535 : i32
        %and3A_336 = vector.broadcast %and3A_335 : i32 to vector<16xi32>
        %and3A_337 = arith.andi %get3A_334, %and3A_336 : vector<16xi32>
        %swap3A_338 = arith.constant 0 : index
        %swap3A_339 = tpu.vector_load %arg8[%swap3A_338] {strides = array<i32>} : memref<128xi32, #tpu.memory_space<vmem>>, vector<16xi32>,
        %swap3A_340 = vector.shape_cast %swap3A_339 : vector<16xi32> to vector<16xi32>
        %swap3A_341 = vector.shape_cast %and3A_337 : vector<16xi32> to vector<16xi32>
        tpu.vector_store %arg8[%swap3A_338], %swap3A_341 {strides = array<i32>} : memref<128xi32, #tpu.memory_space<vmem>>, vector<16xi32>,
        %shift_right_logical3A_342 = arith.constant 16 : i32
        %shift_right_logical3A_343 = vector.broadcast %shift_right_logical3A_342 : i32 to vector<16xi32>
        %shift_right_logical3A_344 = arith.shrui %get3A_334, %shift_right_logical3A_343 : vector<16xi32>
        %swap3A_345 = arith.constant 0 : index
        %swap3A_346 = tpu.vector_load %arg9[%swap3A_345] {strides = array<i32>} : memref<128xi32, #tpu.memory_space<vmem>>, vector<16xi32>,
        %swap3A_347 = vector.shape_cast %swap3A_346 : vector<16xi32> to vector<16xi32>
        %swap3A_348 = vector.shape_cast %shift_right_logical3A_344 : vector<16xi32> to vector<16xi32>
        tpu.vector_store %arg9[%swap3A_345], %swap3A_348 {strides = array<i32>} : memref<128xi32, #tpu.memory_space<vmem>>, vector<16xi32>,
        %get3A_349 = arith.index_cast %add3A_330 : i32 to index
        %get3A_350 = arith.constant 16 : index
        %get3A_351 = tpu.vector_load %arg7[%get3A_349, %get3A_350] {strides = array<i32>} : memref<80x128xi32, #tpu.memory_space<vmem>>, vector<1x16xi32>,
        %get3A_352 = vector.shape_cast %get3A_351 : vector<1x16xi32> to vector<16xi32>
        %and3A_353 = arith.constant 65535 : i32
        %and3A_354 = vector.broadcast %and3A_353 : i32 to vector<16xi32>
        %and3A_355 = arith.andi %get3A_352, %and3A_354 : vector<16xi32>
        %swap3A_356 = arith.constant 16 : index
        %swap3A_357 = tpu.vector_load %arg8[%swap3A_356] {strides = array<i32>} : memref<128xi32, #tpu.memory_space<vmem>>, vector<16xi32>,
        %swap3A_358 = vector.shape_cast %swap3A_357 : vector<16xi32> to vector<16xi32>
        %swap3A_359 = vector.shape_cast %and3A_355 : vector<16xi32> to vector<16xi32>
        tpu.vector_store %arg8[%swap3A_356], %swap3A_359 {strides = array<i32>} : memref<128xi32, #tpu.memory_space<vmem>>, vector<16xi32>,
        %shift_right_logical3A_360 = arith.constant 16 : i32
        %shift_right_logical3A_361 = vector.broadcast %shift_right_logical3A_360 : i32 to vector<16xi32>
        %shift_right_logical3A_362 = arith.shrui %get3A_352, %shift_right_logical3A_361 : vector<16xi32>
        %swap3A_363 = arith.constant 16 : index
        %swap3A_364 = tpu.vector_load %arg9[%swap3A_363] {strides = array<i32>} : memref<128xi32, #tpu.memory_space<vmem>>, vector<16xi32>,
        %swap3A_365 = vector.shape_cast %swap3A_364 : vector<16xi32> to vector<16xi32>
        %swap3A_366 = vector.shape_cast %shift_right_logical3A_362 : vector<16xi32> to vector<16xi32>
        tpu.vector_store %arg9[%swap3A_363], %swap3A_366 {strides = array<i32>} : memref<128xi32, #tpu.memory_space<vmem>>, vector<16xi32>,
        %get3A_367 = arith.index_cast %add3A_330 : i32 to index
        %get3A_368 = arith.constant 32 : index
        %get3A_369 = tpu.vector_load %arg7[%get3A_367, %get3A_368] {strides = array<i32>} : memref<80x128xi32, #tpu.memory_space<vmem>>, vector<1x16xi32>,
        %get3A_370 = vector.shape_cast %get3A_369 : vector<1x16xi32> to vector<16xi32>
        %and3A_371 = arith.constant 65535 : i32
        %and3A_372 = vector.broadcast %and3A_371 : i32 to vector<16xi32>
        %and3A_373 = arith.andi %get3A_370, %and3A_372 : vector<16xi32>
        %swap3A_374 = arith.constant 32 : index
        %swap3A_375 = tpu.vector_load %arg8[%swap3A_374] {strides = array<i32>} : memref<128xi32, #tpu.memory_space<vmem>>, vector<16xi32>,
        %swap3A_376 = vector.shape_cast %swap3A_375 : vector<16xi32> to vector<16xi32>
        %swap3A_377 = vector.shape_cast %and3A_373 : vector<16xi32> to vector<16xi32>
        tpu.vector_store %arg8[%swap3A_374], %swap3A_377 {strides = array<i32>} : memref<128xi32, #tpu.memory_space<vmem>>, vector<16xi32>,
        %shift_right_logical3A_378 = arith.constant 16 : i32
        %shift_right_logical3A_379 = vector.broadcast %shift_right_logical3A_378 : i32 to vector<16xi32>
        %shift_right_logical3A_380 = arith.shrui %get3A_370, %shift_right_logical3A_379 : vector<16xi32>
        %swap3A_381 = arith.constant 32 : index
        %swap3A_382 = tpu.vector_load %arg9[%swap3A_381] {strides = array<i32>} : memref<128xi32, #tpu.memory_space<vmem>>, vector<16xi32>,
        %swap3A_383 = vector.shape_cast %swap3A_382 : vector<16xi32> to vector<16xi32>
        %swap3A_384 = vector.shape_cast %shift_right_logical3A_380 : vector<16xi32> to vector<16xi32>
        tpu.vector_store %arg9[%swap3A_381], %swap3A_384 {strides = array<i32>} : memref<128xi32, #tpu.memory_space<vmem>>, vector<16xi32>,
        %get3A_385 = arith.index_cast %add3A_330 : i32 to index
        %get3A_386 = arith.constant 48 : index
        %get3A_387 = tpu.vector_load %arg7[%get3A_385, %get3A_386] {strides = array<i32>} : memref<80x128xi32, #tpu.memory_space<vmem>>, vector<1x16xi32>,
        %get3A_388 = vector.shape_cast %get3A_387 : vector<1x16xi32> to vector<16xi32>
        %and3A_389 = arith.constant 65535 : i32
        %and3A_390 = vector.broadcast %and3A_389 : i32 to vector<16xi32>
        %and3A_391 = arith.andi %get3A_388, %and3A_390 : vector<16xi32>
        %swap3A_392 = arith.constant 48 : index
        %swap3A_393 = tpu.vector_load %arg8[%swap3A_392] {strides = array<i32>} : memref<128xi32, #tpu.memory_space<vmem>>, vector<16xi32>,
        %swap3A_394 = vector.shape_cast %swap3A_393 : vector<16xi32> to vector<16xi32>
        %swap3A_395 = vector.shape_cast %and3A_391 : vector<16xi32> to vector<16xi32>
        tpu.vector_store %arg8[%swap3A_392], %swap3A_395 {strides = array<i32>} : memref<128xi32, #tpu.memory_space<vmem>>, vector<16xi32>,
        %shift_right_logical3A_396 = arith.constant 16 : i32
        %shift_right_logical3A_397 = vector.broadcast %shift_right_logical3A_396 : i32 to vector<16xi32>
        %shift_right_logical3A_398 = arith.shrui %get3A_388, %shift_right_logical3A_397 : vector<16xi32>
        %swap3A_399 = arith.constant 48 : index
        %swap3A_400 = tpu.vector_load %arg9[%swap3A_399] {strides = array<i32>} : memref<128xi32, #tpu.memory_space<vmem>>, vector<16xi32>,
        %swap3A_401 = vector.shape_cast %swap3A_400 : vector<16xi32> to vector<16xi32>
        %swap3A_402 = vector.shape_cast %shift_right_logical3A_398 : vector<16xi32> to vector<16xi32>
        tpu.vector_store %arg9[%swap3A_399], %swap3A_402 {strides = array<i32>} : memref<128xi32, #tpu.memory_space<vmem>>, vector<16xi32>,
        %get3A_403 = arith.index_cast %add3A_330 : i32 to index
        %get3A_404 = arith.constant 64 : index
        %get3A_405 = tpu.vector_load %arg7[%get3A_403, %get3A_404] {strides = array<i32>} : memref<80x128xi32, #tpu.memory_space<vmem>>, vector<1x16xi32>,
        %get3A_406 = vector.shape_cast %get3A_405 : vector<1x16xi32> to vector<16xi32>
        %and3A_407 = arith.constant 65535 : i32
        %and3A_408 = vector.broadcast %and3A_407 : i32 to vector<16xi32>
        %and3A_409 = arith.andi %get3A_406, %and3A_408 : vector<16xi32>
        %swap3A_410 = arith.constant 64 : index
        %swap3A_411 = tpu.vector_load %arg8[%swap3A_410] {strides = array<i32>} : memref<128xi32, #tpu.memory_space<vmem>>, vector<16xi32>,
        %swap3A_412 = vector.shape_cast %swap3A_411 : vector<16xi32> to vector<16xi32>
        %swap3A_413 = vector.shape_cast %and3A_409 : vector<16xi32> to vector<16xi32>
        tpu.vector_store %arg8[%swap3A_410], %swap3A_413 {strides = array<i32>} : memref<128xi32, #tpu.memory_space<vmem>>, vector<16xi32>,
        %shift_right_logical3A_414 = arith.constant 16 : i32
        %shift_right_logical3A_415 = vector.broadcast %shift_right_logical3A_414 : i32 to vector<16xi32>
        %shift_right_logical3A_416 = arith.shrui %get3A_406, %shift_right_logical3A_415 : vector<16xi32>
        %swap3A_417 = arith.constant 64 : index
        %swap3A_418 = tpu.vector_load %arg9[%swap3A_417] {strides = array<i32>} : memref<128xi32, #tpu.memory_space<vmem>>, vector<16xi32>,
        %swap3A_419 = vector.shape_cast %swap3A_418 : vector<16xi32> to vector<16xi32>
        %swap3A_420 = vector.shape_cast %shift_right_logical3A_416 : vector<16xi32> to vector<16xi32>
        tpu.vector_store %arg9[%swap3A_417], %swap3A_420 {strides = array<i32>} : memref<128xi32, #tpu.memory_space<vmem>>, vector<16xi32>,
        %get3A_421 = arith.index_cast %add3A_330 : i32 to index
        %get3A_422 = arith.constant 80 : index
        %get3A_423 = tpu.vector_load %arg7[%get3A_421, %get3A_422] {strides = array<i32>} : memref<80x128xi32, #tpu.memory_space<vmem>>, vector<1x16xi32>,
        %get3A_424 = vector.shape_cast %get3A_423 : vector<1x16xi32> to vector<16xi32>
        %and3A_425 = arith.constant 65535 : i32
        %and3A_426 = vector.broadcast %and3A_425 : i32 to vector<16xi32>
        %and3A_427 = arith.andi %get3A_424, %and3A_426 : vector<16xi32>
        %swap3A_428 = arith.constant 80 : index
        %swap3A_429 = tpu.vector_load %arg8[%swap3A_428] {strides = array<i32>} : memref<128xi32, #tpu.memory_space<vmem>>, vector<16xi32>,
        %swap3A_430 = vector.shape_cast %swap3A_429 : vector<16xi32> to vector<16xi32>
        %swap3A_431 = vector.shape_cast %and3A_427 : vector<16xi32> to vector<16xi32>
        tpu.vector_store %arg8[%swap3A_428], %swap3A_431 {strides = array<i32>} : memref<128xi32, #tpu.memory_space<vmem>>, vector<16xi32>,
        %shift_right_logical3A_432 = arith.constant 16 : i32
        %shift_right_logical3A_433 = vector.broadcast %shift_right_logical3A_432 : i32 to vector<16xi32>
        %shift_right_logical3A_434 = arith.shrui %get3A_424, %shift_right_logical3A_433 : vector<16xi32>
        %swap3A_435 = arith.constant 80 : index
        %swap3A_436 = tpu.vector_load %arg9[%swap3A_435] {strides = array<i32>} : memref<128xi32, #tpu.memory_space<vmem>>, vector<16xi32>,
        %swap3A_437 = vector.shape_cast %swap3A_436 : vector<16xi32> to vector<16xi32>
        %swap3A_438 = vector.shape_cast %shift_right_logical3A_434 : vector<16xi32> to vector<16xi32>
        tpu.vector_store %arg9[%swap3A_435], %swap3A_438 {strides = array<i32>} : memref<128xi32, #tpu.memory_space<vmem>>, vector<16xi32>,
        %get3A_439 = arith.index_cast %add3A_330 : i32 to index
        %get3A_440 = arith.constant 96 : index
        %get3A_441 = tpu.vector_load %arg7[%get3A_439, %get3A_440] {strides = array<i32>} : memref<80x128xi32, #tpu.memory_space<vmem>>, vector<1x16xi32>,
        %get3A_442 = vector.shape_cast %get3A_441 : vector<1x16xi32> to vector<16xi32>
        %and3A_443 = arith.constant 65535 : i32
        %and3A_444 = vector.broadcast %and3A_443 : i32 to vector<16xi32>
        %and3A_445 = arith.andi %get3A_442, %and3A_444 : vector<16xi32>
        %swap3A_446 = arith.constant 96 : index
        %swap3A_447 = tpu.vector_load %arg8[%swap3A_446] {strides = array<i32>} : memref<128xi32, #tpu.memory_space<vmem>>, vector<16xi32>,
        %swap3A_448 = vector.shape_cast %swap3A_447 : vector<16xi32> to vector<16xi32>
        %swap3A_449 = vector.shape_cast %and3A_445 : vector<16xi32> to vector<16xi32>
        tpu.vector_store %arg8[%swap3A_446], %swap3A_449 {strides = array<i32>} : memref<128xi32, #tpu.memory_space<vmem>>, vector<16xi32>,
        %shift_right_logical3A_450 = arith.constant 16 : i32
        %shift_right_logical3A_451 = vector.broadcast %shift_right_logical3A_450 : i32 to vector<16xi32>
        %shift_right_logical3A_452 = arith.shrui %get3A_442, %shift_right_logical3A_451 : vector<16xi32>
        %swap3A_453 = arith.constant 96 : index
        %swap3A_454 = tpu.vector_load %arg9[%swap3A_453] {strides = array<i32>} : memref<128xi32, #tpu.memory_space<vmem>>, vector<16xi32>,
        %swap3A_455 = vector.shape_cast %swap3A_454 : vector<16xi32> to vector<16xi32>
        %swap3A_456 = vector.shape_cast %shift_right_logical3A_452 : vector<16xi32> to vector<16xi32>
        tpu.vector_store %arg9[%swap3A_453], %swap3A_456 {strides = array<i32>} : memref<128xi32, #tpu.memory_space<vmem>>, vector<16xi32>,
        %get3A_457 = arith.index_cast %add3A_330 : i32 to index
        %get3A_458 = arith.constant 112 : index
        %get3A_459 = tpu.vector_load %arg7[%get3A_457, %get3A_458] {strides = array<i32>} : memref<80x128xi32, #tpu.memory_space<vmem>>, vector<1x16xi32>,
        %get3A_460 = vector.shape_cast %get3A_459 : vector<1x16xi32> to vector<16xi32>
        %and3A_461 = arith.constant 65535 : i32
        %and3A_462 = vector.broadcast %and3A_461 : i32 to vector<16xi32>
        %and3A_463 = arith.andi %get3A_460, %and3A_462 : vector<16xi32>
        %swap3A_464 = arith.constant 112 : index
        %swap3A_465 = tpu.vector_load %arg8[%swap3A_464] {strides = array<i32>} : memref<128xi32, #tpu.memory_space<vmem>>, vector<16xi32>,
        %swap3A_466 = vector.shape_cast %swap3A_465 : vector<16xi32> to vector<16xi32>
        %swap3A_467 = vector.shape_cast %and3A_463 : vector<16xi32> to vector<16xi32>
        tpu.vector_store %arg8[%swap3A_464], %swap3A_467 {strides = array<i32>} : memref<128xi32, #tpu.memory_space<vmem>>, vector<16xi32>,
        %shift_right_logical3A_468 = arith.constant 16 : i32
        %shift_right_logical3A_469 = vector.broadcast %shift_right_logical3A_468 : i32 to vector<16xi32>
        %shift_right_logical3A_470 = arith.shrui %get3A_460, %shift_right_logical3A_469 : vector<16xi32>
        %swap3A_471 = arith.constant 112 : index
        %swap3A_472 = tpu.vector_load %arg9[%swap3A_471] {strides = array<i32>} : memref<128xi32, #tpu.memory_space<vmem>>, vector<16xi32>,
        %swap3A_473 = vector.shape_cast %swap3A_472 : vector<16xi32> to vector<16xi32>
        %swap3A_474 = vector.shape_cast %shift_right_logical3A_470 : vector<16xi32> to vector<16xi32>
        tpu.vector_store %arg9[%swap3A_471], %swap3A_474 {strides = array<i32>} : memref<128xi32, #tpu.memory_space<vmem>>, vector<16xi32>,
        %dma_start3A_475 = arith.constant 0 : i32
        %dma_start3A_476 = arith.constant 0 : i32
        %dma_start3A_477 = tpu.memref_slice %arg2[%dma_start3A_475, %dma_start3A_476] : memref<10000x128xf32, #tpu.memory_space<hbm>> -> memref<10000x128xf32, #tpu.memory_space<hbm>>
        tpu.enqueue_indirect_dma source(%dma_start3A_477 : memref<10000x128xf32, #tpu.memory_space<hbm>>) target(%arg12 : memref<128x128xf32, #tpu.memory_space<vmem>>) offsets(%arg8 : memref<128xi32, #tpu.memory_space<vmem>>) semaphore(%arg15 : memref<!tpu.dma_semaphore, #tpu.memory_space<semaphore_mem>>)
      } else {
      }
      %dma_wait3A_326 = arith.constant 0 : i32
      %dma_wait3A_327 = arith.constant 0 : i32
      %dma_wait3A_328 = tpu.memref_slice %arg2[%dma_wait3A_326, %dma_wait3A_327] : memref<10000x128xf32, #tpu.memory_space<hbm>> -> memref<10000x128xf32, #tpu.memory_space<hbm>>
      tpu.wait_indirect_dma semaphore(%arg16 : memref<!tpu.dma_semaphore, #tpu.memory_space<semaphore_mem>>) src(%dma_wait3A_328 : memref<10000x128xf32, #tpu.memory_space<hbm>>) dst(%arg13 : memref<128x128xf32, #tpu.memory_space<vmem>>)
      "tpu.region"() ({
        %run_scoped3A = tpu.sem_alloc : memref<!tpu.dma_semaphore, #tpu.memory_space<semaphore_mem>>
        %dma_start3A_329 = arith.constant 0 : i32
        %dma_start3A_330 = arith.constant 0 : i32
        %dma_start3A_331 = tpu.memref_slice %arg14[%dma_start3A_329, %dma_start3A_330] : memref<10008x128xf32, #tpu.memory_space<vmem_shared>> -> memref<10008x128xf32, #tpu.memory_space<vmem_shared>>
        tpu.enqueue_indirect_dma source(%arg13 : memref<128x128xf32, #tpu.memory_space<vmem>>) target(%dma_start3A_331 : memref<10008x128xf32, #tpu.memory_space<vmem_shared>>) offsets(%arg11 : memref<128xi32, #tpu.memory_space<vmem>>) semaphore(%run_scoped3A : memref<!tpu.dma_semaphore, #tpu.memory_space<semaphore_mem>>) {add = true}
        %dma_wait3A_332 = arith.constant 0 : i32
        %dma_wait3A_333 = arith.constant 0 : i32
        %dma_wait3A_334 = tpu.memref_slice %arg14[%dma_wait3A_332, %dma_wait3A_333] : memref<10008x128xf32, #tpu.memory_space<vmem_shared>> -> memref<10008x128xf32, #tpu.memory_space<vmem_shared>>
        tpu.wait_indirect_dma semaphore(%run_scoped3A : memref<!tpu.dma_semaphore, #tpu.memory_space<semaphore_mem>>) src(%arg13 : memref<128x128xf32, #tpu.memory_space<vmem>>) dst(%dma_wait3A_334 : memref<10008x128xf32, #tpu.memory_space<vmem_shared>>)
        tpu.yield
      }) : () -> ()
    }
    %scan3A_161 = arith.constant 40 : i32
    %barrier3A_162 = arith.constant 0 : index
    tpu.barrier barrier_id(%barrier3A_162)
    "tpu.region"() ({
      %run_scoped3A = tpu.sem_alloc : memref<!tpu.dma_semaphore, #tpu.memory_space<semaphore_mem>>
      %dma_start3A_168 = arith.constant 0 : i32
      %dma_start3A_169 = tpu.memref_slice %arg6[%arg0, %mul3A_2, %dma_start3A_168] : memref<2x10000x128xf32, #tpu.memory_space<hbm>> -> memref<1x624x128xf32, #tpu.memory_space<hbm>>
      %dma_start3A_170 = tpu.memref_squeeze %dma_start3A_169 : memref<1x624x128xf32, #tpu.memory_space<hbm>> -> memref<624x128xf32, #tpu.memory_space<hbm>>
      %dma_start3A_171 = arith.constant 0 : i32
      %dma_start3A_172 = tpu.memref_slice %arg14[%mul3A_2, %dma_start3A_171] : memref<10008x128xf32, #tpu.memory_space<vmem_shared>> -> memref<624x128xf32, #tpu.memory_space<vmem_shared>>
      tpu.enqueue_dma source(%dma_start3A_172 : memref<624x128xf32, #tpu.memory_space<vmem_shared>>) target(%dma_start3A_170 : memref<624x128xf32, #tpu.memory_space<hbm>>) target_semaphore(%run_scoped3A : memref<!tpu.dma_semaphore, #tpu.memory_space<semaphore_mem>>)
      %dma_wait3A = arith.constant 0 : i32
      %dma_wait3A_173 = tpu.memref_slice %arg6[%arg0, %mul3A_2, %dma_wait3A] : memref<2x10000x128xf32, #tpu.memory_space<hbm>> -> memref<1x624x128xf32, #tpu.memory_space<hbm>>
      %dma_wait3A_174 = tpu.memref_squeeze %dma_wait3A_173 : memref<1x624x128xf32, #tpu.memory_space<hbm>> -> memref<624x128xf32, #tpu.memory_space<hbm>>
      %dma_wait3A_175 = arith.constant 0 : i32
      %dma_wait3A_176 = tpu.memref_slice %arg14[%mul3A_2, %dma_wait3A_175] : memref<10008x128xf32, #tpu.memory_space<vmem_shared>> -> memref<624x128xf32, #tpu.memory_space<vmem_shared>>
      tpu.wait_dma2 semaphore(%run_scoped3A : memref<!tpu.dma_semaphore, #tpu.memory_space<semaphore_mem>>) src(%dma_wait3A_176 : memref<624x128xf32, #tpu.memory_space<vmem_shared>>) dst(%dma_wait3A_174 : memref<624x128xf32, #tpu.memory_space<hbm>>)
      tpu.yield
    }) : () -> ()
    %eq3A_163 = arith.constant 0 : i32
    %eq3A_164 = arith.cmpi eq, %arg1, %eq3A_163 : i32
    %convert_element_type3A_165 = arith.extui %eq3A_164 : i1 to i32
    %cond3A_166 = arith.constant 0 : i32
    %cond3A_167 = arith.cmpi ne, %convert_element_type3A_165, %cond3A_166 : i32
    scf.if %cond3A_167 {
      "tpu.region"() ({
        %run_scoped3A = tpu.sem_alloc : memref<!tpu.dma_semaphore, #tpu.memory_space<semaphore_mem>>
        %dma_start3A_168 = arith.constant 9984 : i32
        %dma_start3A_169 = arith.constant 0 : i32
        %dma_start3A_170 = tpu.memref_slice %arg6[%arg0, %dma_start3A_168, %dma_start3A_169] : memref<2x10000x128xf32, #tpu.memory_space<hbm>> -> memref<1x16x128xf32, #tpu.memory_space<hbm>>
        %dma_start3A_171 = tpu.memref_squeeze %dma_start3A_170 : memref<1x16x128xf32, #tpu.memory_space<hbm>> -> memref<16x128xf32, #tpu.memory_space<hbm>>
        %dma_start3A_172 = arith.constant 9984 : i32
        %dma_start3A_173 = arith.constant 0 : i32
        %dma_start3A_174 = tpu.memref_slice %arg14[%dma_start3A_172, %dma_start3A_173] : memref<10008x128xf32, #tpu.memory_space<vmem_shared>> -> memref<16x128xf32, #tpu.memory_space<vmem_shared>>
        tpu.enqueue_dma source(%dma_start3A_174 : memref<16x128xf32, #tpu.memory_space<vmem_shared>>) target(%dma_start3A_171 : memref<16x128xf32, #tpu.memory_space<hbm>>) target_semaphore(%run_scoped3A : memref<!tpu.dma_semaphore, #tpu.memory_space<semaphore_mem>>)
        %dma_wait3A = arith.constant 9984 : i32
        %dma_wait3A_175 = arith.constant 0 : i32
        %dma_wait3A_176 = tpu.memref_slice %arg6[%arg0, %dma_wait3A, %dma_wait3A_175] : memref<2x10000x128xf32, #tpu.memory_space<hbm>> -> memref<1x16x128xf32, #tpu.memory_space<hbm>>
        %dma_wait3A_177 = tpu.memref_squeeze %dma_wait3A_176 : memref<1x16x128xf32, #tpu.memory_space<hbm>> -> memref<16x128xf32, #tpu.memory_space<hbm>>
        %dma_wait3A_178 = arith.constant 9984 : i32
        %dma_wait3A_179 = arith.constant 0 : i32
        %dma_wait3A_180 = tpu.memref_slice %arg14[%dma_wait3A_178, %dma_wait3A_179] : memref<10008x128xf32, #tpu.memory_space<vmem_shared>> -> memref<16x128xf32, #tpu.memory_space<vmem_shared>>
        tpu.wait_dma2 semaphore(%run_scoped3A : memref<!tpu.dma_semaphore, #tpu.memory_space<semaphore_mem>>) src(%dma_wait3A_180 : memref<16x128xf32, #tpu.memory_space<vmem_shared>>) dst(%dma_wait3A_177 : memref<16x128xf32, #tpu.memory_space<hbm>>)
        tpu.yield
      }) : () -> ()
    } else {
    }
    return
  }
}

#map = affine_map<(d0, d1) -> (0, 0)>
#map1 = affine_map<(d0, d1) -> (0, 0, 0)>
module attributes {stable_mosaic.version = 14 : i64} {
  func.func @body(%arg0: i32, %arg1: i32, %arg2: memref<10000x128xf32, #tpu.memory_space<hbm>>, %arg3: memref<2560x128xi32, #tpu.memory_space<hbm>>, %arg4: memref<10000x128xf32, #tpu.memory_space<hbm>>, %arg5: memref<128x128xf32, #tpu.memory_space<hbm>>, %arg6: memref<2x10000x128xf32, #tpu.memory_space<hbm>>, %arg7: memref<2x10000x128xf32, #tpu.memory_space<hbm>>, %arg8: memref<80x128xi32, #tpu.memory_space<vmem>>, %arg9: memref<128xi32, #tpu.memory_space<vmem>>, %arg10: memref<128xi32, #tpu.memory_space<vmem>>, %arg11: memref<128xi32, #tpu.memory_space<vmem>>, %arg12: memref<128xi32, #tpu.memory_space<vmem>>, %arg13: memref<128x128xf32, #tpu.memory_space<vmem>>, %arg14: memref<128x128xf32, #tpu.memory_space<vmem>>, %arg15: memref<10008x128xf32, #tpu.memory_space<vmem_shared>>, %arg16: memref<!tpu.dma_semaphore, #tpu.memory_space<semaphore_mem>>, %arg17: memref<!tpu.dma_semaphore, #tpu.memory_space<semaphore_mem>>) attributes {dimension_semantics = [#tpu.dimension_semantics<core_parallel>, #tpu.dimension_semantics<subcore_parallel>], iteration_bounds = array<i64: 2, 16>, scalar_prefetch = 0 : i64, scratch_operands = 10 : i64, tpu.core_type = #tpu.core_type<sc_vector_subcore>, window_params = [{transform_indices = #map}, {transform_indices = #map}, {transform_indices = #map}, {transform_indices = #map}, {transform_indices = #map1}, {transform_indices = #map1}]} {
    %mul3A = arith.constant 16 : i32
    %mul3A_0 = arith.muli %arg0, %mul3A : i32
    %add3A = arith.addi %mul3A_0, %arg1 : i32
    %mul3A_1 = arith.constant 624 : i32
    %mul3A_2 = arith.muli %arg1, %mul3A_1 : i32
    %mul3A_3 = arith.constant 80 : i32
    %mul3A_4 = arith.muli %add3A, %mul3A_3 : i32
    "tpu.region"() ({
      %run_scoped3A = tpu.sem_alloc : memref<!tpu.dma_semaphore, #tpu.memory_space<semaphore_mem>>
      %dma_start3A_187 = arith.constant 0 : i32
      %dma_start3A_188 = tpu.memref_slice %arg3[%mul3A_4, %dma_start3A_187] : memref<2560x128xi32, #tpu.memory_space<hbm>> -> memref<80x128xi32, #tpu.memory_space<hbm>>
      %dma_start3A_189 = arith.constant 0 : i32
      %dma_start3A_190 = tpu.memref_slice %arg3[%mul3A_4, %dma_start3A_189] : memref<2560x128xi32, #tpu.memory_space<hbm>> -> memref<80x128xi32, #tpu.memory_space<hbm>>
      tpu.enqueue_dma source(%dma_start3A_190 : memref<80x128xi32, #tpu.memory_space<hbm>>) target(%arg8 : memref<80x128xi32, #tpu.memory_space<vmem>>) target_semaphore(%run_scoped3A : memref<!tpu.dma_semaphore, #tpu.memory_space<semaphore_mem>>)
      %dma_wait3A = arith.constant 0 : i32
      %dma_wait3A_191 = tpu.memref_slice %arg3[%mul3A_4, %dma_wait3A] : memref<2560x128xi32, #tpu.memory_space<hbm>> -> memref<80x128xi32, #tpu.memory_space<hbm>>
      %dma_wait3A_192 = arith.constant 0 : i32
      %dma_wait3A_193 = tpu.memref_slice %arg3[%mul3A_4, %dma_wait3A_192] : memref<2560x128xi32, #tpu.memory_space<hbm>> -> memref<80x128xi32, #tpu.memory_space<hbm>>
      tpu.wait_dma2 semaphore(%run_scoped3A : memref<!tpu.dma_semaphore, #tpu.memory_space<semaphore_mem>>) src(%dma_wait3A_193 : memref<80x128xi32, #tpu.memory_space<hbm>>) dst(%arg8 : memref<80x128xi32, #tpu.memory_space<vmem>>)
      tpu.yield
    }) : () -> ()
    "tpu.region"() ({
      %run_scoped3A = tpu.sem_alloc : memref<!tpu.dma_semaphore, #tpu.memory_space<semaphore_mem>>
      %dma_start3A_187 = arith.constant 0 : i32
      %dma_start3A_188 = tpu.memref_slice %arg15[%mul3A_2, %dma_start3A_187] : memref<10008x128xf32, #tpu.memory_space<vmem_shared>> -> memref<624x128xf32, #tpu.memory_space<vmem_shared>>
      %dma_start3A_189 = arith.constant 0 : i32
      %dma_start3A_190 = tpu.memref_slice %arg4[%mul3A_2, %dma_start3A_189] : memref<10000x128xf32, #tpu.memory_space<hbm>> -> memref<624x128xf32, #tpu.memory_space<hbm>>
      tpu.enqueue_dma source(%dma_start3A_190 : memref<624x128xf32, #tpu.memory_space<hbm>>) target(%dma_start3A_188 : memref<624x128xf32, #tpu.memory_space<vmem_shared>>) target_semaphore(%run_scoped3A : memref<!tpu.dma_semaphore, #tpu.memory_space<semaphore_mem>>)
      %dma_wait3A = arith.constant 0 : i32
      %dma_wait3A_191 = tpu.memref_slice %arg15[%mul3A_2, %dma_wait3A] : memref<10008x128xf32, #tpu.memory_space<vmem_shared>> -> memref<624x128xf32, #tpu.memory_space<vmem_shared>>
      %dma_wait3A_192 = arith.constant 0 : i32
      %dma_wait3A_193 = tpu.memref_slice %arg4[%mul3A_2, %dma_wait3A_192] : memref<10000x128xf32, #tpu.memory_space<hbm>> -> memref<624x128xf32, #tpu.memory_space<hbm>>
      tpu.wait_dma2 semaphore(%run_scoped3A : memref<!tpu.dma_semaphore, #tpu.memory_space<semaphore_mem>>) src(%dma_wait3A_193 : memref<624x128xf32, #tpu.memory_space<hbm>>) dst(%dma_wait3A_191 : memref<624x128xf32, #tpu.memory_space<vmem_shared>>)
      tpu.yield
    }) : () -> ()
    %eq3A = arith.constant 0 : i32
    %eq3A_5 = arith.cmpi eq, %arg1, %eq3A : i32
    %convert_element_type3A = arith.extui %eq3A_5 : i1 to i32
    %cond3A = arith.constant 0 : i32
    %cond3A_6 = arith.cmpi ne, %convert_element_type3A, %cond3A : i32
    scf.if %cond3A_6 {
      "tpu.region"() ({
        %run_scoped3A = tpu.sem_alloc : memref<!tpu.dma_semaphore, #tpu.memory_space<semaphore_mem>>
        %dma_start3A_187 = arith.constant 9984 : i32
        %dma_start3A_188 = arith.constant 0 : i32
        %dma_start3A_189 = tpu.memref_slice %arg15[%dma_start3A_187, %dma_start3A_188] : memref<10008x128xf32, #tpu.memory_space<vmem_shared>> -> memref<16x128xf32, #tpu.memory_space<vmem_shared>>
        %dma_start3A_190 = arith.constant 9984 : i32
        %dma_start3A_191 = arith.constant 0 : i32
        %dma_start3A_192 = tpu.memref_slice %arg4[%dma_start3A_190, %dma_start3A_191] : memref<10000x128xf32, #tpu.memory_space<hbm>> -> memref<16x128xf32, #tpu.memory_space<hbm>>
        tpu.enqueue_dma source(%dma_start3A_192 : memref<16x128xf32, #tpu.memory_space<hbm>>) target(%dma_start3A_189 : memref<16x128xf32, #tpu.memory_space<vmem_shared>>) target_semaphore(%run_scoped3A : memref<!tpu.dma_semaphore, #tpu.memory_space<semaphore_mem>>)
        %dma_wait3A = arith.constant 9984 : i32
        %dma_wait3A_193 = arith.constant 0 : i32
        %dma_wait3A_194 = tpu.memref_slice %arg15[%dma_wait3A, %dma_wait3A_193] : memref<10008x128xf32, #tpu.memory_space<vmem_shared>> -> memref<16x128xf32, #tpu.memory_space<vmem_shared>>
        %dma_wait3A_195 = arith.constant 9984 : i32
        %dma_wait3A_196 = arith.constant 0 : i32
        %dma_wait3A_197 = tpu.memref_slice %arg4[%dma_wait3A_195, %dma_wait3A_196] : memref<10000x128xf32, #tpu.memory_space<hbm>> -> memref<16x128xf32, #tpu.memory_space<hbm>>
        tpu.wait_dma2 semaphore(%run_scoped3A : memref<!tpu.dma_semaphore, #tpu.memory_space<semaphore_mem>>) src(%dma_wait3A_197 : memref<16x128xf32, #tpu.memory_space<hbm>>) dst(%dma_wait3A_194 : memref<16x128xf32, #tpu.memory_space<vmem_shared>>)
        tpu.yield
      }) : () -> ()
    } else {
    }
    "tpu.region"() ({
      %run_scoped3A = tpu.sem_alloc : memref<!tpu.dma_semaphore, #tpu.memory_space<semaphore_mem>>
      tpu.enqueue_dma source(%arg5 : memref<128x128xf32, #tpu.memory_space<hbm>>) target(%arg13 : memref<128x128xf32, #tpu.memory_space<vmem>>) target_semaphore(%run_scoped3A : memref<!tpu.dma_semaphore, #tpu.memory_space<semaphore_mem>>)
      tpu.wait_dma2 semaphore(%run_scoped3A : memref<!tpu.dma_semaphore, #tpu.memory_space<semaphore_mem>>) src(%arg5 : memref<128x128xf32, #tpu.memory_space<hbm>>) dst(%arg13 : memref<128x128xf32, #tpu.memory_space<vmem>>)
      tpu.yield
    }) : () -> ()
    %barrier3A = arith.constant 0 : index
    tpu.barrier barrier_id(%barrier3A)
    %scan3A = arith.constant 0 : i32
    %scan3A_7 = arith.constant 0 : i32
    %scan3A_8 = arith.constant 80 : i32
    %scan3A_9 = arith.addi %scan3A_7, %scan3A_8 : i32
    %scan3A_10 = arith.constant 1 : i32
    scf.for %scan3A_187 = %scan3A_7 to %scan3A_9 step %scan3A_10  : i32 {
      %get3A_188 = arith.index_cast %scan3A_187 : i32 to index
      %get3A_189 = arith.constant 0 : index
      %get3A_190 = tpu.vector_load %arg8[%get3A_188, %get3A_189] {strides = array<i32>} : memref<80x128xi32, #tpu.memory_space<vmem>>, vector<1x16xi32>,
      %get3A_191 = vector.shape_cast %get3A_190 : vector<1x16xi32> to vector<16xi32>
      %and3A_192 = arith.constant 65535 : i32
      %and3A_193 = vector.broadcast %and3A_192 : i32 to vector<16xi32>
      %and3A_194 = arith.andi %get3A_191, %and3A_193 : vector<16xi32>
      %swap3A_195 = arith.constant 0 : index
      %swap3A_196 = tpu.vector_load %arg9[%swap3A_195] {strides = array<i32>} : memref<128xi32, #tpu.memory_space<vmem>>, vector<16xi32>,
      %swap3A_197 = vector.shape_cast %swap3A_196 : vector<16xi32> to vector<16xi32>
      %swap3A_198 = vector.shape_cast %and3A_194 : vector<16xi32> to vector<16xi32>
      tpu.vector_store %arg9[%swap3A_195], %swap3A_198 {strides = array<i32>} : memref<128xi32, #tpu.memory_space<vmem>>, vector<16xi32>,
      %shift_right_logical3A_199 = arith.constant 16 : i32
      %shift_right_logical3A_200 = vector.broadcast %shift_right_logical3A_199 : i32 to vector<16xi32>
      %shift_right_logical3A_201 = arith.shrui %get3A_191, %shift_right_logical3A_200 : vector<16xi32>
      %swap3A_202 = arith.constant 0 : index
      %swap3A_203 = tpu.vector_load %arg10[%swap3A_202] {strides = array<i32>} : memref<128xi32, #tpu.memory_space<vmem>>, vector<16xi32>,
      %swap3A_204 = vector.shape_cast %swap3A_203 : vector<16xi32> to vector<16xi32>
      %swap3A_205 = vector.shape_cast %shift_right_logical3A_201 : vector<16xi32> to vector<16xi32>
      tpu.vector_store %arg10[%swap3A_202], %swap3A_205 {strides = array<i32>} : memref<128xi32, #tpu.memory_space<vmem>>, vector<16xi32>,
      %get3A_206 = arith.index_cast %scan3A_187 : i32 to index
      %get3A_207 = arith.constant 16 : index
      %get3A_208 = tpu.vector_load %arg8[%get3A_206, %get3A_207] {strides = array<i32>} : memref<80x128xi32, #tpu.memory_space<vmem>>, vector<1x16xi32>,
      %get3A_209 = vector.shape_cast %get3A_208 : vector<1x16xi32> to vector<16xi32>
      %and3A_210 = arith.constant 65535 : i32
      %and3A_211 = vector.broadcast %and3A_210 : i32 to vector<16xi32>
      %and3A_212 = arith.andi %get3A_209, %and3A_211 : vector<16xi32>
      %swap3A_213 = arith.constant 16 : index
      %swap3A_214 = tpu.vector_load %arg9[%swap3A_213] {strides = array<i32>} : memref<128xi32, #tpu.memory_space<vmem>>, vector<16xi32>,
      %swap3A_215 = vector.shape_cast %swap3A_214 : vector<16xi32> to vector<16xi32>
      %swap3A_216 = vector.shape_cast %and3A_212 : vector<16xi32> to vector<16xi32>
      tpu.vector_store %arg9[%swap3A_213], %swap3A_216 {strides = array<i32>} : memref<128xi32, #tpu.memory_space<vmem>>, vector<16xi32>,
      %shift_right_logical3A_217 = arith.constant 16 : i32
      %shift_right_logical3A_218 = vector.broadcast %shift_right_logical3A_217 : i32 to vector<16xi32>
      %shift_right_logical3A_219 = arith.shrui %get3A_209, %shift_right_logical3A_218 : vector<16xi32>
      %swap3A_220 = arith.constant 16 : index
      %swap3A_221 = tpu.vector_load %arg10[%swap3A_220] {strides = array<i32>} : memref<128xi32, #tpu.memory_space<vmem>>, vector<16xi32>,
      %swap3A_222 = vector.shape_cast %swap3A_221 : vector<16xi32> to vector<16xi32>
      %swap3A_223 = vector.shape_cast %shift_right_logical3A_219 : vector<16xi32> to vector<16xi32>
      tpu.vector_store %arg10[%swap3A_220], %swap3A_223 {strides = array<i32>} : memref<128xi32, #tpu.memory_space<vmem>>, vector<16xi32>,
      %get3A_224 = arith.index_cast %scan3A_187 : i32 to index
      %get3A_225 = arith.constant 32 : index
      %get3A_226 = tpu.vector_load %arg8[%get3A_224, %get3A_225] {strides = array<i32>} : memref<80x128xi32, #tpu.memory_space<vmem>>, vector<1x16xi32>,
      %get3A_227 = vector.shape_cast %get3A_226 : vector<1x16xi32> to vector<16xi32>
      %and3A_228 = arith.constant 65535 : i32
      %and3A_229 = vector.broadcast %and3A_228 : i32 to vector<16xi32>
      %and3A_230 = arith.andi %get3A_227, %and3A_229 : vector<16xi32>
      %swap3A_231 = arith.constant 32 : index
      %swap3A_232 = tpu.vector_load %arg9[%swap3A_231] {strides = array<i32>} : memref<128xi32, #tpu.memory_space<vmem>>, vector<16xi32>,
      %swap3A_233 = vector.shape_cast %swap3A_232 : vector<16xi32> to vector<16xi32>
      %swap3A_234 = vector.shape_cast %and3A_230 : vector<16xi32> to vector<16xi32>
      tpu.vector_store %arg9[%swap3A_231], %swap3A_234 {strides = array<i32>} : memref<128xi32, #tpu.memory_space<vmem>>, vector<16xi32>,
      %shift_right_logical3A_235 = arith.constant 16 : i32
      %shift_right_logical3A_236 = vector.broadcast %shift_right_logical3A_235 : i32 to vector<16xi32>
      %shift_right_logical3A_237 = arith.shrui %get3A_227, %shift_right_logical3A_236 : vector<16xi32>
      %swap3A_238 = arith.constant 32 : index
      %swap3A_239 = tpu.vector_load %arg10[%swap3A_238] {strides = array<i32>} : memref<128xi32, #tpu.memory_space<vmem>>, vector<16xi32>,
      %swap3A_240 = vector.shape_cast %swap3A_239 : vector<16xi32> to vector<16xi32>
      %swap3A_241 = vector.shape_cast %shift_right_logical3A_237 : vector<16xi32> to vector<16xi32>
      tpu.vector_store %arg10[%swap3A_238], %swap3A_241 {strides = array<i32>} : memref<128xi32, #tpu.memory_space<vmem>>, vector<16xi32>,
      %get3A_242 = arith.index_cast %scan3A_187 : i32 to index
      %get3A_243 = arith.constant 48 : index
      %get3A_244 = tpu.vector_load %arg8[%get3A_242, %get3A_243] {strides = array<i32>} : memref<80x128xi32, #tpu.memory_space<vmem>>, vector<1x16xi32>,
      %get3A_245 = vector.shape_cast %get3A_244 : vector<1x16xi32> to vector<16xi32>
      %and3A_246 = arith.constant 65535 : i32
      %and3A_247 = vector.broadcast %and3A_246 : i32 to vector<16xi32>
      %and3A_248 = arith.andi %get3A_245, %and3A_247 : vector<16xi32>
      %swap3A_249 = arith.constant 48 : index
      %swap3A_250 = tpu.vector_load %arg9[%swap3A_249] {strides = array<i32>} : memref<128xi32, #tpu.memory_space<vmem>>, vector<16xi32>,
      %swap3A_251 = vector.shape_cast %swap3A_250 : vector<16xi32> to vector<16xi32>
      %swap3A_252 = vector.shape_cast %and3A_248 : vector<16xi32> to vector<16xi32>
      tpu.vector_store %arg9[%swap3A_249], %swap3A_252 {strides = array<i32>} : memref<128xi32, #tpu.memory_space<vmem>>, vector<16xi32>,
      %shift_right_logical3A_253 = arith.constant 16 : i32
      %shift_right_logical3A_254 = vector.broadcast %shift_right_logical3A_253 : i32 to vector<16xi32>
      %shift_right_logical3A_255 = arith.shrui %get3A_245, %shift_right_logical3A_254 : vector<16xi32>
      %swap3A_256 = arith.constant 48 : index
      %swap3A_257 = tpu.vector_load %arg10[%swap3A_256] {strides = array<i32>} : memref<128xi32, #tpu.memory_space<vmem>>, vector<16xi32>,
      %swap3A_258 = vector.shape_cast %swap3A_257 : vector<16xi32> to vector<16xi32>
      %swap3A_259 = vector.shape_cast %shift_right_logical3A_255 : vector<16xi32> to vector<16xi32>
      tpu.vector_store %arg10[%swap3A_256], %swap3A_259 {strides = array<i32>} : memref<128xi32, #tpu.memory_space<vmem>>, vector<16xi32>,
      %get3A_260 = arith.index_cast %scan3A_187 : i32 to index
      %get3A_261 = arith.constant 64 : index
      %get3A_262 = tpu.vector_load %arg8[%get3A_260, %get3A_261] {strides = array<i32>} : memref<80x128xi32, #tpu.memory_space<vmem>>, vector<1x16xi32>,
      %get3A_263 = vector.shape_cast %get3A_262 : vector<1x16xi32> to vector<16xi32>
      %and3A_264 = arith.constant 65535 : i32
      %and3A_265 = vector.broadcast %and3A_264 : i32 to vector<16xi32>
      %and3A_266 = arith.andi %get3A_263, %and3A_265 : vector<16xi32>
      %swap3A_267 = arith.constant 64 : index
      %swap3A_268 = tpu.vector_load %arg9[%swap3A_267] {strides = array<i32>} : memref<128xi32, #tpu.memory_space<vmem>>, vector<16xi32>,
      %swap3A_269 = vector.shape_cast %swap3A_268 : vector<16xi32> to vector<16xi32>
      %swap3A_270 = vector.shape_cast %and3A_266 : vector<16xi32> to vector<16xi32>
      tpu.vector_store %arg9[%swap3A_267], %swap3A_270 {strides = array<i32>} : memref<128xi32, #tpu.memory_space<vmem>>, vector<16xi32>,
      %shift_right_logical3A_271 = arith.constant 16 : i32
      %shift_right_logical3A_272 = vector.broadcast %shift_right_logical3A_271 : i32 to vector<16xi32>
      %shift_right_logical3A_273 = arith.shrui %get3A_263, %shift_right_logical3A_272 : vector<16xi32>
      %swap3A_274 = arith.constant 64 : index
      %swap3A_275 = tpu.vector_load %arg10[%swap3A_274] {strides = array<i32>} : memref<128xi32, #tpu.memory_space<vmem>>, vector<16xi32>,
      %swap3A_276 = vector.shape_cast %swap3A_275 : vector<16xi32> to vector<16xi32>
      %swap3A_277 = vector.shape_cast %shift_right_logical3A_273 : vector<16xi32> to vector<16xi32>
      tpu.vector_store %arg10[%swap3A_274], %swap3A_277 {strides = array<i32>} : memref<128xi32, #tpu.memory_space<vmem>>, vector<16xi32>,
      %get3A_278 = arith.index_cast %scan3A_187 : i32 to index
      %get3A_279 = arith.constant 80 : index
      %get3A_280 = tpu.vector_load %arg8[%get3A_278, %get3A_279] {strides = array<i32>} : memref<80x128xi32, #tpu.memory_space<vmem>>, vector<1x16xi32>,
      %get3A_281 = vector.shape_cast %get3A_280 : vector<1x16xi32> to vector<16xi32>
      %and3A_282 = arith.constant 65535 : i32
      %and3A_283 = vector.broadcast %and3A_282 : i32 to vector<16xi32>
      %and3A_284 = arith.andi %get3A_281, %and3A_283 : vector<16xi32>
      %swap3A_285 = arith.constant 80 : index
      %swap3A_286 = tpu.vector_load %arg9[%swap3A_285] {strides = array<i32>} : memref<128xi32, #tpu.memory_space<vmem>>, vector<16xi32>,
      %swap3A_287 = vector.shape_cast %swap3A_286 : vector<16xi32> to vector<16xi32>
      %swap3A_288 = vector.shape_cast %and3A_284 : vector<16xi32> to vector<16xi32>
      tpu.vector_store %arg9[%swap3A_285], %swap3A_288 {strides = array<i32>} : memref<128xi32, #tpu.memory_space<vmem>>, vector<16xi32>,
      %shift_right_logical3A_289 = arith.constant 16 : i32
      %shift_right_logical3A_290 = vector.broadcast %shift_right_logical3A_289 : i32 to vector<16xi32>
      %shift_right_logical3A_291 = arith.shrui %get3A_281, %shift_right_logical3A_290 : vector<16xi32>
      %swap3A_292 = arith.constant 80 : index
      %swap3A_293 = tpu.vector_load %arg10[%swap3A_292] {strides = array<i32>} : memref<128xi32, #tpu.memory_space<vmem>>, vector<16xi32>,
      %swap3A_294 = vector.shape_cast %swap3A_293 : vector<16xi32> to vector<16xi32>
      %swap3A_295 = vector.shape_cast %shift_right_logical3A_291 : vector<16xi32> to vector<16xi32>
      tpu.vector_store %arg10[%swap3A_292], %swap3A_295 {strides = array<i32>} : memref<128xi32, #tpu.memory_space<vmem>>, vector<16xi32>,
      %get3A_296 = arith.index_cast %scan3A_187 : i32 to index
      %get3A_297 = arith.constant 96 : index
      %get3A_298 = tpu.vector_load %arg8[%get3A_296, %get3A_297] {strides = array<i32>} : memref<80x128xi32, #tpu.memory_space<vmem>>, vector<1x16xi32>,
      %get3A_299 = vector.shape_cast %get3A_298 : vector<1x16xi32> to vector<16xi32>
      %and3A_300 = arith.constant 65535 : i32
      %and3A_301 = vector.broadcast %and3A_300 : i32 to vector<16xi32>
      %and3A_302 = arith.andi %get3A_299, %and3A_301 : vector<16xi32>
      %swap3A_303 = arith.constant 96 : index
      %swap3A_304 = tpu.vector_load %arg9[%swap3A_303] {strides = array<i32>} : memref<128xi32, #tpu.memory_space<vmem>>, vector<16xi32>,
      %swap3A_305 = vector.shape_cast %swap3A_304 : vector<16xi32> to vector<16xi32>
      %swap3A_306 = vector.shape_cast %and3A_302 : vector<16xi32> to vector<16xi32>
      tpu.vector_store %arg9[%swap3A_303], %swap3A_306 {strides = array<i32>} : memref<128xi32, #tpu.memory_space<vmem>>, vector<16xi32>,
      %shift_right_logical3A_307 = arith.constant 16 : i32
      %shift_right_logical3A_308 = vector.broadcast %shift_right_logical3A_307 : i32 to vector<16xi32>
      %shift_right_logical3A_309 = arith.shrui %get3A_299, %shift_right_logical3A_308 : vector<16xi32>
      %swap3A_310 = arith.constant 96 : index
      %swap3A_311 = tpu.vector_load %arg10[%swap3A_310] {strides = array<i32>} : memref<128xi32, #tpu.memory_space<vmem>>, vector<16xi32>,
      %swap3A_312 = vector.shape_cast %swap3A_311 : vector<16xi32> to vector<16xi32>
      %swap3A_313 = vector.shape_cast %shift_right_logical3A_309 : vector<16xi32> to vector<16xi32>
      tpu.vector_store %arg10[%swap3A_310], %swap3A_313 {strides = array<i32>} : memref<128xi32, #tpu.memory_space<vmem>>, vector<16xi32>,
      %get3A_314 = arith.index_cast %scan3A_187 : i32 to index
      %get3A_315 = arith.constant 112 : index
      %get3A_316 = tpu.vector_load %arg8[%get3A_314, %get3A_315] {strides = array<i32>} : memref<80x128xi32, #tpu.memory_space<vmem>>, vector<1x16xi32>,
      %get3A_317 = vector.shape_cast %get3A_316 : vector<1x16xi32> to vector<16xi32>
      %and3A_318 = arith.constant 65535 : i32
      %and3A_319 = vector.broadcast %and3A_318 : i32 to vector<16xi32>
      %and3A_320 = arith.andi %get3A_317, %and3A_319 : vector<16xi32>
      %swap3A_321 = arith.constant 112 : index
      %swap3A_322 = tpu.vector_load %arg9[%swap3A_321] {strides = array<i32>} : memref<128xi32, #tpu.memory_space<vmem>>, vector<16xi32>,
      %swap3A_323 = vector.shape_cast %swap3A_322 : vector<16xi32> to vector<16xi32>
      %swap3A_324 = vector.shape_cast %and3A_320 : vector<16xi32> to vector<16xi32>
      tpu.vector_store %arg9[%swap3A_321], %swap3A_324 {strides = array<i32>} : memref<128xi32, #tpu.memory_space<vmem>>, vector<16xi32>,
      %shift_right_logical3A_325 = arith.constant 16 : i32
      %shift_right_logical3A_326 = vector.broadcast %shift_right_logical3A_325 : i32 to vector<16xi32>
      %shift_right_logical3A_327 = arith.shrui %get3A_317, %shift_right_logical3A_326 : vector<16xi32>
      %swap3A_328 = arith.constant 112 : index
      %swap3A_329 = tpu.vector_load %arg10[%swap3A_328] {strides = array<i32>} : memref<128xi32, #tpu.memory_space<vmem>>, vector<16xi32>,
      %swap3A_330 = vector.shape_cast %swap3A_329 : vector<16xi32> to vector<16xi32>
      %swap3A_331 = vector.shape_cast %shift_right_logical3A_327 : vector<16xi32> to vector<16xi32>
      tpu.vector_store %arg10[%swap3A_328], %swap3A_331 {strides = array<i32>} : memref<128xi32, #tpu.memory_space<vmem>>, vector<16xi32>,
      "tpu.region"() ({
        %run_scoped3A = tpu.sem_alloc : memref<!tpu.dma_semaphore, #tpu.memory_space<semaphore_mem>>
        %dma_start3A_332 = arith.constant 0 : i32
        %dma_start3A_333 = arith.constant 0 : i32
        %dma_start3A_334 = tpu.memref_slice %arg15[%dma_start3A_332, %dma_start3A_333] : memref<10008x128xf32, #tpu.memory_space<vmem_shared>> -> memref<10008x128xf32, #tpu.memory_space<vmem_shared>>
        tpu.enqueue_indirect_dma source(%arg13 : memref<128x128xf32, #tpu.memory_space<vmem>>) target(%dma_start3A_334 : memref<10008x128xf32, #tpu.memory_space<vmem_shared>>) offsets(%arg10 : memref<128xi32, #tpu.memory_space<vmem>>) semaphore(%run_scoped3A : memref<!tpu.dma_semaphore, #tpu.memory_space<semaphore_mem>>) {add = true}
        %dma_wait3A = arith.constant 0 : i32
        %dma_wait3A_335 = arith.constant 0 : i32
        %dma_wait3A_336 = tpu.memref_slice %arg15[%dma_wait3A, %dma_wait3A_335] : memref<10008x128xf32, #tpu.memory_space<vmem_shared>> -> memref<10008x128xf32, #tpu.memory_space<vmem_shared>>
        tpu.wait_indirect_dma semaphore(%run_scoped3A : memref<!tpu.dma_semaphore, #tpu.memory_space<semaphore_mem>>) src(%arg13 : memref<128x128xf32, #tpu.memory_space<vmem>>) dst(%dma_wait3A_336 : memref<10008x128xf32, #tpu.memory_space<vmem_shared>>)
        tpu.yield
      }) : () -> ()
    }
    %scan3A_11 = arith.constant 80 : i32
    %barrier3A_12 = arith.constant 0 : index
    tpu.barrier barrier_id(%barrier3A_12)
    "tpu.region"() ({
      %run_scoped3A = tpu.sem_alloc : memref<!tpu.dma_semaphore, #tpu.memory_space<semaphore_mem>>
      %dma_start3A_187 = arith.constant 0 : i32
      %dma_start3A_188 = tpu.memref_slice %arg7[%arg0, %mul3A_2, %dma_start3A_187] : memref<2x10000x128xf32, #tpu.memory_space<hbm>> -> memref<1x624x128xf32, #tpu.memory_space<hbm>>
      %dma_start3A_189 = tpu.memref_squeeze %dma_start3A_188 : memref<1x624x128xf32, #tpu.memory_space<hbm>> -> memref<624x128xf32, #tpu.memory_space<hbm>>
      %dma_start3A_190 = arith.constant 0 : i32
      %dma_start3A_191 = tpu.memref_slice %arg15[%mul3A_2, %dma_start3A_190] : memref<10008x128xf32, #tpu.memory_space<vmem_shared>> -> memref<624x128xf32, #tpu.memory_space<vmem_shared>>
      tpu.enqueue_dma source(%dma_start3A_191 : memref<624x128xf32, #tpu.memory_space<vmem_shared>>) target(%dma_start3A_189 : memref<624x128xf32, #tpu.memory_space<hbm>>) target_semaphore(%run_scoped3A : memref<!tpu.dma_semaphore, #tpu.memory_space<semaphore_mem>>)
      %dma_wait3A = arith.constant 0 : i32
      %dma_wait3A_192 = tpu.memref_slice %arg7[%arg0, %mul3A_2, %dma_wait3A] : memref<2x10000x128xf32, #tpu.memory_space<hbm>> -> memref<1x624x128xf32, #tpu.memory_space<hbm>>
      %dma_wait3A_193 = tpu.memref_squeeze %dma_wait3A_192 : memref<1x624x128xf32, #tpu.memory_space<hbm>> -> memref<624x128xf32, #tpu.memory_space<hbm>>
      %dma_wait3A_194 = arith.constant 0 : i32
      %dma_wait3A_195 = tpu.memref_slice %arg15[%mul3A_2, %dma_wait3A_194] : memref<10008x128xf32, #tpu.memory_space<vmem_shared>> -> memref<624x128xf32, #tpu.memory_space<vmem_shared>>
      tpu.wait_dma2 semaphore(%run_scoped3A : memref<!tpu.dma_semaphore, #tpu.memory_space<semaphore_mem>>) src(%dma_wait3A_195 : memref<624x128xf32, #tpu.memory_space<vmem_shared>>) dst(%dma_wait3A_193 : memref<624x128xf32, #tpu.memory_space<hbm>>)
      tpu.yield
    }) : () -> ()
    %eq3A_13 = arith.constant 0 : i32
    %eq3A_14 = arith.cmpi eq, %arg1, %eq3A_13 : i32
    %convert_element_type3A_15 = arith.extui %eq3A_14 : i1 to i32
    %cond3A_16 = arith.constant 0 : i32
    %cond3A_17 = arith.cmpi ne, %convert_element_type3A_15, %cond3A_16 : i32
    scf.if %cond3A_17 {
      "tpu.region"() ({
        %run_scoped3A = tpu.sem_alloc : memref<!tpu.dma_semaphore, #tpu.memory_space<semaphore_mem>>
        %dma_start3A_187 = arith.constant 9984 : i32
        %dma_start3A_188 = arith.constant 0 : i32
        %dma_start3A_189 = tpu.memref_slice %arg7[%arg0, %dma_start3A_187, %dma_start3A_188] : memref<2x10000x128xf32, #tpu.memory_space<hbm>> -> memref<1x16x128xf32, #tpu.memory_space<hbm>>
        %dma_start3A_190 = tpu.memref_squeeze %dma_start3A_189 : memref<1x16x128xf32, #tpu.memory_space<hbm>> -> memref<16x128xf32, #tpu.memory_space<hbm>>
        %dma_start3A_191 = arith.constant 9984 : i32
        %dma_start3A_192 = arith.constant 0 : i32
        %dma_start3A_193 = tpu.memref_slice %arg15[%dma_start3A_191, %dma_start3A_192] : memref<10008x128xf32, #tpu.memory_space<vmem_shared>> -> memref<16x128xf32, #tpu.memory_space<vmem_shared>>
        tpu.enqueue_dma source(%dma_start3A_193 : memref<16x128xf32, #tpu.memory_space<vmem_shared>>) target(%dma_start3A_190 : memref<16x128xf32, #tpu.memory_space<hbm>>) target_semaphore(%run_scoped3A : memref<!tpu.dma_semaphore, #tpu.memory_space<semaphore_mem>>)
        %dma_wait3A = arith.constant 9984 : i32
        %dma_wait3A_194 = arith.constant 0 : i32
        %dma_wait3A_195 = tpu.memref_slice %arg7[%arg0, %dma_wait3A, %dma_wait3A_194] : memref<2x10000x128xf32, #tpu.memory_space<hbm>> -> memref<1x16x128xf32, #tpu.memory_space<hbm>>
        %dma_wait3A_196 = tpu.memref_squeeze %dma_wait3A_195 : memref<1x16x128xf32, #tpu.memory_space<hbm>> -> memref<16x128xf32, #tpu.memory_space<hbm>>
        %dma_wait3A_197 = arith.constant 9984 : i32
        %dma_wait3A_198 = arith.constant 0 : i32
        %dma_wait3A_199 = tpu.memref_slice %arg15[%dma_wait3A_197, %dma_wait3A_198] : memref<10008x128xf32, #tpu.memory_space<vmem_shared>> -> memref<16x128xf32, #tpu.memory_space<vmem_shared>>
        tpu.wait_dma2 semaphore(%run_scoped3A : memref<!tpu.dma_semaphore, #tpu.memory_space<semaphore_mem>>) src(%dma_wait3A_199 : memref<16x128xf32, #tpu.memory_space<vmem_shared>>) dst(%dma_wait3A_196 : memref<16x128xf32, #tpu.memory_space<hbm>>)
        tpu.yield
      }) : () -> ()
    } else {
    }
    %barrier3A_18 = arith.constant 0 : index
    tpu.barrier barrier_id(%barrier3A_18)
    "tpu.region"() ({
      %run_scoped3A = tpu.sem_alloc : memref<!tpu.dma_semaphore, #tpu.memory_space<semaphore_mem>>
      %dma_start3A_187 = arith.constant 0 : i32
      %dma_start3A_188 = tpu.memref_slice %arg15[%mul3A_2, %dma_start3A_187] : memref<10008x128xf32, #tpu.memory_space<vmem_shared>> -> memref<624x128xf32, #tpu.memory_space<vmem_shared>>
      %dma_start3A_189 = arith.constant 0 : i32
      %dma_start3A_190 = tpu.memref_slice %arg4[%mul3A_2, %dma_start3A_189] : memref<10000x128xf32, #tpu.memory_space<hbm>> -> memref<624x128xf32, #tpu.memory_space<hbm>>
      tpu.enqueue_dma source(%dma_start3A_190 : memref<624x128xf32, #tpu.memory_space<hbm>>) target(%dma_start3A_188 : memref<624x128xf32, #tpu.memory_space<vmem_shared>>) target_semaphore(%run_scoped3A : memref<!tpu.dma_semaphore, #tpu.memory_space<semaphore_mem>>)
      %dma_wait3A = arith.constant 0 : i32
      %dma_wait3A_191 = tpu.memref_slice %arg15[%mul3A_2, %dma_wait3A] : memref<10008x128xf32, #tpu.memory_space<vmem_shared>> -> memref<624x128xf32, #tpu.memory_space<vmem_shared>>
      %dma_wait3A_192 = arith.constant 0 : i32
      %dma_wait3A_193 = tpu.memref_slice %arg4[%mul3A_2, %dma_wait3A_192] : memref<10000x128xf32, #tpu.memory_space<hbm>> -> memref<624x128xf32, #tpu.memory_space<hbm>>
      tpu.wait_dma2 semaphore(%run_scoped3A : memref<!tpu.dma_semaphore, #tpu.memory_space<semaphore_mem>>) src(%dma_wait3A_193 : memref<624x128xf32, #tpu.memory_space<hbm>>) dst(%dma_wait3A_191 : memref<624x128xf32, #tpu.memory_space<vmem_shared>>)
      tpu.yield
    }) : () -> ()
    %eq3A_19 = arith.constant 0 : i32
    %eq3A_20 = arith.cmpi eq, %arg1, %eq3A_19 : i32
    %convert_element_type3A_21 = arith.extui %eq3A_20 : i1 to i32
    %cond3A_22 = arith.constant 0 : i32
    %cond3A_23 = arith.cmpi ne, %convert_element_type3A_21, %cond3A_22 : i32
    scf.if %cond3A_23 {
      "tpu.region"() ({
        %run_scoped3A = tpu.sem_alloc : memref<!tpu.dma_semaphore, #tpu.memory_space<semaphore_mem>>
        %dma_start3A_187 = arith.constant 9984 : i32
        %dma_start3A_188 = arith.constant 0 : i32
        %dma_start3A_189 = tpu.memref_slice %arg15[%dma_start3A_187, %dma_start3A_188] : memref<10008x128xf32, #tpu.memory_space<vmem_shared>> -> memref<16x128xf32, #tpu.memory_space<vmem_shared>>
        %dma_start3A_190 = arith.constant 9984 : i32
        %dma_start3A_191 = arith.constant 0 : i32
        %dma_start3A_192 = tpu.memref_slice %arg4[%dma_start3A_190, %dma_start3A_191] : memref<10000x128xf32, #tpu.memory_space<hbm>> -> memref<16x128xf32, #tpu.memory_space<hbm>>
        tpu.enqueue_dma source(%dma_start3A_192 : memref<16x128xf32, #tpu.memory_space<hbm>>) target(%dma_start3A_189 : memref<16x128xf32, #tpu.memory_space<vmem_shared>>) target_semaphore(%run_scoped3A : memref<!tpu.dma_semaphore, #tpu.memory_space<semaphore_mem>>)
        %dma_wait3A = arith.constant 9984 : i32
        %dma_wait3A_193 = arith.constant 0 : i32
        %dma_wait3A_194 = tpu.memref_slice %arg15[%dma_wait3A, %dma_wait3A_193] : memref<10008x128xf32, #tpu.memory_space<vmem_shared>> -> memref<16x128xf32, #tpu.memory_space<vmem_shared>>
        %dma_wait3A_195 = arith.constant 9984 : i32
        %dma_wait3A_196 = arith.constant 0 : i32
        %dma_wait3A_197 = tpu.memref_slice %arg4[%dma_wait3A_195, %dma_wait3A_196] : memref<10000x128xf32, #tpu.memory_space<hbm>> -> memref<16x128xf32, #tpu.memory_space<hbm>>
        tpu.wait_dma2 semaphore(%run_scoped3A : memref<!tpu.dma_semaphore, #tpu.memory_space<semaphore_mem>>) src(%dma_wait3A_197 : memref<16x128xf32, #tpu.memory_space<hbm>>) dst(%dma_wait3A_194 : memref<16x128xf32, #tpu.memory_space<vmem_shared>>)
        tpu.yield
      }) : () -> ()
    } else {
    }
    %barrier3A_24 = arith.constant 0 : index
    tpu.barrier barrier_id(%barrier3A_24)
    %get3A = arith.constant 0 : i32
    %get3A_25 = arith.index_cast %get3A : i32 to index
    %get3A_26 = arith.constant 0 : index
    %get3A_27 = tpu.vector_load %arg8[%get3A_25, %get3A_26] {strides = array<i32>} : memref<80x128xi32, #tpu.memory_space<vmem>>, vector<1x16xi32>,
    %get3A_28 = vector.shape_cast %get3A_27 : vector<1x16xi32> to vector<16xi32>
    %and3A = arith.constant 65535 : i32
    %and3A_29 = vector.broadcast %and3A : i32 to vector<16xi32>
    %and3A_30 = arith.andi %get3A_28, %and3A_29 : vector<16xi32>
    %swap3A = arith.constant 0 : index
    %swap3A_31 = tpu.vector_load %arg9[%swap3A] {strides = array<i32>} : memref<128xi32, #tpu.memory_space<vmem>>, vector<16xi32>,
    %swap3A_32 = vector.shape_cast %swap3A_31 : vector<16xi32> to vector<16xi32>
    %swap3A_33 = vector.shape_cast %and3A_30 : vector<16xi32> to vector<16xi32>
    tpu.vector_store %arg9[%swap3A], %swap3A_33 {strides = array<i32>} : memref<128xi32, #tpu.memory_space<vmem>>, vector<16xi32>,
    %shift_right_logical3A = arith.constant 16 : i32
    %shift_right_logical3A_34 = vector.broadcast %shift_right_logical3A : i32 to vector<16xi32>
    %shift_right_logical3A_35 = arith.shrui %get3A_28, %shift_right_logical3A_34 : vector<16xi32>
    %swap3A_36 = arith.constant 0 : index
    %swap3A_37 = tpu.vector_load %arg10[%swap3A_36] {strides = array<i32>} : memref<128xi32, #tpu.memory_space<vmem>>, vector<16xi32>,
    %swap3A_38 = vector.shape_cast %swap3A_37 : vector<16xi32> to vector<16xi32>
    %swap3A_39 = vector.shape_cast %shift_right_logical3A_35 : vector<16xi32> to vector<16xi32>
    tpu.vector_store %arg10[%swap3A_36], %swap3A_39 {strides = array<i32>} : memref<128xi32, #tpu.memory_space<vmem>>, vector<16xi32>,
    %get3A_40 = arith.constant 0 : i32
    %get3A_41 = arith.index_cast %get3A_40 : i32 to index
    %get3A_42 = arith.constant 16 : index
    %get3A_43 = tpu.vector_load %arg8[%get3A_41, %get3A_42] {strides = array<i32>} : memref<80x128xi32, #tpu.memory_space<vmem>>, vector<1x16xi32>,
    %get3A_44 = vector.shape_cast %get3A_43 : vector<1x16xi32> to vector<16xi32>
    %and3A_45 = arith.constant 65535 : i32
    %and3A_46 = vector.broadcast %and3A_45 : i32 to vector<16xi32>
    %and3A_47 = arith.andi %get3A_44, %and3A_46 : vector<16xi32>
    %swap3A_48 = arith.constant 16 : index
    %swap3A_49 = tpu.vector_load %arg9[%swap3A_48] {strides = array<i32>} : memref<128xi32, #tpu.memory_space<vmem>>, vector<16xi32>,
    %swap3A_50 = vector.shape_cast %swap3A_49 : vector<16xi32> to vector<16xi32>
    %swap3A_51 = vector.shape_cast %and3A_47 : vector<16xi32> to vector<16xi32>
    tpu.vector_store %arg9[%swap3A_48], %swap3A_51 {strides = array<i32>} : memref<128xi32, #tpu.memory_space<vmem>>, vector<16xi32>,
    %shift_right_logical3A_52 = arith.constant 16 : i32
    %shift_right_logical3A_53 = vector.broadcast %shift_right_logical3A_52 : i32 to vector<16xi32>
    %shift_right_logical3A_54 = arith.shrui %get3A_44, %shift_right_logical3A_53 : vector<16xi32>
    %swap3A_55 = arith.constant 16 : index
    %swap3A_56 = tpu.vector_load %arg10[%swap3A_55] {strides = array<i32>} : memref<128xi32, #tpu.memory_space<vmem>>, vector<16xi32>,
    %swap3A_57 = vector.shape_cast %swap3A_56 : vector<16xi32> to vector<16xi32>
    %swap3A_58 = vector.shape_cast %shift_right_logical3A_54 : vector<16xi32> to vector<16xi32>
    tpu.vector_store %arg10[%swap3A_55], %swap3A_58 {strides = array<i32>} : memref<128xi32, #tpu.memory_space<vmem>>, vector<16xi32>,
    %get3A_59 = arith.constant 0 : i32
    %get3A_60 = arith.index_cast %get3A_59 : i32 to index
    %get3A_61 = arith.constant 32 : index
    %get3A_62 = tpu.vector_load %arg8[%get3A_60, %get3A_61] {strides = array<i32>} : memref<80x128xi32, #tpu.memory_space<vmem>>, vector<1x16xi32>,
    %get3A_63 = vector.shape_cast %get3A_62 : vector<1x16xi32> to vector<16xi32>
    %and3A_64 = arith.constant 65535 : i32
    %and3A_65 = vector.broadcast %and3A_64 : i32 to vector<16xi32>
    %and3A_66 = arith.andi %get3A_63, %and3A_65 : vector<16xi32>
    %swap3A_67 = arith.constant 32 : index
    %swap3A_68 = tpu.vector_load %arg9[%swap3A_67] {strides = array<i32>} : memref<128xi32, #tpu.memory_space<vmem>>, vector<16xi32>,
    %swap3A_69 = vector.shape_cast %swap3A_68 : vector<16xi32> to vector<16xi32>
    %swap3A_70 = vector.shape_cast %and3A_66 : vector<16xi32> to vector<16xi32>
    tpu.vector_store %arg9[%swap3A_67], %swap3A_70 {strides = array<i32>} : memref<128xi32, #tpu.memory_space<vmem>>, vector<16xi32>,
    %shift_right_logical3A_71 = arith.constant 16 : i32
    %shift_right_logical3A_72 = vector.broadcast %shift_right_logical3A_71 : i32 to vector<16xi32>
    %shift_right_logical3A_73 = arith.shrui %get3A_63, %shift_right_logical3A_72 : vector<16xi32>
    %swap3A_74 = arith.constant 32 : index
    %swap3A_75 = tpu.vector_load %arg10[%swap3A_74] {strides = array<i32>} : memref<128xi32, #tpu.memory_space<vmem>>, vector<16xi32>,
    %swap3A_76 = vector.shape_cast %swap3A_75 : vector<16xi32> to vector<16xi32>
    %swap3A_77 = vector.shape_cast %shift_right_logical3A_73 : vector<16xi32> to vector<16xi32>
    tpu.vector_store %arg10[%swap3A_74], %swap3A_77 {strides = array<i32>} : memref<128xi32, #tpu.memory_space<vmem>>, vector<16xi32>,
    %get3A_78 = arith.constant 0 : i32
    %get3A_79 = arith.index_cast %get3A_78 : i32 to index
    %get3A_80 = arith.constant 48 : index
    %get3A_81 = tpu.vector_load %arg8[%get3A_79, %get3A_80] {strides = array<i32>} : memref<80x128xi32, #tpu.memory_space<vmem>>, vector<1x16xi32>,
    %get3A_82 = vector.shape_cast %get3A_81 : vector<1x16xi32> to vector<16xi32>
    %and3A_83 = arith.constant 65535 : i32
    %and3A_84 = vector.broadcast %and3A_83 : i32 to vector<16xi32>
    %and3A_85 = arith.andi %get3A_82, %and3A_84 : vector<16xi32>
    %swap3A_86 = arith.constant 48 : index
    %swap3A_87 = tpu.vector_load %arg9[%swap3A_86] {strides = array<i32>} : memref<128xi32, #tpu.memory_space<vmem>>, vector<16xi32>,
    %swap3A_88 = vector.shape_cast %swap3A_87 : vector<16xi32> to vector<16xi32>
    %swap3A_89 = vector.shape_cast %and3A_85 : vector<16xi32> to vector<16xi32>
    tpu.vector_store %arg9[%swap3A_86], %swap3A_89 {strides = array<i32>} : memref<128xi32, #tpu.memory_space<vmem>>, vector<16xi32>,
    %shift_right_logical3A_90 = arith.constant 16 : i32
    %shift_right_logical3A_91 = vector.broadcast %shift_right_logical3A_90 : i32 to vector<16xi32>
    %shift_right_logical3A_92 = arith.shrui %get3A_82, %shift_right_logical3A_91 : vector<16xi32>
    %swap3A_93 = arith.constant 48 : index
    %swap3A_94 = tpu.vector_load %arg10[%swap3A_93] {strides = array<i32>} : memref<128xi32, #tpu.memory_space<vmem>>, vector<16xi32>,
    %swap3A_95 = vector.shape_cast %swap3A_94 : vector<16xi32> to vector<16xi32>
    %swap3A_96 = vector.shape_cast %shift_right_logical3A_92 : vector<16xi32> to vector<16xi32>
    tpu.vector_store %arg10[%swap3A_93], %swap3A_96 {strides = array<i32>} : memref<128xi32, #tpu.memory_space<vmem>>, vector<16xi32>,
    %get3A_97 = arith.constant 0 : i32
    %get3A_98 = arith.index_cast %get3A_97 : i32 to index
    %get3A_99 = arith.constant 64 : index
    %get3A_100 = tpu.vector_load %arg8[%get3A_98, %get3A_99] {strides = array<i32>} : memref<80x128xi32, #tpu.memory_space<vmem>>, vector<1x16xi32>,
    %get3A_101 = vector.shape_cast %get3A_100 : vector<1x16xi32> to vector<16xi32>
    %and3A_102 = arith.constant 65535 : i32
    %and3A_103 = vector.broadcast %and3A_102 : i32 to vector<16xi32>
    %and3A_104 = arith.andi %get3A_101, %and3A_103 : vector<16xi32>
    %swap3A_105 = arith.constant 64 : index
    %swap3A_106 = tpu.vector_load %arg9[%swap3A_105] {strides = array<i32>} : memref<128xi32, #tpu.memory_space<vmem>>, vector<16xi32>,
    %swap3A_107 = vector.shape_cast %swap3A_106 : vector<16xi32> to vector<16xi32>
    %swap3A_108 = vector.shape_cast %and3A_104 : vector<16xi32> to vector<16xi32>
    tpu.vector_store %arg9[%swap3A_105], %swap3A_108 {strides = array<i32>} : memref<128xi32, #tpu.memory_space<vmem>>, vector<16xi32>,
    %shift_right_logical3A_109 = arith.constant 16 : i32
    %shift_right_logical3A_110 = vector.broadcast %shift_right_logical3A_109 : i32 to vector<16xi32>
    %shift_right_logical3A_111 = arith.shrui %get3A_101, %shift_right_logical3A_110 : vector<16xi32>
    %swap3A_112 = arith.constant 64 : index
    %swap3A_113 = tpu.vector_load %arg10[%swap3A_112] {strides = array<i32>} : memref<128xi32, #tpu.memory_space<vmem>>, vector<16xi32>,
    %swap3A_114 = vector.shape_cast %swap3A_113 : vector<16xi32> to vector<16xi32>
    %swap3A_115 = vector.shape_cast %shift_right_logical3A_111 : vector<16xi32> to vector<16xi32>
    tpu.vector_store %arg10[%swap3A_112], %swap3A_115 {strides = array<i32>} : memref<128xi32, #tpu.memory_space<vmem>>, vector<16xi32>,
    %get3A_116 = arith.constant 0 : i32
    %get3A_117 = arith.index_cast %get3A_116 : i32 to index
    %get3A_118 = arith.constant 80 : index
    %get3A_119 = tpu.vector_load %arg8[%get3A_117, %get3A_118] {strides = array<i32>} : memref<80x128xi32, #tpu.memory_space<vmem>>, vector<1x16xi32>,
    %get3A_120 = vector.shape_cast %get3A_119 : vector<1x16xi32> to vector<16xi32>
    %and3A_121 = arith.constant 65535 : i32
    %and3A_122 = vector.broadcast %and3A_121 : i32 to vector<16xi32>
    %and3A_123 = arith.andi %get3A_120, %and3A_122 : vector<16xi32>
    %swap3A_124 = arith.constant 80 : index
    %swap3A_125 = tpu.vector_load %arg9[%swap3A_124] {strides = array<i32>} : memref<128xi32, #tpu.memory_space<vmem>>, vector<16xi32>,
    %swap3A_126 = vector.shape_cast %swap3A_125 : vector<16xi32> to vector<16xi32>
    %swap3A_127 = vector.shape_cast %and3A_123 : vector<16xi32> to vector<16xi32>
    tpu.vector_store %arg9[%swap3A_124], %swap3A_127 {strides = array<i32>} : memref<128xi32, #tpu.memory_space<vmem>>, vector<16xi32>,
    %shift_right_logical3A_128 = arith.constant 16 : i32
    %shift_right_logical3A_129 = vector.broadcast %shift_right_logical3A_128 : i32 to vector<16xi32>
    %shift_right_logical3A_130 = arith.shrui %get3A_120, %shift_right_logical3A_129 : vector<16xi32>
    %swap3A_131 = arith.constant 80 : index
    %swap3A_132 = tpu.vector_load %arg10[%swap3A_131] {strides = array<i32>} : memref<128xi32, #tpu.memory_space<vmem>>, vector<16xi32>,
    %swap3A_133 = vector.shape_cast %swap3A_132 : vector<16xi32> to vector<16xi32>
    %swap3A_134 = vector.shape_cast %shift_right_logical3A_130 : vector<16xi32> to vector<16xi32>
    tpu.vector_store %arg10[%swap3A_131], %swap3A_134 {strides = array<i32>} : memref<128xi32, #tpu.memory_space<vmem>>, vector<16xi32>,
    %get3A_135 = arith.constant 0 : i32
    %get3A_136 = arith.index_cast %get3A_135 : i32 to index
    %get3A_137 = arith.constant 96 : index
    %get3A_138 = tpu.vector_load %arg8[%get3A_136, %get3A_137] {strides = array<i32>} : memref<80x128xi32, #tpu.memory_space<vmem>>, vector<1x16xi32>,
    %get3A_139 = vector.shape_cast %get3A_138 : vector<1x16xi32> to vector<16xi32>
    %and3A_140 = arith.constant 65535 : i32
    %and3A_141 = vector.broadcast %and3A_140 : i32 to vector<16xi32>
    %and3A_142 = arith.andi %get3A_139, %and3A_141 : vector<16xi32>
    %swap3A_143 = arith.constant 96 : index
    %swap3A_144 = tpu.vector_load %arg9[%swap3A_143] {strides = array<i32>} : memref<128xi32, #tpu.memory_space<vmem>>, vector<16xi32>,
    %swap3A_145 = vector.shape_cast %swap3A_144 : vector<16xi32> to vector<16xi32>
    %swap3A_146 = vector.shape_cast %and3A_142 : vector<16xi32> to vector<16xi32>
    tpu.vector_store %arg9[%swap3A_143], %swap3A_146 {strides = array<i32>} : memref<128xi32, #tpu.memory_space<vmem>>, vector<16xi32>,
    %shift_right_logical3A_147 = arith.constant 16 : i32
    %shift_right_logical3A_148 = vector.broadcast %shift_right_logical3A_147 : i32 to vector<16xi32>
    %shift_right_logical3A_149 = arith.shrui %get3A_139, %shift_right_logical3A_148 : vector<16xi32>
    %swap3A_150 = arith.constant 96 : index
    %swap3A_151 = tpu.vector_load %arg10[%swap3A_150] {strides = array<i32>} : memref<128xi32, #tpu.memory_space<vmem>>, vector<16xi32>,
    %swap3A_152 = vector.shape_cast %swap3A_151 : vector<16xi32> to vector<16xi32>
    %swap3A_153 = vector.shape_cast %shift_right_logical3A_149 : vector<16xi32> to vector<16xi32>
    tpu.vector_store %arg10[%swap3A_150], %swap3A_153 {strides = array<i32>} : memref<128xi32, #tpu.memory_space<vmem>>, vector<16xi32>,
    %get3A_154 = arith.constant 0 : i32
    %get3A_155 = arith.index_cast %get3A_154 : i32 to index
    %get3A_156 = arith.constant 112 : index
    %get3A_157 = tpu.vector_load %arg8[%get3A_155, %get3A_156] {strides = array<i32>} : memref<80x128xi32, #tpu.memory_space<vmem>>, vector<1x16xi32>,
    %get3A_158 = vector.shape_cast %get3A_157 : vector<1x16xi32> to vector<16xi32>
    %and3A_159 = arith.constant 65535 : i32
    %and3A_160 = vector.broadcast %and3A_159 : i32 to vector<16xi32>
    %and3A_161 = arith.andi %get3A_158, %and3A_160 : vector<16xi32>
    %swap3A_162 = arith.constant 112 : index
    %swap3A_163 = tpu.vector_load %arg9[%swap3A_162] {strides = array<i32>} : memref<128xi32, #tpu.memory_space<vmem>>, vector<16xi32>,
    %swap3A_164 = vector.shape_cast %swap3A_163 : vector<16xi32> to vector<16xi32>
    %swap3A_165 = vector.shape_cast %and3A_161 : vector<16xi32> to vector<16xi32>
    tpu.vector_store %arg9[%swap3A_162], %swap3A_165 {strides = array<i32>} : memref<128xi32, #tpu.memory_space<vmem>>, vector<16xi32>,
    %shift_right_logical3A_166 = arith.constant 16 : i32
    %shift_right_logical3A_167 = vector.broadcast %shift_right_logical3A_166 : i32 to vector<16xi32>
    %shift_right_logical3A_168 = arith.shrui %get3A_158, %shift_right_logical3A_167 : vector<16xi32>
    %swap3A_169 = arith.constant 112 : index
    %swap3A_170 = tpu.vector_load %arg10[%swap3A_169] {strides = array<i32>} : memref<128xi32, #tpu.memory_space<vmem>>, vector<16xi32>,
    %swap3A_171 = vector.shape_cast %swap3A_170 : vector<16xi32> to vector<16xi32>
    %swap3A_172 = vector.shape_cast %shift_right_logical3A_168 : vector<16xi32> to vector<16xi32>
    tpu.vector_store %arg10[%swap3A_169], %swap3A_172 {strides = array<i32>} : memref<128xi32, #tpu.memory_space<vmem>>, vector<16xi32>,
    %dma_start3A = arith.constant 0 : i32
    %dma_start3A_173 = arith.constant 0 : i32
    %dma_start3A_174 = tpu.memref_slice %arg2[%dma_start3A, %dma_start3A_173] : memref<10000x128xf32, #tpu.memory_space<hbm>> -> memref<10000x128xf32, #tpu.memory_space<hbm>>
    tpu.enqueue_indirect_dma source(%dma_start3A_174 : memref<10000x128xf32, #tpu.memory_space<hbm>>) target(%arg13 : memref<128x128xf32, #tpu.memory_space<vmem>>) offsets(%arg9 : memref<128xi32, #tpu.memory_space<vmem>>) semaphore(%arg16 : memref<!tpu.dma_semaphore, #tpu.memory_space<semaphore_mem>>)
    %scan3A_175 = arith.constant 0 : i32
    %scan3A_176 = arith.constant 0 : i32
    %scan3A_177 = arith.constant 40 : i32
    %scan3A_178 = arith.addi %scan3A_176, %scan3A_177 : i32
    %scan3A_179 = arith.constant 1 : i32
    scf.for %scan3A_187 = %scan3A_176 to %scan3A_178 step %scan3A_179  : i32 {
      %mul3A_188 = arith.constant 2 : i32
      %mul3A_189 = arith.muli %mul3A_188, %scan3A_187 : i32
      %add3A_190 = arith.constant 1 : i32
      %add3A_191 = arith.addi %mul3A_189, %add3A_190 : i32
      %get3A_192 = arith.index_cast %add3A_191 : i32 to index
      %get3A_193 = arith.constant 0 : index
      %get3A_194 = tpu.vector_load %arg8[%get3A_192, %get3A_193] {strides = array<i32>} : memref<80x128xi32, #tpu.memory_space<vmem>>, vector<1x16xi32>,
      %get3A_195 = vector.shape_cast %get3A_194 : vector<1x16xi32> to vector<16xi32>
      %and3A_196 = arith.constant 65535 : i32
      %and3A_197 = vector.broadcast %and3A_196 : i32 to vector<16xi32>
      %and3A_198 = arith.andi %get3A_195, %and3A_197 : vector<16xi32>
      %swap3A_199 = arith.constant 0 : index
      %swap3A_200 = tpu.vector_load %arg11[%swap3A_199] {strides = array<i32>} : memref<128xi32, #tpu.memory_space<vmem>>, vector<16xi32>,
      %swap3A_201 = vector.shape_cast %swap3A_200 : vector<16xi32> to vector<16xi32>
      %swap3A_202 = vector.shape_cast %and3A_198 : vector<16xi32> to vector<16xi32>
      tpu.vector_store %arg11[%swap3A_199], %swap3A_202 {strides = array<i32>} : memref<128xi32, #tpu.memory_space<vmem>>, vector<16xi32>,
      %shift_right_logical3A_203 = arith.constant 16 : i32
      %shift_right_logical3A_204 = vector.broadcast %shift_right_logical3A_203 : i32 to vector<16xi32>
      %shift_right_logical3A_205 = arith.shrui %get3A_195, %shift_right_logical3A_204 : vector<16xi32>
      %swap3A_206 = arith.constant 0 : index
      %swap3A_207 = tpu.vector_load %arg12[%swap3A_206] {strides = array<i32>} : memref<128xi32, #tpu.memory_space<vmem>>, vector<16xi32>,
      %swap3A_208 = vector.shape_cast %swap3A_207 : vector<16xi32> to vector<16xi32>
      %swap3A_209 = vector.shape_cast %shift_right_logical3A_205 : vector<16xi32> to vector<16xi32>
      tpu.vector_store %arg12[%swap3A_206], %swap3A_209 {strides = array<i32>} : memref<128xi32, #tpu.memory_space<vmem>>, vector<16xi32>,
      %get3A_210 = arith.index_cast %add3A_191 : i32 to index
      %get3A_211 = arith.constant 16 : index
      %get3A_212 = tpu.vector_load %arg8[%get3A_210, %get3A_211] {strides = array<i32>} : memref<80x128xi32, #tpu.memory_space<vmem>>, vector<1x16xi32>,
      %get3A_213 = vector.shape_cast %get3A_212 : vector<1x16xi32> to vector<16xi32>
      %and3A_214 = arith.constant 65535 : i32
      %and3A_215 = vector.broadcast %and3A_214 : i32 to vector<16xi32>
      %and3A_216 = arith.andi %get3A_213, %and3A_215 : vector<16xi32>
      %swap3A_217 = arith.constant 16 : index
      %swap3A_218 = tpu.vector_load %arg11[%swap3A_217] {strides = array<i32>} : memref<128xi32, #tpu.memory_space<vmem>>, vector<16xi32>,
      %swap3A_219 = vector.shape_cast %swap3A_218 : vector<16xi32> to vector<16xi32>
      %swap3A_220 = vector.shape_cast %and3A_216 : vector<16xi32> to vector<16xi32>
      tpu.vector_store %arg11[%swap3A_217], %swap3A_220 {strides = array<i32>} : memref<128xi32, #tpu.memory_space<vmem>>, vector<16xi32>,
      %shift_right_logical3A_221 = arith.constant 16 : i32
      %shift_right_logical3A_222 = vector.broadcast %shift_right_logical3A_221 : i32 to vector<16xi32>
      %shift_right_logical3A_223 = arith.shrui %get3A_213, %shift_right_logical3A_222 : vector<16xi32>
      %swap3A_224 = arith.constant 16 : index
      %swap3A_225 = tpu.vector_load %arg12[%swap3A_224] {strides = array<i32>} : memref<128xi32, #tpu.memory_space<vmem>>, vector<16xi32>,
      %swap3A_226 = vector.shape_cast %swap3A_225 : vector<16xi32> to vector<16xi32>
      %swap3A_227 = vector.shape_cast %shift_right_logical3A_223 : vector<16xi32> to vector<16xi32>
      tpu.vector_store %arg12[%swap3A_224], %swap3A_227 {strides = array<i32>} : memref<128xi32, #tpu.memory_space<vmem>>, vector<16xi32>,
      %get3A_228 = arith.index_cast %add3A_191 : i32 to index
      %get3A_229 = arith.constant 32 : index
      %get3A_230 = tpu.vector_load %arg8[%get3A_228, %get3A_229] {strides = array<i32>} : memref<80x128xi32, #tpu.memory_space<vmem>>, vector<1x16xi32>,
      %get3A_231 = vector.shape_cast %get3A_230 : vector<1x16xi32> to vector<16xi32>
      %and3A_232 = arith.constant 65535 : i32
      %and3A_233 = vector.broadcast %and3A_232 : i32 to vector<16xi32>
      %and3A_234 = arith.andi %get3A_231, %and3A_233 : vector<16xi32>
      %swap3A_235 = arith.constant 32 : index
      %swap3A_236 = tpu.vector_load %arg11[%swap3A_235] {strides = array<i32>} : memref<128xi32, #tpu.memory_space<vmem>>, vector<16xi32>,
      %swap3A_237 = vector.shape_cast %swap3A_236 : vector<16xi32> to vector<16xi32>
      %swap3A_238 = vector.shape_cast %and3A_234 : vector<16xi32> to vector<16xi32>
      tpu.vector_store %arg11[%swap3A_235], %swap3A_238 {strides = array<i32>} : memref<128xi32, #tpu.memory_space<vmem>>, vector<16xi32>,
      %shift_right_logical3A_239 = arith.constant 16 : i32
      %shift_right_logical3A_240 = vector.broadcast %shift_right_logical3A_239 : i32 to vector<16xi32>
      %shift_right_logical3A_241 = arith.shrui %get3A_231, %shift_right_logical3A_240 : vector<16xi32>
      %swap3A_242 = arith.constant 32 : index
      %swap3A_243 = tpu.vector_load %arg12[%swap3A_242] {strides = array<i32>} : memref<128xi32, #tpu.memory_space<vmem>>, vector<16xi32>,
      %swap3A_244 = vector.shape_cast %swap3A_243 : vector<16xi32> to vector<16xi32>
      %swap3A_245 = vector.shape_cast %shift_right_logical3A_241 : vector<16xi32> to vector<16xi32>
      tpu.vector_store %arg12[%swap3A_242], %swap3A_245 {strides = array<i32>} : memref<128xi32, #tpu.memory_space<vmem>>, vector<16xi32>,
      %get3A_246 = arith.index_cast %add3A_191 : i32 to index
      %get3A_247 = arith.constant 48 : index
      %get3A_248 = tpu.vector_load %arg8[%get3A_246, %get3A_247] {strides = array<i32>} : memref<80x128xi32, #tpu.memory_space<vmem>>, vector<1x16xi32>,
      %get3A_249 = vector.shape_cast %get3A_248 : vector<1x16xi32> to vector<16xi32>
      %and3A_250 = arith.constant 65535 : i32
      %and3A_251 = vector.broadcast %and3A_250 : i32 to vector<16xi32>
      %and3A_252 = arith.andi %get3A_249, %and3A_251 : vector<16xi32>
      %swap3A_253 = arith.constant 48 : index
      %swap3A_254 = tpu.vector_load %arg11[%swap3A_253] {strides = array<i32>} : memref<128xi32, #tpu.memory_space<vmem>>, vector<16xi32>,
      %swap3A_255 = vector.shape_cast %swap3A_254 : vector<16xi32> to vector<16xi32>
      %swap3A_256 = vector.shape_cast %and3A_252 : vector<16xi32> to vector<16xi32>
      tpu.vector_store %arg11[%swap3A_253], %swap3A_256 {strides = array<i32>} : memref<128xi32, #tpu.memory_space<vmem>>, vector<16xi32>,
      %shift_right_logical3A_257 = arith.constant 16 : i32
      %shift_right_logical3A_258 = vector.broadcast %shift_right_logical3A_257 : i32 to vector<16xi32>
      %shift_right_logical3A_259 = arith.shrui %get3A_249, %shift_right_logical3A_258 : vector<16xi32>
      %swap3A_260 = arith.constant 48 : index
      %swap3A_261 = tpu.vector_load %arg12[%swap3A_260] {strides = array<i32>} : memref<128xi32, #tpu.memory_space<vmem>>, vector<16xi32>,
      %swap3A_262 = vector.shape_cast %swap3A_261 : vector<16xi32> to vector<16xi32>
      %swap3A_263 = vector.shape_cast %shift_right_logical3A_259 : vector<16xi32> to vector<16xi32>
      tpu.vector_store %arg12[%swap3A_260], %swap3A_263 {strides = array<i32>} : memref<128xi32, #tpu.memory_space<vmem>>, vector<16xi32>,
      %get3A_264 = arith.index_cast %add3A_191 : i32 to index
      %get3A_265 = arith.constant 64 : index
      %get3A_266 = tpu.vector_load %arg8[%get3A_264, %get3A_265] {strides = array<i32>} : memref<80x128xi32, #tpu.memory_space<vmem>>, vector<1x16xi32>,
      %get3A_267 = vector.shape_cast %get3A_266 : vector<1x16xi32> to vector<16xi32>
      %and3A_268 = arith.constant 65535 : i32
      %and3A_269 = vector.broadcast %and3A_268 : i32 to vector<16xi32>
      %and3A_270 = arith.andi %get3A_267, %and3A_269 : vector<16xi32>
      %swap3A_271 = arith.constant 64 : index
      %swap3A_272 = tpu.vector_load %arg11[%swap3A_271] {strides = array<i32>} : memref<128xi32, #tpu.memory_space<vmem>>, vector<16xi32>,
      %swap3A_273 = vector.shape_cast %swap3A_272 : vector<16xi32> to vector<16xi32>
      %swap3A_274 = vector.shape_cast %and3A_270 : vector<16xi32> to vector<16xi32>
      tpu.vector_store %arg11[%swap3A_271], %swap3A_274 {strides = array<i32>} : memref<128xi32, #tpu.memory_space<vmem>>, vector<16xi32>,
      %shift_right_logical3A_275 = arith.constant 16 : i32
      %shift_right_logical3A_276 = vector.broadcast %shift_right_logical3A_275 : i32 to vector<16xi32>
      %shift_right_logical3A_277 = arith.shrui %get3A_267, %shift_right_logical3A_276 : vector<16xi32>
      %swap3A_278 = arith.constant 64 : index
      %swap3A_279 = tpu.vector_load %arg12[%swap3A_278] {strides = array<i32>} : memref<128xi32, #tpu.memory_space<vmem>>, vector<16xi32>,
      %swap3A_280 = vector.shape_cast %swap3A_279 : vector<16xi32> to vector<16xi32>
      %swap3A_281 = vector.shape_cast %shift_right_logical3A_277 : vector<16xi32> to vector<16xi32>
      tpu.vector_store %arg12[%swap3A_278], %swap3A_281 {strides = array<i32>} : memref<128xi32, #tpu.memory_space<vmem>>, vector<16xi32>,
      %get3A_282 = arith.index_cast %add3A_191 : i32 to index
      %get3A_283 = arith.constant 80 : index
      %get3A_284 = tpu.vector_load %arg8[%get3A_282, %get3A_283] {strides = array<i32>} : memref<80x128xi32, #tpu.memory_space<vmem>>, vector<1x16xi32>,
      %get3A_285 = vector.shape_cast %get3A_284 : vector<1x16xi32> to vector<16xi32>
      %and3A_286 = arith.constant 65535 : i32
      %and3A_287 = vector.broadcast %and3A_286 : i32 to vector<16xi32>
      %and3A_288 = arith.andi %get3A_285, %and3A_287 : vector<16xi32>
      %swap3A_289 = arith.constant 80 : index
      %swap3A_290 = tpu.vector_load %arg11[%swap3A_289] {strides = array<i32>} : memref<128xi32, #tpu.memory_space<vmem>>, vector<16xi32>,
      %swap3A_291 = vector.shape_cast %swap3A_290 : vector<16xi32> to vector<16xi32>
      %swap3A_292 = vector.shape_cast %and3A_288 : vector<16xi32> to vector<16xi32>
      tpu.vector_store %arg11[%swap3A_289], %swap3A_292 {strides = array<i32>} : memref<128xi32, #tpu.memory_space<vmem>>, vector<16xi32>,
      %shift_right_logical3A_293 = arith.constant 16 : i32
      %shift_right_logical3A_294 = vector.broadcast %shift_right_logical3A_293 : i32 to vector<16xi32>
      %shift_right_logical3A_295 = arith.shrui %get3A_285, %shift_right_logical3A_294 : vector<16xi32>
      %swap3A_296 = arith.constant 80 : index
      %swap3A_297 = tpu.vector_load %arg12[%swap3A_296] {strides = array<i32>} : memref<128xi32, #tpu.memory_space<vmem>>, vector<16xi32>,
      %swap3A_298 = vector.shape_cast %swap3A_297 : vector<16xi32> to vector<16xi32>
      %swap3A_299 = vector.shape_cast %shift_right_logical3A_295 : vector<16xi32> to vector<16xi32>
      tpu.vector_store %arg12[%swap3A_296], %swap3A_299 {strides = array<i32>} : memref<128xi32, #tpu.memory_space<vmem>>, vector<16xi32>,
      %get3A_300 = arith.index_cast %add3A_191 : i32 to index
      %get3A_301 = arith.constant 96 : index
      %get3A_302 = tpu.vector_load %arg8[%get3A_300, %get3A_301] {strides = array<i32>} : memref<80x128xi32, #tpu.memory_space<vmem>>, vector<1x16xi32>,
      %get3A_303 = vector.shape_cast %get3A_302 : vector<1x16xi32> to vector<16xi32>
      %and3A_304 = arith.constant 65535 : i32
      %and3A_305 = vector.broadcast %and3A_304 : i32 to vector<16xi32>
      %and3A_306 = arith.andi %get3A_303, %and3A_305 : vector<16xi32>
      %swap3A_307 = arith.constant 96 : index
      %swap3A_308 = tpu.vector_load %arg11[%swap3A_307] {strides = array<i32>} : memref<128xi32, #tpu.memory_space<vmem>>, vector<16xi32>,
      %swap3A_309 = vector.shape_cast %swap3A_308 : vector<16xi32> to vector<16xi32>
      %swap3A_310 = vector.shape_cast %and3A_306 : vector<16xi32> to vector<16xi32>
      tpu.vector_store %arg11[%swap3A_307], %swap3A_310 {strides = array<i32>} : memref<128xi32, #tpu.memory_space<vmem>>, vector<16xi32>,
      %shift_right_logical3A_311 = arith.constant 16 : i32
      %shift_right_logical3A_312 = vector.broadcast %shift_right_logical3A_311 : i32 to vector<16xi32>
      %shift_right_logical3A_313 = arith.shrui %get3A_303, %shift_right_logical3A_312 : vector<16xi32>
      %swap3A_314 = arith.constant 96 : index
      %swap3A_315 = tpu.vector_load %arg12[%swap3A_314] {strides = array<i32>} : memref<128xi32, #tpu.memory_space<vmem>>, vector<16xi32>,
      %swap3A_316 = vector.shape_cast %swap3A_315 : vector<16xi32> to vector<16xi32>
      %swap3A_317 = vector.shape_cast %shift_right_logical3A_313 : vector<16xi32> to vector<16xi32>
      tpu.vector_store %arg12[%swap3A_314], %swap3A_317 {strides = array<i32>} : memref<128xi32, #tpu.memory_space<vmem>>, vector<16xi32>,
      %get3A_318 = arith.index_cast %add3A_191 : i32 to index
      %get3A_319 = arith.constant 112 : index
      %get3A_320 = tpu.vector_load %arg8[%get3A_318, %get3A_319] {strides = array<i32>} : memref<80x128xi32, #tpu.memory_space<vmem>>, vector<1x16xi32>,
      %get3A_321 = vector.shape_cast %get3A_320 : vector<1x16xi32> to vector<16xi32>
      %and3A_322 = arith.constant 65535 : i32
      %and3A_323 = vector.broadcast %and3A_322 : i32 to vector<16xi32>
      %and3A_324 = arith.andi %get3A_321, %and3A_323 : vector<16xi32>
      %swap3A_325 = arith.constant 112 : index
      %swap3A_326 = tpu.vector_load %arg11[%swap3A_325] {strides = array<i32>} : memref<128xi32, #tpu.memory_space<vmem>>, vector<16xi32>,
      %swap3A_327 = vector.shape_cast %swap3A_326 : vector<16xi32> to vector<16xi32>
      %swap3A_328 = vector.shape_cast %and3A_324 : vector<16xi32> to vector<16xi32>
      tpu.vector_store %arg11[%swap3A_325], %swap3A_328 {strides = array<i32>} : memref<128xi32, #tpu.memory_space<vmem>>, vector<16xi32>,
      %shift_right_logical3A_329 = arith.constant 16 : i32
      %shift_right_logical3A_330 = vector.broadcast %shift_right_logical3A_329 : i32 to vector<16xi32>
      %shift_right_logical3A_331 = arith.shrui %get3A_321, %shift_right_logical3A_330 : vector<16xi32>
      %swap3A_332 = arith.constant 112 : index
      %swap3A_333 = tpu.vector_load %arg12[%swap3A_332] {strides = array<i32>} : memref<128xi32, #tpu.memory_space<vmem>>, vector<16xi32>,
      %swap3A_334 = vector.shape_cast %swap3A_333 : vector<16xi32> to vector<16xi32>
      %swap3A_335 = vector.shape_cast %shift_right_logical3A_331 : vector<16xi32> to vector<16xi32>
      tpu.vector_store %arg12[%swap3A_332], %swap3A_335 {strides = array<i32>} : memref<128xi32, #tpu.memory_space<vmem>>, vector<16xi32>,
      %dma_wait3A = arith.constant 0 : i32
      %dma_wait3A_336 = arith.constant 0 : i32
      %dma_wait3A_337 = tpu.memref_slice %arg2[%dma_wait3A, %dma_wait3A_336] : memref<10000x128xf32, #tpu.memory_space<hbm>> -> memref<10000x128xf32, #tpu.memory_space<hbm>>
      tpu.wait_indirect_dma semaphore(%arg16 : memref<!tpu.dma_semaphore, #tpu.memory_space<semaphore_mem>>) src(%dma_wait3A_337 : memref<10000x128xf32, #tpu.memory_space<hbm>>) dst(%arg13 : memref<128x128xf32, #tpu.memory_space<vmem>>)
      %dma_start3A_338 = arith.constant 0 : i32
      %dma_start3A_339 = arith.constant 0 : i32
      %dma_start3A_340 = tpu.memref_slice %arg2[%dma_start3A_338, %dma_start3A_339] : memref<10000x128xf32, #tpu.memory_space<hbm>> -> memref<10000x128xf32, #tpu.memory_space<hbm>>
      tpu.enqueue_indirect_dma source(%dma_start3A_340 : memref<10000x128xf32, #tpu.memory_space<hbm>>) target(%arg14 : memref<128x128xf32, #tpu.memory_space<vmem>>) offsets(%arg11 : memref<128xi32, #tpu.memory_space<vmem>>) semaphore(%arg17 : memref<!tpu.dma_semaphore, #tpu.memory_space<semaphore_mem>>)
      "tpu.region"() ({
        %run_scoped3A = tpu.sem_alloc : memref<!tpu.dma_semaphore, #tpu.memory_space<semaphore_mem>>
        %dma_start3A_348 = arith.constant 0 : i32
        %dma_start3A_349 = arith.constant 0 : i32
        %dma_start3A_350 = tpu.memref_slice %arg15[%dma_start3A_348, %dma_start3A_349] : memref<10008x128xf32, #tpu.memory_space<vmem_shared>> -> memref<10008x128xf32, #tpu.memory_space<vmem_shared>>
        tpu.enqueue_indirect_dma source(%arg13 : memref<128x128xf32, #tpu.memory_space<vmem>>) target(%dma_start3A_350 : memref<10008x128xf32, #tpu.memory_space<vmem_shared>>) offsets(%arg10 : memref<128xi32, #tpu.memory_space<vmem>>) semaphore(%run_scoped3A : memref<!tpu.dma_semaphore, #tpu.memory_space<semaphore_mem>>) {add = true}
        %dma_wait3A_351 = arith.constant 0 : i32
        %dma_wait3A_352 = arith.constant 0 : i32
        %dma_wait3A_353 = tpu.memref_slice %arg15[%dma_wait3A_351, %dma_wait3A_352] : memref<10008x128xf32, #tpu.memory_space<vmem_shared>> -> memref<10008x128xf32, #tpu.memory_space<vmem_shared>>
        tpu.wait_indirect_dma semaphore(%run_scoped3A : memref<!tpu.dma_semaphore, #tpu.memory_space<semaphore_mem>>) src(%arg13 : memref<128x128xf32, #tpu.memory_space<vmem>>) dst(%dma_wait3A_353 : memref<10008x128xf32, #tpu.memory_space<vmem_shared>>)
        tpu.yield
      }) : () -> ()
      %lt3A = arith.constant 39 : i32
      %lt3A_341 = arith.cmpi slt, %scan3A_187, %lt3A : i32
      %convert_element_type3A_342 = arith.extui %lt3A_341 : i1 to i32
      %cond3A_343 = arith.constant 0 : i32
      %cond3A_344 = arith.cmpi ne, %convert_element_type3A_342, %cond3A_343 : i32
      scf.if %cond3A_344 {
        %add3A_348 = arith.constant 2 : i32
        %add3A_349 = arith.addi %mul3A_189, %add3A_348 : i32
        %get3A_350 = arith.index_cast %add3A_349 : i32 to index
        %get3A_351 = arith.constant 0 : index
        %get3A_352 = tpu.vector_load %arg8[%get3A_350, %get3A_351] {strides = array<i32>} : memref<80x128xi32, #tpu.memory_space<vmem>>, vector<1x16xi32>,
        %get3A_353 = vector.shape_cast %get3A_352 : vector<1x16xi32> to vector<16xi32>
        %and3A_354 = arith.constant 65535 : i32
        %and3A_355 = vector.broadcast %and3A_354 : i32 to vector<16xi32>
        %and3A_356 = arith.andi %get3A_353, %and3A_355 : vector<16xi32>
        %swap3A_357 = arith.constant 0 : index
        %swap3A_358 = tpu.vector_load %arg9[%swap3A_357] {strides = array<i32>} : memref<128xi32, #tpu.memory_space<vmem>>, vector<16xi32>,
        %swap3A_359 = vector.shape_cast %swap3A_358 : vector<16xi32> to vector<16xi32>
        %swap3A_360 = vector.shape_cast %and3A_356 : vector<16xi32> to vector<16xi32>
        tpu.vector_store %arg9[%swap3A_357], %swap3A_360 {strides = array<i32>} : memref<128xi32, #tpu.memory_space<vmem>>, vector<16xi32>,
        %shift_right_logical3A_361 = arith.constant 16 : i32
        %shift_right_logical3A_362 = vector.broadcast %shift_right_logical3A_361 : i32 to vector<16xi32>
        %shift_right_logical3A_363 = arith.shrui %get3A_353, %shift_right_logical3A_362 : vector<16xi32>
        %swap3A_364 = arith.constant 0 : index
        %swap3A_365 = tpu.vector_load %arg10[%swap3A_364] {strides = array<i32>} : memref<128xi32, #tpu.memory_space<vmem>>, vector<16xi32>,
        %swap3A_366 = vector.shape_cast %swap3A_365 : vector<16xi32> to vector<16xi32>
        %swap3A_367 = vector.shape_cast %shift_right_logical3A_363 : vector<16xi32> to vector<16xi32>
        tpu.vector_store %arg10[%swap3A_364], %swap3A_367 {strides = array<i32>} : memref<128xi32, #tpu.memory_space<vmem>>, vector<16xi32>,
        %get3A_368 = arith.index_cast %add3A_349 : i32 to index
        %get3A_369 = arith.constant 16 : index
        %get3A_370 = tpu.vector_load %arg8[%get3A_368, %get3A_369] {strides = array<i32>} : memref<80x128xi32, #tpu.memory_space<vmem>>, vector<1x16xi32>,
        %get3A_371 = vector.shape_cast %get3A_370 : vector<1x16xi32> to vector<16xi32>
        %and3A_372 = arith.constant 65535 : i32
        %and3A_373 = vector.broadcast %and3A_372 : i32 to vector<16xi32>
        %and3A_374 = arith.andi %get3A_371, %and3A_373 : vector<16xi32>
        %swap3A_375 = arith.constant 16 : index
        %swap3A_376 = tpu.vector_load %arg9[%swap3A_375] {strides = array<i32>} : memref<128xi32, #tpu.memory_space<vmem>>, vector<16xi32>,
        %swap3A_377 = vector.shape_cast %swap3A_376 : vector<16xi32> to vector<16xi32>
        %swap3A_378 = vector.shape_cast %and3A_374 : vector<16xi32> to vector<16xi32>
        tpu.vector_store %arg9[%swap3A_375], %swap3A_378 {strides = array<i32>} : memref<128xi32, #tpu.memory_space<vmem>>, vector<16xi32>,
        %shift_right_logical3A_379 = arith.constant 16 : i32
        %shift_right_logical3A_380 = vector.broadcast %shift_right_logical3A_379 : i32 to vector<16xi32>
        %shift_right_logical3A_381 = arith.shrui %get3A_371, %shift_right_logical3A_380 : vector<16xi32>
        %swap3A_382 = arith.constant 16 : index
        %swap3A_383 = tpu.vector_load %arg10[%swap3A_382] {strides = array<i32>} : memref<128xi32, #tpu.memory_space<vmem>>, vector<16xi32>,
        %swap3A_384 = vector.shape_cast %swap3A_383 : vector<16xi32> to vector<16xi32>
        %swap3A_385 = vector.shape_cast %shift_right_logical3A_381 : vector<16xi32> to vector<16xi32>
        tpu.vector_store %arg10[%swap3A_382], %swap3A_385 {strides = array<i32>} : memref<128xi32, #tpu.memory_space<vmem>>, vector<16xi32>,
        %get3A_386 = arith.index_cast %add3A_349 : i32 to index
        %get3A_387 = arith.constant 32 : index
        %get3A_388 = tpu.vector_load %arg8[%get3A_386, %get3A_387] {strides = array<i32>} : memref<80x128xi32, #tpu.memory_space<vmem>>, vector<1x16xi32>,
        %get3A_389 = vector.shape_cast %get3A_388 : vector<1x16xi32> to vector<16xi32>
        %and3A_390 = arith.constant 65535 : i32
        %and3A_391 = vector.broadcast %and3A_390 : i32 to vector<16xi32>
        %and3A_392 = arith.andi %get3A_389, %and3A_391 : vector<16xi32>
        %swap3A_393 = arith.constant 32 : index
        %swap3A_394 = tpu.vector_load %arg9[%swap3A_393] {strides = array<i32>} : memref<128xi32, #tpu.memory_space<vmem>>, vector<16xi32>,
        %swap3A_395 = vector.shape_cast %swap3A_394 : vector<16xi32> to vector<16xi32>
        %swap3A_396 = vector.shape_cast %and3A_392 : vector<16xi32> to vector<16xi32>
        tpu.vector_store %arg9[%swap3A_393], %swap3A_396 {strides = array<i32>} : memref<128xi32, #tpu.memory_space<vmem>>, vector<16xi32>,
        %shift_right_logical3A_397 = arith.constant 16 : i32
        %shift_right_logical3A_398 = vector.broadcast %shift_right_logical3A_397 : i32 to vector<16xi32>
        %shift_right_logical3A_399 = arith.shrui %get3A_389, %shift_right_logical3A_398 : vector<16xi32>
        %swap3A_400 = arith.constant 32 : index
        %swap3A_401 = tpu.vector_load %arg10[%swap3A_400] {strides = array<i32>} : memref<128xi32, #tpu.memory_space<vmem>>, vector<16xi32>,
        %swap3A_402 = vector.shape_cast %swap3A_401 : vector<16xi32> to vector<16xi32>
        %swap3A_403 = vector.shape_cast %shift_right_logical3A_399 : vector<16xi32> to vector<16xi32>
        tpu.vector_store %arg10[%swap3A_400], %swap3A_403 {strides = array<i32>} : memref<128xi32, #tpu.memory_space<vmem>>, vector<16xi32>,
        %get3A_404 = arith.index_cast %add3A_349 : i32 to index
        %get3A_405 = arith.constant 48 : index
        %get3A_406 = tpu.vector_load %arg8[%get3A_404, %get3A_405] {strides = array<i32>} : memref<80x128xi32, #tpu.memory_space<vmem>>, vector<1x16xi32>,
        %get3A_407 = vector.shape_cast %get3A_406 : vector<1x16xi32> to vector<16xi32>
        %and3A_408 = arith.constant 65535 : i32
        %and3A_409 = vector.broadcast %and3A_408 : i32 to vector<16xi32>
        %and3A_410 = arith.andi %get3A_407, %and3A_409 : vector<16xi32>
        %swap3A_411 = arith.constant 48 : index
        %swap3A_412 = tpu.vector_load %arg9[%swap3A_411] {strides = array<i32>} : memref<128xi32, #tpu.memory_space<vmem>>, vector<16xi32>,
        %swap3A_413 = vector.shape_cast %swap3A_412 : vector<16xi32> to vector<16xi32>
        %swap3A_414 = vector.shape_cast %and3A_410 : vector<16xi32> to vector<16xi32>
        tpu.vector_store %arg9[%swap3A_411], %swap3A_414 {strides = array<i32>} : memref<128xi32, #tpu.memory_space<vmem>>, vector<16xi32>,
        %shift_right_logical3A_415 = arith.constant 16 : i32
        %shift_right_logical3A_416 = vector.broadcast %shift_right_logical3A_415 : i32 to vector<16xi32>
        %shift_right_logical3A_417 = arith.shrui %get3A_407, %shift_right_logical3A_416 : vector<16xi32>
        %swap3A_418 = arith.constant 48 : index
        %swap3A_419 = tpu.vector_load %arg10[%swap3A_418] {strides = array<i32>} : memref<128xi32, #tpu.memory_space<vmem>>, vector<16xi32>,
        %swap3A_420 = vector.shape_cast %swap3A_419 : vector<16xi32> to vector<16xi32>
        %swap3A_421 = vector.shape_cast %shift_right_logical3A_417 : vector<16xi32> to vector<16xi32>
        tpu.vector_store %arg10[%swap3A_418], %swap3A_421 {strides = array<i32>} : memref<128xi32, #tpu.memory_space<vmem>>, vector<16xi32>,
        %get3A_422 = arith.index_cast %add3A_349 : i32 to index
        %get3A_423 = arith.constant 64 : index
        %get3A_424 = tpu.vector_load %arg8[%get3A_422, %get3A_423] {strides = array<i32>} : memref<80x128xi32, #tpu.memory_space<vmem>>, vector<1x16xi32>,
        %get3A_425 = vector.shape_cast %get3A_424 : vector<1x16xi32> to vector<16xi32>
        %and3A_426 = arith.constant 65535 : i32
        %and3A_427 = vector.broadcast %and3A_426 : i32 to vector<16xi32>
        %and3A_428 = arith.andi %get3A_425, %and3A_427 : vector<16xi32>
        %swap3A_429 = arith.constant 64 : index
        %swap3A_430 = tpu.vector_load %arg9[%swap3A_429] {strides = array<i32>} : memref<128xi32, #tpu.memory_space<vmem>>, vector<16xi32>,
        %swap3A_431 = vector.shape_cast %swap3A_430 : vector<16xi32> to vector<16xi32>
        %swap3A_432 = vector.shape_cast %and3A_428 : vector<16xi32> to vector<16xi32>
        tpu.vector_store %arg9[%swap3A_429], %swap3A_432 {strides = array<i32>} : memref<128xi32, #tpu.memory_space<vmem>>, vector<16xi32>,
        %shift_right_logical3A_433 = arith.constant 16 : i32
        %shift_right_logical3A_434 = vector.broadcast %shift_right_logical3A_433 : i32 to vector<16xi32>
        %shift_right_logical3A_435 = arith.shrui %get3A_425, %shift_right_logical3A_434 : vector<16xi32>
        %swap3A_436 = arith.constant 64 : index
        %swap3A_437 = tpu.vector_load %arg10[%swap3A_436] {strides = array<i32>} : memref<128xi32, #tpu.memory_space<vmem>>, vector<16xi32>,
        %swap3A_438 = vector.shape_cast %swap3A_437 : vector<16xi32> to vector<16xi32>
        %swap3A_439 = vector.shape_cast %shift_right_logical3A_435 : vector<16xi32> to vector<16xi32>
        tpu.vector_store %arg10[%swap3A_436], %swap3A_439 {strides = array<i32>} : memref<128xi32, #tpu.memory_space<vmem>>, vector<16xi32>,
        %get3A_440 = arith.index_cast %add3A_349 : i32 to index
        %get3A_441 = arith.constant 80 : index
        %get3A_442 = tpu.vector_load %arg8[%get3A_440, %get3A_441] {strides = array<i32>} : memref<80x128xi32, #tpu.memory_space<vmem>>, vector<1x16xi32>,
        %get3A_443 = vector.shape_cast %get3A_442 : vector<1x16xi32> to vector<16xi32>
        %and3A_444 = arith.constant 65535 : i32
        %and3A_445 = vector.broadcast %and3A_444 : i32 to vector<16xi32>
        %and3A_446 = arith.andi %get3A_443, %and3A_445 : vector<16xi32>
        %swap3A_447 = arith.constant 80 : index
        %swap3A_448 = tpu.vector_load %arg9[%swap3A_447] {strides = array<i32>} : memref<128xi32, #tpu.memory_space<vmem>>, vector<16xi32>,
        %swap3A_449 = vector.shape_cast %swap3A_448 : vector<16xi32> to vector<16xi32>
        %swap3A_450 = vector.shape_cast %and3A_446 : vector<16xi32> to vector<16xi32>
        tpu.vector_store %arg9[%swap3A_447], %swap3A_450 {strides = array<i32>} : memref<128xi32, #tpu.memory_space<vmem>>, vector<16xi32>,
        %shift_right_logical3A_451 = arith.constant 16 : i32
        %shift_right_logical3A_452 = vector.broadcast %shift_right_logical3A_451 : i32 to vector<16xi32>
        %shift_right_logical3A_453 = arith.shrui %get3A_443, %shift_right_logical3A_452 : vector<16xi32>
        %swap3A_454 = arith.constant 80 : index
        %swap3A_455 = tpu.vector_load %arg10[%swap3A_454] {strides = array<i32>} : memref<128xi32, #tpu.memory_space<vmem>>, vector<16xi32>,
        %swap3A_456 = vector.shape_cast %swap3A_455 : vector<16xi32> to vector<16xi32>
        %swap3A_457 = vector.shape_cast %shift_right_logical3A_453 : vector<16xi32> to vector<16xi32>
        tpu.vector_store %arg10[%swap3A_454], %swap3A_457 {strides = array<i32>} : memref<128xi32, #tpu.memory_space<vmem>>, vector<16xi32>,
        %get3A_458 = arith.index_cast %add3A_349 : i32 to index
        %get3A_459 = arith.constant 96 : index
        %get3A_460 = tpu.vector_load %arg8[%get3A_458, %get3A_459] {strides = array<i32>} : memref<80x128xi32, #tpu.memory_space<vmem>>, vector<1x16xi32>,
        %get3A_461 = vector.shape_cast %get3A_460 : vector<1x16xi32> to vector<16xi32>
        %and3A_462 = arith.constant 65535 : i32
        %and3A_463 = vector.broadcast %and3A_462 : i32 to vector<16xi32>
        %and3A_464 = arith.andi %get3A_461, %and3A_463 : vector<16xi32>
        %swap3A_465 = arith.constant 96 : index
        %swap3A_466 = tpu.vector_load %arg9[%swap3A_465] {strides = array<i32>} : memref<128xi32, #tpu.memory_space<vmem>>, vector<16xi32>,
        %swap3A_467 = vector.shape_cast %swap3A_466 : vector<16xi32> to vector<16xi32>
        %swap3A_468 = vector.shape_cast %and3A_464 : vector<16xi32> to vector<16xi32>
        tpu.vector_store %arg9[%swap3A_465], %swap3A_468 {strides = array<i32>} : memref<128xi32, #tpu.memory_space<vmem>>, vector<16xi32>,
        %shift_right_logical3A_469 = arith.constant 16 : i32
        %shift_right_logical3A_470 = vector.broadcast %shift_right_logical3A_469 : i32 to vector<16xi32>
        %shift_right_logical3A_471 = arith.shrui %get3A_461, %shift_right_logical3A_470 : vector<16xi32>
        %swap3A_472 = arith.constant 96 : index
        %swap3A_473 = tpu.vector_load %arg10[%swap3A_472] {strides = array<i32>} : memref<128xi32, #tpu.memory_space<vmem>>, vector<16xi32>,
        %swap3A_474 = vector.shape_cast %swap3A_473 : vector<16xi32> to vector<16xi32>
        %swap3A_475 = vector.shape_cast %shift_right_logical3A_471 : vector<16xi32> to vector<16xi32>
        tpu.vector_store %arg10[%swap3A_472], %swap3A_475 {strides = array<i32>} : memref<128xi32, #tpu.memory_space<vmem>>, vector<16xi32>,
        %get3A_476 = arith.index_cast %add3A_349 : i32 to index
        %get3A_477 = arith.constant 112 : index
        %get3A_478 = tpu.vector_load %arg8[%get3A_476, %get3A_477] {strides = array<i32>} : memref<80x128xi32, #tpu.memory_space<vmem>>, vector<1x16xi32>,
        %get3A_479 = vector.shape_cast %get3A_478 : vector<1x16xi32> to vector<16xi32>
        %and3A_480 = arith.constant 65535 : i32
        %and3A_481 = vector.broadcast %and3A_480 : i32 to vector<16xi32>
        %and3A_482 = arith.andi %get3A_479, %and3A_481 : vector<16xi32>
        %swap3A_483 = arith.constant 112 : index
        %swap3A_484 = tpu.vector_load %arg9[%swap3A_483] {strides = array<i32>} : memref<128xi32, #tpu.memory_space<vmem>>, vector<16xi32>,
        %swap3A_485 = vector.shape_cast %swap3A_484 : vector<16xi32> to vector<16xi32>
        %swap3A_486 = vector.shape_cast %and3A_482 : vector<16xi32> to vector<16xi32>
        tpu.vector_store %arg9[%swap3A_483], %swap3A_486 {strides = array<i32>} : memref<128xi32, #tpu.memory_space<vmem>>, vector<16xi32>,
        %shift_right_logical3A_487 = arith.constant 16 : i32
        %shift_right_logical3A_488 = vector.broadcast %shift_right_logical3A_487 : i32 to vector<16xi32>
        %shift_right_logical3A_489 = arith.shrui %get3A_479, %shift_right_logical3A_488 : vector<16xi32>
        %swap3A_490 = arith.constant 112 : index
        %swap3A_491 = tpu.vector_load %arg10[%swap3A_490] {strides = array<i32>} : memref<128xi32, #tpu.memory_space<vmem>>, vector<16xi32>,
        %swap3A_492 = vector.shape_cast %swap3A_491 : vector<16xi32> to vector<16xi32>
        %swap3A_493 = vector.shape_cast %shift_right_logical3A_489 : vector<16xi32> to vector<16xi32>
        tpu.vector_store %arg10[%swap3A_490], %swap3A_493 {strides = array<i32>} : memref<128xi32, #tpu.memory_space<vmem>>, vector<16xi32>,
        %dma_start3A_494 = arith.constant 0 : i32
        %dma_start3A_495 = arith.constant 0 : i32
        %dma_start3A_496 = tpu.memref_slice %arg2[%dma_start3A_494, %dma_start3A_495] : memref<10000x128xf32, #tpu.memory_space<hbm>> -> memref<10000x128xf32, #tpu.memory_space<hbm>>
        tpu.enqueue_indirect_dma source(%dma_start3A_496 : memref<10000x128xf32, #tpu.memory_space<hbm>>) target(%arg13 : memref<128x128xf32, #tpu.memory_space<vmem>>) offsets(%arg9 : memref<128xi32, #tpu.memory_space<vmem>>) semaphore(%arg16 : memref<!tpu.dma_semaphore, #tpu.memory_space<semaphore_mem>>)
      } else {
      }
      %dma_wait3A_345 = arith.constant 0 : i32
      %dma_wait3A_346 = arith.constant 0 : i32
      %dma_wait3A_347 = tpu.memref_slice %arg2[%dma_wait3A_345, %dma_wait3A_346] : memref<10000x128xf32, #tpu.memory_space<hbm>> -> memref<10000x128xf32, #tpu.memory_space<hbm>>
      tpu.wait_indirect_dma semaphore(%arg17 : memref<!tpu.dma_semaphore, #tpu.memory_space<semaphore_mem>>) src(%dma_wait3A_347 : memref<10000x128xf32, #tpu.memory_space<hbm>>) dst(%arg14 : memref<128x128xf32, #tpu.memory_space<vmem>>)
      "tpu.region"() ({
        %run_scoped3A = tpu.sem_alloc : memref<!tpu.dma_semaphore, #tpu.memory_space<semaphore_mem>>
        %dma_start3A_348 = arith.constant 0 : i32
        %dma_start3A_349 = arith.constant 0 : i32
        %dma_start3A_350 = tpu.memref_slice %arg15[%dma_start3A_348, %dma_start3A_349] : memref<10008x128xf32, #tpu.memory_space<vmem_shared>> -> memref<10008x128xf32, #tpu.memory_space<vmem_shared>>
        tpu.enqueue_indirect_dma source(%arg14 : memref<128x128xf32, #tpu.memory_space<vmem>>) target(%dma_start3A_350 : memref<10008x128xf32, #tpu.memory_space<vmem_shared>>) offsets(%arg12 : memref<128xi32, #tpu.memory_space<vmem>>) semaphore(%run_scoped3A : memref<!tpu.dma_semaphore, #tpu.memory_space<semaphore_mem>>) {add = true}
        %dma_wait3A_351 = arith.constant 0 : i32
        %dma_wait3A_352 = arith.constant 0 : i32
        %dma_wait3A_353 = tpu.memref_slice %arg15[%dma_wait3A_351, %dma_wait3A_352] : memref<10008x128xf32, #tpu.memory_space<vmem_shared>> -> memref<10008x128xf32, #tpu.memory_space<vmem_shared>>
        tpu.wait_indirect_dma semaphore(%run_scoped3A : memref<!tpu.dma_semaphore, #tpu.memory_space<semaphore_mem>>) src(%arg14 : memref<128x128xf32, #tpu.memory_space<vmem>>) dst(%dma_wait3A_353 : memref<10008x128xf32, #tpu.memory_space<vmem_shared>>)
        tpu.yield
      }) : () -> ()
    }
    %scan3A_180 = arith.constant 40 : i32
    %barrier3A_181 = arith.constant 0 : index
    tpu.barrier barrier_id(%barrier3A_181)
    "tpu.region"() ({
      %run_scoped3A = tpu.sem_alloc : memref<!tpu.dma_semaphore, #tpu.memory_space<semaphore_mem>>
      %dma_start3A_187 = arith.constant 0 : i32
      %dma_start3A_188 = tpu.memref_slice %arg6[%arg0, %mul3A_2, %dma_start3A_187] : memref<2x10000x128xf32, #tpu.memory_space<hbm>> -> memref<1x624x128xf32, #tpu.memory_space<hbm>>
      %dma_start3A_189 = tpu.memref_squeeze %dma_start3A_188 : memref<1x624x128xf32, #tpu.memory_space<hbm>> -> memref<624x128xf32, #tpu.memory_space<hbm>>
      %dma_start3A_190 = arith.constant 0 : i32
      %dma_start3A_191 = tpu.memref_slice %arg15[%mul3A_2, %dma_start3A_190] : memref<10008x128xf32, #tpu.memory_space<vmem_shared>> -> memref<624x128xf32, #tpu.memory_space<vmem_shared>>
      tpu.enqueue_dma source(%dma_start3A_191 : memref<624x128xf32, #tpu.memory_space<vmem_shared>>) target(%dma_start3A_189 : memref<624x128xf32, #tpu.memory_space<hbm>>) target_semaphore(%run_scoped3A : memref<!tpu.dma_semaphore, #tpu.memory_space<semaphore_mem>>)
      %dma_wait3A = arith.constant 0 : i32
      %dma_wait3A_192 = tpu.memref_slice %arg6[%arg0, %mul3A_2, %dma_wait3A] : memref<2x10000x128xf32, #tpu.memory_space<hbm>> -> memref<1x624x128xf32, #tpu.memory_space<hbm>>
      %dma_wait3A_193 = tpu.memref_squeeze %dma_wait3A_192 : memref<1x624x128xf32, #tpu.memory_space<hbm>> -> memref<624x128xf32, #tpu.memory_space<hbm>>
      %dma_wait3A_194 = arith.constant 0 : i32
      %dma_wait3A_195 = tpu.memref_slice %arg15[%mul3A_2, %dma_wait3A_194] : memref<10008x128xf32, #tpu.memory_space<vmem_shared>> -> memref<624x128xf32, #tpu.memory_space<vmem_shared>>
      tpu.wait_dma2 semaphore(%run_scoped3A : memref<!tpu.dma_semaphore, #tpu.memory_space<semaphore_mem>>) src(%dma_wait3A_195 : memref<624x128xf32, #tpu.memory_space<vmem_shared>>) dst(%dma_wait3A_193 : memref<624x128xf32, #tpu.memory_space<hbm>>)
      tpu.yield
    }) : () -> ()
    %eq3A_182 = arith.constant 0 : i32
    %eq3A_183 = arith.cmpi eq, %arg1, %eq3A_182 : i32
    %convert_element_type3A_184 = arith.extui %eq3A_183 : i1 to i32
    %cond3A_185 = arith.constant 0 : i32
    %cond3A_186 = arith.cmpi ne, %convert_element_type3A_184, %cond3A_185 : i32
    scf.if %cond3A_186 {
      "tpu.region"() ({
        %run_scoped3A = tpu.sem_alloc : memref<!tpu.dma_semaphore, #tpu.memory_space<semaphore_mem>>
        %dma_start3A_187 = arith.constant 9984 : i32
        %dma_start3A_188 = arith.constant 0 : i32
        %dma_start3A_189 = tpu.memref_slice %arg6[%arg0, %dma_start3A_187, %dma_start3A_188] : memref<2x10000x128xf32, #tpu.memory_space<hbm>> -> memref<1x16x128xf32, #tpu.memory_space<hbm>>
        %dma_start3A_190 = tpu.memref_squeeze %dma_start3A_189 : memref<1x16x128xf32, #tpu.memory_space<hbm>> -> memref<16x128xf32, #tpu.memory_space<hbm>>
        %dma_start3A_191 = arith.constant 9984 : i32
        %dma_start3A_192 = arith.constant 0 : i32
        %dma_start3A_193 = tpu.memref_slice %arg15[%dma_start3A_191, %dma_start3A_192] : memref<10008x128xf32, #tpu.memory_space<vmem_shared>> -> memref<16x128xf32, #tpu.memory_space<vmem_shared>>
        tpu.enqueue_dma source(%dma_start3A_193 : memref<16x128xf32, #tpu.memory_space<vmem_shared>>) target(%dma_start3A_190 : memref<16x128xf32, #tpu.memory_space<hbm>>) target_semaphore(%run_scoped3A : memref<!tpu.dma_semaphore, #tpu.memory_space<semaphore_mem>>)
        %dma_wait3A = arith.constant 9984 : i32
        %dma_wait3A_194 = arith.constant 0 : i32
        %dma_wait3A_195 = tpu.memref_slice %arg6[%arg0, %dma_wait3A, %dma_wait3A_194] : memref<2x10000x128xf32, #tpu.memory_space<hbm>> -> memref<1x16x128xf32, #tpu.memory_space<hbm>>
        %dma_wait3A_196 = tpu.memref_squeeze %dma_wait3A_195 : memref<1x16x128xf32, #tpu.memory_space<hbm>> -> memref<16x128xf32, #tpu.memory_space<hbm>>
        %dma_wait3A_197 = arith.constant 9984 : i32
        %dma_wait3A_198 = arith.constant 0 : i32
        %dma_wait3A_199 = tpu.memref_slice %arg15[%dma_wait3A_197, %dma_wait3A_198] : memref<10008x128xf32, #tpu.memory_space<vmem_shared>> -> memref<16x128xf32, #tpu.memory_space<vmem_shared>>
        tpu.wait_dma2 semaphore(%run_scoped3A : memref<!tpu.dma_semaphore, #tpu.memory_space<semaphore_mem>>) src(%dma_wait3A_199 : memref<16x128xf32, #tpu.memory_space<vmem_shared>>) dst(%dma_wait3A_196 : memref<16x128xf32, #tpu.memory_space<hbm>>)
        tpu.yield
      }) : () -> ()
    } else {
    }
    return
  }
}

#map = affine_map<(d0, d1) -> (0, 0)>
#map1 = affine_map<(d0, d1) -> (0, 0, 0)>
module attributes {stable_mosaic.version = 14 : i64} {
  func.func @body(%arg0: i32, %arg1: i32, %arg2: memref<10000x128xf32, #tpu.memory_space<hbm>>, %arg3: memref<2560x128xi32, #tpu.memory_space<hbm>>, %arg4: memref<10000x128xf32, #tpu.memory_space<hbm>>, %arg5: memref<128x128xf32, #tpu.memory_space<hbm>>, %arg6: memref<2x10000x128xf32, #tpu.memory_space<hbm>>, %arg7: memref<80x128xi32, #tpu.memory_space<vmem>>, %arg8: memref<128xi32, #tpu.memory_space<vmem>>, %arg9: memref<128xi32, #tpu.memory_space<vmem>>, %arg10: memref<128xi32, #tpu.memory_space<vmem>>, %arg11: memref<128xi32, #tpu.memory_space<vmem>>, %arg12: memref<128x128xf32, #tpu.memory_space<vmem>>, %arg13: memref<128x128xf32, #tpu.memory_space<vmem>>, %arg14: memref<10008x128xf32, #tpu.memory_space<vmem_shared>>, %arg15: memref<!tpu.dma_semaphore, #tpu.memory_space<semaphore_mem>>, %arg16: memref<!tpu.dma_semaphore, #tpu.memory_space<semaphore_mem>>) attributes {dimension_semantics = [#tpu.dimension_semantics<core_parallel>, #tpu.dimension_semantics<subcore_parallel>], iteration_bounds = array<i64: 2, 16>, scalar_prefetch = 0 : i64, scratch_operands = 10 : i64, tpu.core_type = #tpu.core_type<sc_vector_subcore>, window_params = [{transform_indices = #map}, {transform_indices = #map}, {transform_indices = #map}, {transform_indices = #map}, {transform_indices = #map1}]} {
    %mul3A = arith.constant 16 : i32
    %mul3A_0 = arith.muli %arg0, %mul3A : i32
    %add3A = arith.addi %mul3A_0, %arg1 : i32
    %mul3A_1 = arith.constant 624 : i32
    %mul3A_2 = arith.muli %arg1, %mul3A_1 : i32
    %mul3A_3 = arith.constant 80 : i32
    %mul3A_4 = arith.muli %add3A, %mul3A_3 : i32
    "tpu.region"() ({
      %run_scoped3A = tpu.sem_alloc : memref<!tpu.dma_semaphore, #tpu.memory_space<semaphore_mem>>
      %dma_start3A_168 = arith.constant 0 : i32
      %dma_start3A_169 = tpu.memref_slice %arg3[%mul3A_4, %dma_start3A_168] : memref<2560x128xi32, #tpu.memory_space<hbm>> -> memref<80x128xi32, #tpu.memory_space<hbm>>
      %dma_start3A_170 = arith.constant 0 : i32
      %dma_start3A_171 = tpu.memref_slice %arg3[%mul3A_4, %dma_start3A_170] : memref<2560x128xi32, #tpu.memory_space<hbm>> -> memref<80x128xi32, #tpu.memory_space<hbm>>
      tpu.enqueue_dma source(%dma_start3A_171 : memref<80x128xi32, #tpu.memory_space<hbm>>) target(%arg7 : memref<80x128xi32, #tpu.memory_space<vmem>>) target_semaphore(%run_scoped3A : memref<!tpu.dma_semaphore, #tpu.memory_space<semaphore_mem>>)
      %dma_wait3A = arith.constant 0 : i32
      %dma_wait3A_172 = tpu.memref_slice %arg3[%mul3A_4, %dma_wait3A] : memref<2560x128xi32, #tpu.memory_space<hbm>> -> memref<80x128xi32, #tpu.memory_space<hbm>>
      %dma_wait3A_173 = arith.constant 0 : i32
      %dma_wait3A_174 = tpu.memref_slice %arg3[%mul3A_4, %dma_wait3A_173] : memref<2560x128xi32, #tpu.memory_space<hbm>> -> memref<80x128xi32, #tpu.memory_space<hbm>>
      tpu.wait_dma2 semaphore(%run_scoped3A : memref<!tpu.dma_semaphore, #tpu.memory_space<semaphore_mem>>) src(%dma_wait3A_174 : memref<80x128xi32, #tpu.memory_space<hbm>>) dst(%arg7 : memref<80x128xi32, #tpu.memory_space<vmem>>)
      tpu.yield
    }) : () -> ()
    "tpu.region"() ({
      %run_scoped3A = tpu.sem_alloc : memref<!tpu.dma_semaphore, #tpu.memory_space<semaphore_mem>>
      %dma_start3A_168 = arith.constant 0 : i32
      %dma_start3A_169 = tpu.memref_slice %arg14[%mul3A_2, %dma_start3A_168] : memref<10008x128xf32, #tpu.memory_space<vmem_shared>> -> memref<624x128xf32, #tpu.memory_space<vmem_shared>>
      %dma_start3A_170 = arith.constant 0 : i32
      %dma_start3A_171 = tpu.memref_slice %arg4[%mul3A_2, %dma_start3A_170] : memref<10000x128xf32, #tpu.memory_space<hbm>> -> memref<624x128xf32, #tpu.memory_space<hbm>>
      tpu.enqueue_dma source(%dma_start3A_171 : memref<624x128xf32, #tpu.memory_space<hbm>>) target(%dma_start3A_169 : memref<624x128xf32, #tpu.memory_space<vmem_shared>>) target_semaphore(%run_scoped3A : memref<!tpu.dma_semaphore, #tpu.memory_space<semaphore_mem>>)
      %dma_wait3A = arith.constant 0 : i32
      %dma_wait3A_172 = tpu.memref_slice %arg14[%mul3A_2, %dma_wait3A] : memref<10008x128xf32, #tpu.memory_space<vmem_shared>> -> memref<624x128xf32, #tpu.memory_space<vmem_shared>>
      %dma_wait3A_173 = arith.constant 0 : i32
      %dma_wait3A_174 = tpu.memref_slice %arg4[%mul3A_2, %dma_wait3A_173] : memref<10000x128xf32, #tpu.memory_space<hbm>> -> memref<624x128xf32, #tpu.memory_space<hbm>>
      tpu.wait_dma2 semaphore(%run_scoped3A : memref<!tpu.dma_semaphore, #tpu.memory_space<semaphore_mem>>) src(%dma_wait3A_174 : memref<624x128xf32, #tpu.memory_space<hbm>>) dst(%dma_wait3A_172 : memref<624x128xf32, #tpu.memory_space<vmem_shared>>)
      tpu.yield
    }) : () -> ()
    %eq3A = arith.constant 0 : i32
    %eq3A_5 = arith.cmpi eq, %arg1, %eq3A : i32
    %convert_element_type3A = arith.extui %eq3A_5 : i1 to i32
    %cond3A = arith.constant 0 : i32
    %cond3A_6 = arith.cmpi ne, %convert_element_type3A, %cond3A : i32
    scf.if %cond3A_6 {
      "tpu.region"() ({
        %run_scoped3A = tpu.sem_alloc : memref<!tpu.dma_semaphore, #tpu.memory_space<semaphore_mem>>
        %dma_start3A_168 = arith.constant 9984 : i32
        %dma_start3A_169 = arith.constant 0 : i32
        %dma_start3A_170 = tpu.memref_slice %arg14[%dma_start3A_168, %dma_start3A_169] : memref<10008x128xf32, #tpu.memory_space<vmem_shared>> -> memref<16x128xf32, #tpu.memory_space<vmem_shared>>
        %dma_start3A_171 = arith.constant 9984 : i32
        %dma_start3A_172 = arith.constant 0 : i32
        %dma_start3A_173 = tpu.memref_slice %arg4[%dma_start3A_171, %dma_start3A_172] : memref<10000x128xf32, #tpu.memory_space<hbm>> -> memref<16x128xf32, #tpu.memory_space<hbm>>
        tpu.enqueue_dma source(%dma_start3A_173 : memref<16x128xf32, #tpu.memory_space<hbm>>) target(%dma_start3A_170 : memref<16x128xf32, #tpu.memory_space<vmem_shared>>) target_semaphore(%run_scoped3A : memref<!tpu.dma_semaphore, #tpu.memory_space<semaphore_mem>>)
        %dma_wait3A = arith.constant 9984 : i32
        %dma_wait3A_174 = arith.constant 0 : i32
        %dma_wait3A_175 = tpu.memref_slice %arg14[%dma_wait3A, %dma_wait3A_174] : memref<10008x128xf32, #tpu.memory_space<vmem_shared>> -> memref<16x128xf32, #tpu.memory_space<vmem_shared>>
        %dma_wait3A_176 = arith.constant 9984 : i32
        %dma_wait3A_177 = arith.constant 0 : i32
        %dma_wait3A_178 = tpu.memref_slice %arg4[%dma_wait3A_176, %dma_wait3A_177] : memref<10000x128xf32, #tpu.memory_space<hbm>> -> memref<16x128xf32, #tpu.memory_space<hbm>>
        tpu.wait_dma2 semaphore(%run_scoped3A : memref<!tpu.dma_semaphore, #tpu.memory_space<semaphore_mem>>) src(%dma_wait3A_178 : memref<16x128xf32, #tpu.memory_space<hbm>>) dst(%dma_wait3A_175 : memref<16x128xf32, #tpu.memory_space<vmem_shared>>)
        tpu.yield
      }) : () -> ()
    } else {
    }
    %barrier3A = arith.constant 0 : index
    tpu.barrier barrier_id(%barrier3A)
    %get3A = arith.constant 0 : i32
    %get3A_7 = arith.index_cast %get3A : i32 to index
    %get3A_8 = arith.constant 0 : index
    %get3A_9 = tpu.vector_load %arg7[%get3A_7, %get3A_8] {strides = array<i32>} : memref<80x128xi32, #tpu.memory_space<vmem>>, vector<1x16xi32>,
    %get3A_10 = vector.shape_cast %get3A_9 : vector<1x16xi32> to vector<16xi32>
    %and3A = arith.constant 65535 : i32
    %and3A_11 = vector.broadcast %and3A : i32 to vector<16xi32>
    %and3A_12 = arith.andi %get3A_10, %and3A_11 : vector<16xi32>
    %swap3A = arith.constant 0 : index
    %swap3A_13 = tpu.vector_load %arg8[%swap3A] {strides = array<i32>} : memref<128xi32, #tpu.memory_space<vmem>>, vector<16xi32>,
    %swap3A_14 = vector.shape_cast %swap3A_13 : vector<16xi32> to vector<16xi32>
    %swap3A_15 = vector.shape_cast %and3A_12 : vector<16xi32> to vector<16xi32>
    tpu.vector_store %arg8[%swap3A], %swap3A_15 {strides = array<i32>} : memref<128xi32, #tpu.memory_space<vmem>>, vector<16xi32>,
    %shift_right_logical3A = arith.constant 16 : i32
    %shift_right_logical3A_16 = vector.broadcast %shift_right_logical3A : i32 to vector<16xi32>
    %shift_right_logical3A_17 = arith.shrui %get3A_10, %shift_right_logical3A_16 : vector<16xi32>
    %swap3A_18 = arith.constant 0 : index
    %swap3A_19 = tpu.vector_load %arg9[%swap3A_18] {strides = array<i32>} : memref<128xi32, #tpu.memory_space<vmem>>, vector<16xi32>,
    %swap3A_20 = vector.shape_cast %swap3A_19 : vector<16xi32> to vector<16xi32>
    %swap3A_21 = vector.shape_cast %shift_right_logical3A_17 : vector<16xi32> to vector<16xi32>
    tpu.vector_store %arg9[%swap3A_18], %swap3A_21 {strides = array<i32>} : memref<128xi32, #tpu.memory_space<vmem>>, vector<16xi32>,
    %get3A_22 = arith.constant 0 : i32
    %get3A_23 = arith.index_cast %get3A_22 : i32 to index
    %get3A_24 = arith.constant 16 : index
    %get3A_25 = tpu.vector_load %arg7[%get3A_23, %get3A_24] {strides = array<i32>} : memref<80x128xi32, #tpu.memory_space<vmem>>, vector<1x16xi32>,
    %get3A_26 = vector.shape_cast %get3A_25 : vector<1x16xi32> to vector<16xi32>
    %and3A_27 = arith.constant 65535 : i32
    %and3A_28 = vector.broadcast %and3A_27 : i32 to vector<16xi32>
    %and3A_29 = arith.andi %get3A_26, %and3A_28 : vector<16xi32>
    %swap3A_30 = arith.constant 16 : index
    %swap3A_31 = tpu.vector_load %arg8[%swap3A_30] {strides = array<i32>} : memref<128xi32, #tpu.memory_space<vmem>>, vector<16xi32>,
    %swap3A_32 = vector.shape_cast %swap3A_31 : vector<16xi32> to vector<16xi32>
    %swap3A_33 = vector.shape_cast %and3A_29 : vector<16xi32> to vector<16xi32>
    tpu.vector_store %arg8[%swap3A_30], %swap3A_33 {strides = array<i32>} : memref<128xi32, #tpu.memory_space<vmem>>, vector<16xi32>,
    %shift_right_logical3A_34 = arith.constant 16 : i32
    %shift_right_logical3A_35 = vector.broadcast %shift_right_logical3A_34 : i32 to vector<16xi32>
    %shift_right_logical3A_36 = arith.shrui %get3A_26, %shift_right_logical3A_35 : vector<16xi32>
    %swap3A_37 = arith.constant 16 : index
    %swap3A_38 = tpu.vector_load %arg9[%swap3A_37] {strides = array<i32>} : memref<128xi32, #tpu.memory_space<vmem>>, vector<16xi32>,
    %swap3A_39 = vector.shape_cast %swap3A_38 : vector<16xi32> to vector<16xi32>
    %swap3A_40 = vector.shape_cast %shift_right_logical3A_36 : vector<16xi32> to vector<16xi32>
    tpu.vector_store %arg9[%swap3A_37], %swap3A_40 {strides = array<i32>} : memref<128xi32, #tpu.memory_space<vmem>>, vector<16xi32>,
    %get3A_41 = arith.constant 0 : i32
    %get3A_42 = arith.index_cast %get3A_41 : i32 to index
    %get3A_43 = arith.constant 32 : index
    %get3A_44 = tpu.vector_load %arg7[%get3A_42, %get3A_43] {strides = array<i32>} : memref<80x128xi32, #tpu.memory_space<vmem>>, vector<1x16xi32>,
    %get3A_45 = vector.shape_cast %get3A_44 : vector<1x16xi32> to vector<16xi32>
    %and3A_46 = arith.constant 65535 : i32
    %and3A_47 = vector.broadcast %and3A_46 : i32 to vector<16xi32>
    %and3A_48 = arith.andi %get3A_45, %and3A_47 : vector<16xi32>
    %swap3A_49 = arith.constant 32 : index
    %swap3A_50 = tpu.vector_load %arg8[%swap3A_49] {strides = array<i32>} : memref<128xi32, #tpu.memory_space<vmem>>, vector<16xi32>,
    %swap3A_51 = vector.shape_cast %swap3A_50 : vector<16xi32> to vector<16xi32>
    %swap3A_52 = vector.shape_cast %and3A_48 : vector<16xi32> to vector<16xi32>
    tpu.vector_store %arg8[%swap3A_49], %swap3A_52 {strides = array<i32>} : memref<128xi32, #tpu.memory_space<vmem>>, vector<16xi32>,
    %shift_right_logical3A_53 = arith.constant 16 : i32
    %shift_right_logical3A_54 = vector.broadcast %shift_right_logical3A_53 : i32 to vector<16xi32>
    %shift_right_logical3A_55 = arith.shrui %get3A_45, %shift_right_logical3A_54 : vector<16xi32>
    %swap3A_56 = arith.constant 32 : index
    %swap3A_57 = tpu.vector_load %arg9[%swap3A_56] {strides = array<i32>} : memref<128xi32, #tpu.memory_space<vmem>>, vector<16xi32>,
    %swap3A_58 = vector.shape_cast %swap3A_57 : vector<16xi32> to vector<16xi32>
    %swap3A_59 = vector.shape_cast %shift_right_logical3A_55 : vector<16xi32> to vector<16xi32>
    tpu.vector_store %arg9[%swap3A_56], %swap3A_59 {strides = array<i32>} : memref<128xi32, #tpu.memory_space<vmem>>, vector<16xi32>,
    %get3A_60 = arith.constant 0 : i32
    %get3A_61 = arith.index_cast %get3A_60 : i32 to index
    %get3A_62 = arith.constant 48 : index
    %get3A_63 = tpu.vector_load %arg7[%get3A_61, %get3A_62] {strides = array<i32>} : memref<80x128xi32, #tpu.memory_space<vmem>>, vector<1x16xi32>,
    %get3A_64 = vector.shape_cast %get3A_63 : vector<1x16xi32> to vector<16xi32>
    %and3A_65 = arith.constant 65535 : i32
    %and3A_66 = vector.broadcast %and3A_65 : i32 to vector<16xi32>
    %and3A_67 = arith.andi %get3A_64, %and3A_66 : vector<16xi32>
    %swap3A_68 = arith.constant 48 : index
    %swap3A_69 = tpu.vector_load %arg8[%swap3A_68] {strides = array<i32>} : memref<128xi32, #tpu.memory_space<vmem>>, vector<16xi32>,
    %swap3A_70 = vector.shape_cast %swap3A_69 : vector<16xi32> to vector<16xi32>
    %swap3A_71 = vector.shape_cast %and3A_67 : vector<16xi32> to vector<16xi32>
    tpu.vector_store %arg8[%swap3A_68], %swap3A_71 {strides = array<i32>} : memref<128xi32, #tpu.memory_space<vmem>>, vector<16xi32>,
    %shift_right_logical3A_72 = arith.constant 16 : i32
    %shift_right_logical3A_73 = vector.broadcast %shift_right_logical3A_72 : i32 to vector<16xi32>
    %shift_right_logical3A_74 = arith.shrui %get3A_64, %shift_right_logical3A_73 : vector<16xi32>
    %swap3A_75 = arith.constant 48 : index
    %swap3A_76 = tpu.vector_load %arg9[%swap3A_75] {strides = array<i32>} : memref<128xi32, #tpu.memory_space<vmem>>, vector<16xi32>,
    %swap3A_77 = vector.shape_cast %swap3A_76 : vector<16xi32> to vector<16xi32>
    %swap3A_78 = vector.shape_cast %shift_right_logical3A_74 : vector<16xi32> to vector<16xi32>
    tpu.vector_store %arg9[%swap3A_75], %swap3A_78 {strides = array<i32>} : memref<128xi32, #tpu.memory_space<vmem>>, vector<16xi32>,
    %get3A_79 = arith.constant 0 : i32
    %get3A_80 = arith.index_cast %get3A_79 : i32 to index
    %get3A_81 = arith.constant 64 : index
    %get3A_82 = tpu.vector_load %arg7[%get3A_80, %get3A_81] {strides = array<i32>} : memref<80x128xi32, #tpu.memory_space<vmem>>, vector<1x16xi32>,
    %get3A_83 = vector.shape_cast %get3A_82 : vector<1x16xi32> to vector<16xi32>
    %and3A_84 = arith.constant 65535 : i32
    %and3A_85 = vector.broadcast %and3A_84 : i32 to vector<16xi32>
    %and3A_86 = arith.andi %get3A_83, %and3A_85 : vector<16xi32>
    %swap3A_87 = arith.constant 64 : index
    %swap3A_88 = tpu.vector_load %arg8[%swap3A_87] {strides = array<i32>} : memref<128xi32, #tpu.memory_space<vmem>>, vector<16xi32>,
    %swap3A_89 = vector.shape_cast %swap3A_88 : vector<16xi32> to vector<16xi32>
    %swap3A_90 = vector.shape_cast %and3A_86 : vector<16xi32> to vector<16xi32>
    tpu.vector_store %arg8[%swap3A_87], %swap3A_90 {strides = array<i32>} : memref<128xi32, #tpu.memory_space<vmem>>, vector<16xi32>,
    %shift_right_logical3A_91 = arith.constant 16 : i32
    %shift_right_logical3A_92 = vector.broadcast %shift_right_logical3A_91 : i32 to vector<16xi32>
    %shift_right_logical3A_93 = arith.shrui %get3A_83, %shift_right_logical3A_92 : vector<16xi32>
    %swap3A_94 = arith.constant 64 : index
    %swap3A_95 = tpu.vector_load %arg9[%swap3A_94] {strides = array<i32>} : memref<128xi32, #tpu.memory_space<vmem>>, vector<16xi32>,
    %swap3A_96 = vector.shape_cast %swap3A_95 : vector<16xi32> to vector<16xi32>
    %swap3A_97 = vector.shape_cast %shift_right_logical3A_93 : vector<16xi32> to vector<16xi32>
    tpu.vector_store %arg9[%swap3A_94], %swap3A_97 {strides = array<i32>} : memref<128xi32, #tpu.memory_space<vmem>>, vector<16xi32>,
    %get3A_98 = arith.constant 0 : i32
    %get3A_99 = arith.index_cast %get3A_98 : i32 to index
    %get3A_100 = arith.constant 80 : index
    %get3A_101 = tpu.vector_load %arg7[%get3A_99, %get3A_100] {strides = array<i32>} : memref<80x128xi32, #tpu.memory_space<vmem>>, vector<1x16xi32>,
    %get3A_102 = vector.shape_cast %get3A_101 : vector<1x16xi32> to vector<16xi32>
    %and3A_103 = arith.constant 65535 : i32
    %and3A_104 = vector.broadcast %and3A_103 : i32 to vector<16xi32>
    %and3A_105 = arith.andi %get3A_102, %and3A_104 : vector<16xi32>
    %swap3A_106 = arith.constant 80 : index
    %swap3A_107 = tpu.vector_load %arg8[%swap3A_106] {strides = array<i32>} : memref<128xi32, #tpu.memory_space<vmem>>, vector<16xi32>,
    %swap3A_108 = vector.shape_cast %swap3A_107 : vector<16xi32> to vector<16xi32>
    %swap3A_109 = vector.shape_cast %and3A_105 : vector<16xi32> to vector<16xi32>
    tpu.vector_store %arg8[%swap3A_106], %swap3A_109 {strides = array<i32>} : memref<128xi32, #tpu.memory_space<vmem>>, vector<16xi32>,
    %shift_right_logical3A_110 = arith.constant 16 : i32
    %shift_right_logical3A_111 = vector.broadcast %shift_right_logical3A_110 : i32 to vector<16xi32>
    %shift_right_logical3A_112 = arith.shrui %get3A_102, %shift_right_logical3A_111 : vector<16xi32>
    %swap3A_113 = arith.constant 80 : index
    %swap3A_114 = tpu.vector_load %arg9[%swap3A_113] {strides = array<i32>} : memref<128xi32, #tpu.memory_space<vmem>>, vector<16xi32>,
    %swap3A_115 = vector.shape_cast %swap3A_114 : vector<16xi32> to vector<16xi32>
    %swap3A_116 = vector.shape_cast %shift_right_logical3A_112 : vector<16xi32> to vector<16xi32>
    tpu.vector_store %arg9[%swap3A_113], %swap3A_116 {strides = array<i32>} : memref<128xi32, #tpu.memory_space<vmem>>, vector<16xi32>,
    %get3A_117 = arith.constant 0 : i32
    %get3A_118 = arith.index_cast %get3A_117 : i32 to index
    %get3A_119 = arith.constant 96 : index
    %get3A_120 = tpu.vector_load %arg7[%get3A_118, %get3A_119] {strides = array<i32>} : memref<80x128xi32, #tpu.memory_space<vmem>>, vector<1x16xi32>,
    %get3A_121 = vector.shape_cast %get3A_120 : vector<1x16xi32> to vector<16xi32>
    %and3A_122 = arith.constant 65535 : i32
    %and3A_123 = vector.broadcast %and3A_122 : i32 to vector<16xi32>
    %and3A_124 = arith.andi %get3A_121, %and3A_123 : vector<16xi32>
    %swap3A_125 = arith.constant 96 : index
    %swap3A_126 = tpu.vector_load %arg8[%swap3A_125] {strides = array<i32>} : memref<128xi32, #tpu.memory_space<vmem>>, vector<16xi32>,
    %swap3A_127 = vector.shape_cast %swap3A_126 : vector<16xi32> to vector<16xi32>
    %swap3A_128 = vector.shape_cast %and3A_124 : vector<16xi32> to vector<16xi32>
    tpu.vector_store %arg8[%swap3A_125], %swap3A_128 {strides = array<i32>} : memref<128xi32, #tpu.memory_space<vmem>>, vector<16xi32>,
    %shift_right_logical3A_129 = arith.constant 16 : i32
    %shift_right_logical3A_130 = vector.broadcast %shift_right_logical3A_129 : i32 to vector<16xi32>
    %shift_right_logical3A_131 = arith.shrui %get3A_121, %shift_right_logical3A_130 : vector<16xi32>
    %swap3A_132 = arith.constant 96 : index
    %swap3A_133 = tpu.vector_load %arg9[%swap3A_132] {strides = array<i32>} : memref<128xi32, #tpu.memory_space<vmem>>, vector<16xi32>,
    %swap3A_134 = vector.shape_cast %swap3A_133 : vector<16xi32> to vector<16xi32>
    %swap3A_135 = vector.shape_cast %shift_right_logical3A_131 : vector<16xi32> to vector<16xi32>
    tpu.vector_store %arg9[%swap3A_132], %swap3A_135 {strides = array<i32>} : memref<128xi32, #tpu.memory_space<vmem>>, vector<16xi32>,
    %get3A_136 = arith.constant 0 : i32
    %get3A_137 = arith.index_cast %get3A_136 : i32 to index
    %get3A_138 = arith.constant 112 : index
    %get3A_139 = tpu.vector_load %arg7[%get3A_137, %get3A_138] {strides = array<i32>} : memref<80x128xi32, #tpu.memory_space<vmem>>, vector<1x16xi32>,
    %get3A_140 = vector.shape_cast %get3A_139 : vector<1x16xi32> to vector<16xi32>
    %and3A_141 = arith.constant 65535 : i32
    %and3A_142 = vector.broadcast %and3A_141 : i32 to vector<16xi32>
    %and3A_143 = arith.andi %get3A_140, %and3A_142 : vector<16xi32>
    %swap3A_144 = arith.constant 112 : index
    %swap3A_145 = tpu.vector_load %arg8[%swap3A_144] {strides = array<i32>} : memref<128xi32, #tpu.memory_space<vmem>>, vector<16xi32>,
    %swap3A_146 = vector.shape_cast %swap3A_145 : vector<16xi32> to vector<16xi32>
    %swap3A_147 = vector.shape_cast %and3A_143 : vector<16xi32> to vector<16xi32>
    tpu.vector_store %arg8[%swap3A_144], %swap3A_147 {strides = array<i32>} : memref<128xi32, #tpu.memory_space<vmem>>, vector<16xi32>,
    %shift_right_logical3A_148 = arith.constant 16 : i32
    %shift_right_logical3A_149 = vector.broadcast %shift_right_logical3A_148 : i32 to vector<16xi32>
    %shift_right_logical3A_150 = arith.shrui %get3A_140, %shift_right_logical3A_149 : vector<16xi32>
    %swap3A_151 = arith.constant 112 : index
    %swap3A_152 = tpu.vector_load %arg9[%swap3A_151] {strides = array<i32>} : memref<128xi32, #tpu.memory_space<vmem>>, vector<16xi32>,
    %swap3A_153 = vector.shape_cast %swap3A_152 : vector<16xi32> to vector<16xi32>
    %swap3A_154 = vector.shape_cast %shift_right_logical3A_150 : vector<16xi32> to vector<16xi32>
    tpu.vector_store %arg9[%swap3A_151], %swap3A_154 {strides = array<i32>} : memref<128xi32, #tpu.memory_space<vmem>>, vector<16xi32>,
    %dma_start3A = arith.constant 0 : i32
    %dma_start3A_155 = arith.constant 0 : i32
    %dma_start3A_156 = tpu.memref_slice %arg2[%dma_start3A, %dma_start3A_155] : memref<10000x128xf32, #tpu.memory_space<hbm>> -> memref<10000x128xf32, #tpu.memory_space<hbm>>
    tpu.enqueue_indirect_dma source(%dma_start3A_156 : memref<10000x128xf32, #tpu.memory_space<hbm>>) target(%arg12 : memref<128x128xf32, #tpu.memory_space<vmem>>) offsets(%arg8 : memref<128xi32, #tpu.memory_space<vmem>>) semaphore(%arg15 : memref<!tpu.dma_semaphore, #tpu.memory_space<semaphore_mem>>)
    %scan3A = arith.constant 0 : i32
    %scan3A_157 = arith.constant 0 : i32
    %scan3A_158 = arith.constant 40 : i32
    %scan3A_159 = arith.addi %scan3A_157, %scan3A_158 : i32
    %scan3A_160 = arith.constant 1 : i32
    scf.for %scan3A_168 = %scan3A_157 to %scan3A_159 step %scan3A_160  : i32 {
      %mul3A_169 = arith.constant 2 : i32
      %mul3A_170 = arith.muli %mul3A_169, %scan3A_168 : i32
      %add3A_171 = arith.constant 1 : i32
      %add3A_172 = arith.addi %mul3A_170, %add3A_171 : i32
      %get3A_173 = arith.index_cast %add3A_172 : i32 to index
      %get3A_174 = arith.constant 0 : index
      %get3A_175 = tpu.vector_load %arg7[%get3A_173, %get3A_174] {strides = array<i32>} : memref<80x128xi32, #tpu.memory_space<vmem>>, vector<1x16xi32>,
      %get3A_176 = vector.shape_cast %get3A_175 : vector<1x16xi32> to vector<16xi32>
      %and3A_177 = arith.constant 65535 : i32
      %and3A_178 = vector.broadcast %and3A_177 : i32 to vector<16xi32>
      %and3A_179 = arith.andi %get3A_176, %and3A_178 : vector<16xi32>
      %swap3A_180 = arith.constant 0 : index
      %swap3A_181 = tpu.vector_load %arg10[%swap3A_180] {strides = array<i32>} : memref<128xi32, #tpu.memory_space<vmem>>, vector<16xi32>,
      %swap3A_182 = vector.shape_cast %swap3A_181 : vector<16xi32> to vector<16xi32>
      %swap3A_183 = vector.shape_cast %and3A_179 : vector<16xi32> to vector<16xi32>
      tpu.vector_store %arg10[%swap3A_180], %swap3A_183 {strides = array<i32>} : memref<128xi32, #tpu.memory_space<vmem>>, vector<16xi32>,
      %shift_right_logical3A_184 = arith.constant 16 : i32
      %shift_right_logical3A_185 = vector.broadcast %shift_right_logical3A_184 : i32 to vector<16xi32>
      %shift_right_logical3A_186 = arith.shrui %get3A_176, %shift_right_logical3A_185 : vector<16xi32>
      %swap3A_187 = arith.constant 0 : index
      %swap3A_188 = tpu.vector_load %arg11[%swap3A_187] {strides = array<i32>} : memref<128xi32, #tpu.memory_space<vmem>>, vector<16xi32>,
      %swap3A_189 = vector.shape_cast %swap3A_188 : vector<16xi32> to vector<16xi32>
      %swap3A_190 = vector.shape_cast %shift_right_logical3A_186 : vector<16xi32> to vector<16xi32>
      tpu.vector_store %arg11[%swap3A_187], %swap3A_190 {strides = array<i32>} : memref<128xi32, #tpu.memory_space<vmem>>, vector<16xi32>,
      %get3A_191 = arith.index_cast %add3A_172 : i32 to index
      %get3A_192 = arith.constant 16 : index
      %get3A_193 = tpu.vector_load %arg7[%get3A_191, %get3A_192] {strides = array<i32>} : memref<80x128xi32, #tpu.memory_space<vmem>>, vector<1x16xi32>,
      %get3A_194 = vector.shape_cast %get3A_193 : vector<1x16xi32> to vector<16xi32>
      %and3A_195 = arith.constant 65535 : i32
      %and3A_196 = vector.broadcast %and3A_195 : i32 to vector<16xi32>
      %and3A_197 = arith.andi %get3A_194, %and3A_196 : vector<16xi32>
      %swap3A_198 = arith.constant 16 : index
      %swap3A_199 = tpu.vector_load %arg10[%swap3A_198] {strides = array<i32>} : memref<128xi32, #tpu.memory_space<vmem>>, vector<16xi32>,
      %swap3A_200 = vector.shape_cast %swap3A_199 : vector<16xi32> to vector<16xi32>
      %swap3A_201 = vector.shape_cast %and3A_197 : vector<16xi32> to vector<16xi32>
      tpu.vector_store %arg10[%swap3A_198], %swap3A_201 {strides = array<i32>} : memref<128xi32, #tpu.memory_space<vmem>>, vector<16xi32>,
      %shift_right_logical3A_202 = arith.constant 16 : i32
      %shift_right_logical3A_203 = vector.broadcast %shift_right_logical3A_202 : i32 to vector<16xi32>
      %shift_right_logical3A_204 = arith.shrui %get3A_194, %shift_right_logical3A_203 : vector<16xi32>
      %swap3A_205 = arith.constant 16 : index
      %swap3A_206 = tpu.vector_load %arg11[%swap3A_205] {strides = array<i32>} : memref<128xi32, #tpu.memory_space<vmem>>, vector<16xi32>,
      %swap3A_207 = vector.shape_cast %swap3A_206 : vector<16xi32> to vector<16xi32>
      %swap3A_208 = vector.shape_cast %shift_right_logical3A_204 : vector<16xi32> to vector<16xi32>
      tpu.vector_store %arg11[%swap3A_205], %swap3A_208 {strides = array<i32>} : memref<128xi32, #tpu.memory_space<vmem>>, vector<16xi32>,
      %get3A_209 = arith.index_cast %add3A_172 : i32 to index
      %get3A_210 = arith.constant 32 : index
      %get3A_211 = tpu.vector_load %arg7[%get3A_209, %get3A_210] {strides = array<i32>} : memref<80x128xi32, #tpu.memory_space<vmem>>, vector<1x16xi32>,
      %get3A_212 = vector.shape_cast %get3A_211 : vector<1x16xi32> to vector<16xi32>
      %and3A_213 = arith.constant 65535 : i32
      %and3A_214 = vector.broadcast %and3A_213 : i32 to vector<16xi32>
      %and3A_215 = arith.andi %get3A_212, %and3A_214 : vector<16xi32>
      %swap3A_216 = arith.constant 32 : index
      %swap3A_217 = tpu.vector_load %arg10[%swap3A_216] {strides = array<i32>} : memref<128xi32, #tpu.memory_space<vmem>>, vector<16xi32>,
      %swap3A_218 = vector.shape_cast %swap3A_217 : vector<16xi32> to vector<16xi32>
      %swap3A_219 = vector.shape_cast %and3A_215 : vector<16xi32> to vector<16xi32>
      tpu.vector_store %arg10[%swap3A_216], %swap3A_219 {strides = array<i32>} : memref<128xi32, #tpu.memory_space<vmem>>, vector<16xi32>,
      %shift_right_logical3A_220 = arith.constant 16 : i32
      %shift_right_logical3A_221 = vector.broadcast %shift_right_logical3A_220 : i32 to vector<16xi32>
      %shift_right_logical3A_222 = arith.shrui %get3A_212, %shift_right_logical3A_221 : vector<16xi32>
      %swap3A_223 = arith.constant 32 : index
      %swap3A_224 = tpu.vector_load %arg11[%swap3A_223] {strides = array<i32>} : memref<128xi32, #tpu.memory_space<vmem>>, vector<16xi32>,
      %swap3A_225 = vector.shape_cast %swap3A_224 : vector<16xi32> to vector<16xi32>
      %swap3A_226 = vector.shape_cast %shift_right_logical3A_222 : vector<16xi32> to vector<16xi32>
      tpu.vector_store %arg11[%swap3A_223], %swap3A_226 {strides = array<i32>} : memref<128xi32, #tpu.memory_space<vmem>>, vector<16xi32>,
      %get3A_227 = arith.index_cast %add3A_172 : i32 to index
      %get3A_228 = arith.constant 48 : index
      %get3A_229 = tpu.vector_load %arg7[%get3A_227, %get3A_228] {strides = array<i32>} : memref<80x128xi32, #tpu.memory_space<vmem>>, vector<1x16xi32>,
      %get3A_230 = vector.shape_cast %get3A_229 : vector<1x16xi32> to vector<16xi32>
      %and3A_231 = arith.constant 65535 : i32
      %and3A_232 = vector.broadcast %and3A_231 : i32 to vector<16xi32>
      %and3A_233 = arith.andi %get3A_230, %and3A_232 : vector<16xi32>
      %swap3A_234 = arith.constant 48 : index
      %swap3A_235 = tpu.vector_load %arg10[%swap3A_234] {strides = array<i32>} : memref<128xi32, #tpu.memory_space<vmem>>, vector<16xi32>,
      %swap3A_236 = vector.shape_cast %swap3A_235 : vector<16xi32> to vector<16xi32>
      %swap3A_237 = vector.shape_cast %and3A_233 : vector<16xi32> to vector<16xi32>
      tpu.vector_store %arg10[%swap3A_234], %swap3A_237 {strides = array<i32>} : memref<128xi32, #tpu.memory_space<vmem>>, vector<16xi32>,
      %shift_right_logical3A_238 = arith.constant 16 : i32
      %shift_right_logical3A_239 = vector.broadcast %shift_right_logical3A_238 : i32 to vector<16xi32>
      %shift_right_logical3A_240 = arith.shrui %get3A_230, %shift_right_logical3A_239 : vector<16xi32>
      %swap3A_241 = arith.constant 48 : index
      %swap3A_242 = tpu.vector_load %arg11[%swap3A_241] {strides = array<i32>} : memref<128xi32, #tpu.memory_space<vmem>>, vector<16xi32>,
      %swap3A_243 = vector.shape_cast %swap3A_242 : vector<16xi32> to vector<16xi32>
      %swap3A_244 = vector.shape_cast %shift_right_logical3A_240 : vector<16xi32> to vector<16xi32>
      tpu.vector_store %arg11[%swap3A_241], %swap3A_244 {strides = array<i32>} : memref<128xi32, #tpu.memory_space<vmem>>, vector<16xi32>,
      %get3A_245 = arith.index_cast %add3A_172 : i32 to index
      %get3A_246 = arith.constant 64 : index
      %get3A_247 = tpu.vector_load %arg7[%get3A_245, %get3A_246] {strides = array<i32>} : memref<80x128xi32, #tpu.memory_space<vmem>>, vector<1x16xi32>,
      %get3A_248 = vector.shape_cast %get3A_247 : vector<1x16xi32> to vector<16xi32>
      %and3A_249 = arith.constant 65535 : i32
      %and3A_250 = vector.broadcast %and3A_249 : i32 to vector<16xi32>
      %and3A_251 = arith.andi %get3A_248, %and3A_250 : vector<16xi32>
      %swap3A_252 = arith.constant 64 : index
      %swap3A_253 = tpu.vector_load %arg10[%swap3A_252] {strides = array<i32>} : memref<128xi32, #tpu.memory_space<vmem>>, vector<16xi32>,
      %swap3A_254 = vector.shape_cast %swap3A_253 : vector<16xi32> to vector<16xi32>
      %swap3A_255 = vector.shape_cast %and3A_251 : vector<16xi32> to vector<16xi32>
      tpu.vector_store %arg10[%swap3A_252], %swap3A_255 {strides = array<i32>} : memref<128xi32, #tpu.memory_space<vmem>>, vector<16xi32>,
      %shift_right_logical3A_256 = arith.constant 16 : i32
      %shift_right_logical3A_257 = vector.broadcast %shift_right_logical3A_256 : i32 to vector<16xi32>
      %shift_right_logical3A_258 = arith.shrui %get3A_248, %shift_right_logical3A_257 : vector<16xi32>
      %swap3A_259 = arith.constant 64 : index
      %swap3A_260 = tpu.vector_load %arg11[%swap3A_259] {strides = array<i32>} : memref<128xi32, #tpu.memory_space<vmem>>, vector<16xi32>,
      %swap3A_261 = vector.shape_cast %swap3A_260 : vector<16xi32> to vector<16xi32>
      %swap3A_262 = vector.shape_cast %shift_right_logical3A_258 : vector<16xi32> to vector<16xi32>
      tpu.vector_store %arg11[%swap3A_259], %swap3A_262 {strides = array<i32>} : memref<128xi32, #tpu.memory_space<vmem>>, vector<16xi32>,
      %get3A_263 = arith.index_cast %add3A_172 : i32 to index
      %get3A_264 = arith.constant 80 : index
      %get3A_265 = tpu.vector_load %arg7[%get3A_263, %get3A_264] {strides = array<i32>} : memref<80x128xi32, #tpu.memory_space<vmem>>, vector<1x16xi32>,
      %get3A_266 = vector.shape_cast %get3A_265 : vector<1x16xi32> to vector<16xi32>
      %and3A_267 = arith.constant 65535 : i32
      %and3A_268 = vector.broadcast %and3A_267 : i32 to vector<16xi32>
      %and3A_269 = arith.andi %get3A_266, %and3A_268 : vector<16xi32>
      %swap3A_270 = arith.constant 80 : index
      %swap3A_271 = tpu.vector_load %arg10[%swap3A_270] {strides = array<i32>} : memref<128xi32, #tpu.memory_space<vmem>>, vector<16xi32>,
      %swap3A_272 = vector.shape_cast %swap3A_271 : vector<16xi32> to vector<16xi32>
      %swap3A_273 = vector.shape_cast %and3A_269 : vector<16xi32> to vector<16xi32>
      tpu.vector_store %arg10[%swap3A_270], %swap3A_273 {strides = array<i32>} : memref<128xi32, #tpu.memory_space<vmem>>, vector<16xi32>,
      %shift_right_logical3A_274 = arith.constant 16 : i32
      %shift_right_logical3A_275 = vector.broadcast %shift_right_logical3A_274 : i32 to vector<16xi32>
      %shift_right_logical3A_276 = arith.shrui %get3A_266, %shift_right_logical3A_275 : vector<16xi32>
      %swap3A_277 = arith.constant 80 : index
      %swap3A_278 = tpu.vector_load %arg11[%swap3A_277] {strides = array<i32>} : memref<128xi32, #tpu.memory_space<vmem>>, vector<16xi32>,
      %swap3A_279 = vector.shape_cast %swap3A_278 : vector<16xi32> to vector<16xi32>
      %swap3A_280 = vector.shape_cast %shift_right_logical3A_276 : vector<16xi32> to vector<16xi32>
      tpu.vector_store %arg11[%swap3A_277], %swap3A_280 {strides = array<i32>} : memref<128xi32, #tpu.memory_space<vmem>>, vector<16xi32>,
      %get3A_281 = arith.index_cast %add3A_172 : i32 to index
      %get3A_282 = arith.constant 96 : index
      %get3A_283 = tpu.vector_load %arg7[%get3A_281, %get3A_282] {strides = array<i32>} : memref<80x128xi32, #tpu.memory_space<vmem>>, vector<1x16xi32>,
      %get3A_284 = vector.shape_cast %get3A_283 : vector<1x16xi32> to vector<16xi32>
      %and3A_285 = arith.constant 65535 : i32
      %and3A_286 = vector.broadcast %and3A_285 : i32 to vector<16xi32>
      %and3A_287 = arith.andi %get3A_284, %and3A_286 : vector<16xi32>
      %swap3A_288 = arith.constant 96 : index
      %swap3A_289 = tpu.vector_load %arg10[%swap3A_288] {strides = array<i32>} : memref<128xi32, #tpu.memory_space<vmem>>, vector<16xi32>,
      %swap3A_290 = vector.shape_cast %swap3A_289 : vector<16xi32> to vector<16xi32>
      %swap3A_291 = vector.shape_cast %and3A_287 : vector<16xi32> to vector<16xi32>
      tpu.vector_store %arg10[%swap3A_288], %swap3A_291 {strides = array<i32>} : memref<128xi32, #tpu.memory_space<vmem>>, vector<16xi32>,
      %shift_right_logical3A_292 = arith.constant 16 : i32
      %shift_right_logical3A_293 = vector.broadcast %shift_right_logical3A_292 : i32 to vector<16xi32>
      %shift_right_logical3A_294 = arith.shrui %get3A_284, %shift_right_logical3A_293 : vector<16xi32>
      %swap3A_295 = arith.constant 96 : index
      %swap3A_296 = tpu.vector_load %arg11[%swap3A_295] {strides = array<i32>} : memref<128xi32, #tpu.memory_space<vmem>>, vector<16xi32>,
      %swap3A_297 = vector.shape_cast %swap3A_296 : vector<16xi32> to vector<16xi32>
      %swap3A_298 = vector.shape_cast %shift_right_logical3A_294 : vector<16xi32> to vector<16xi32>
      tpu.vector_store %arg11[%swap3A_295], %swap3A_298 {strides = array<i32>} : memref<128xi32, #tpu.memory_space<vmem>>, vector<16xi32>,
      %get3A_299 = arith.index_cast %add3A_172 : i32 to index
      %get3A_300 = arith.constant 112 : index
      %get3A_301 = tpu.vector_load %arg7[%get3A_299, %get3A_300] {strides = array<i32>} : memref<80x128xi32, #tpu.memory_space<vmem>>, vector<1x16xi32>,
      %get3A_302 = vector.shape_cast %get3A_301 : vector<1x16xi32> to vector<16xi32>
      %and3A_303 = arith.constant 65535 : i32
      %and3A_304 = vector.broadcast %and3A_303 : i32 to vector<16xi32>
      %and3A_305 = arith.andi %get3A_302, %and3A_304 : vector<16xi32>
      %swap3A_306 = arith.constant 112 : index
      %swap3A_307 = tpu.vector_load %arg10[%swap3A_306] {strides = array<i32>} : memref<128xi32, #tpu.memory_space<vmem>>, vector<16xi32>,
      %swap3A_308 = vector.shape_cast %swap3A_307 : vector<16xi32> to vector<16xi32>
      %swap3A_309 = vector.shape_cast %and3A_305 : vector<16xi32> to vector<16xi32>
      tpu.vector_store %arg10[%swap3A_306], %swap3A_309 {strides = array<i32>} : memref<128xi32, #tpu.memory_space<vmem>>, vector<16xi32>,
      %shift_right_logical3A_310 = arith.constant 16 : i32
      %shift_right_logical3A_311 = vector.broadcast %shift_right_logical3A_310 : i32 to vector<16xi32>
      %shift_right_logical3A_312 = arith.shrui %get3A_302, %shift_right_logical3A_311 : vector<16xi32>
      %swap3A_313 = arith.constant 112 : index
      %swap3A_314 = tpu.vector_load %arg11[%swap3A_313] {strides = array<i32>} : memref<128xi32, #tpu.memory_space<vmem>>, vector<16xi32>,
      %swap3A_315 = vector.shape_cast %swap3A_314 : vector<16xi32> to vector<16xi32>
      %swap3A_316 = vector.shape_cast %shift_right_logical3A_312 : vector<16xi32> to vector<16xi32>
      tpu.vector_store %arg11[%swap3A_313], %swap3A_316 {strides = array<i32>} : memref<128xi32, #tpu.memory_space<vmem>>, vector<16xi32>,
      %dma_wait3A = arith.constant 0 : i32
      %dma_wait3A_317 = arith.constant 0 : i32
      %dma_wait3A_318 = tpu.memref_slice %arg2[%dma_wait3A, %dma_wait3A_317] : memref<10000x128xf32, #tpu.memory_space<hbm>> -> memref<10000x128xf32, #tpu.memory_space<hbm>>
      tpu.wait_indirect_dma semaphore(%arg15 : memref<!tpu.dma_semaphore, #tpu.memory_space<semaphore_mem>>) src(%dma_wait3A_318 : memref<10000x128xf32, #tpu.memory_space<hbm>>) dst(%arg12 : memref<128x128xf32, #tpu.memory_space<vmem>>)
      %dma_start3A_319 = arith.constant 0 : i32
      %dma_start3A_320 = arith.constant 0 : i32
      %dma_start3A_321 = tpu.memref_slice %arg2[%dma_start3A_319, %dma_start3A_320] : memref<10000x128xf32, #tpu.memory_space<hbm>> -> memref<10000x128xf32, #tpu.memory_space<hbm>>
      tpu.enqueue_indirect_dma source(%dma_start3A_321 : memref<10000x128xf32, #tpu.memory_space<hbm>>) target(%arg13 : memref<128x128xf32, #tpu.memory_space<vmem>>) offsets(%arg10 : memref<128xi32, #tpu.memory_space<vmem>>) semaphore(%arg16 : memref<!tpu.dma_semaphore, #tpu.memory_space<semaphore_mem>>)
      "tpu.region"() ({
        %run_scoped3A = tpu.sem_alloc : memref<!tpu.dma_semaphore, #tpu.memory_space<semaphore_mem>>
        %dma_start3A_329 = arith.constant 0 : i32
        %dma_start3A_330 = arith.constant 0 : i32
        %dma_start3A_331 = tpu.memref_slice %arg14[%dma_start3A_329, %dma_start3A_330] : memref<10008x128xf32, #tpu.memory_space<vmem_shared>> -> memref<10008x128xf32, #tpu.memory_space<vmem_shared>>
        tpu.enqueue_indirect_dma source(%arg12 : memref<128x128xf32, #tpu.memory_space<vmem>>) target(%dma_start3A_331 : memref<10008x128xf32, #tpu.memory_space<vmem_shared>>) offsets(%arg9 : memref<128xi32, #tpu.memory_space<vmem>>) semaphore(%run_scoped3A : memref<!tpu.dma_semaphore, #tpu.memory_space<semaphore_mem>>) {add = true}
        %dma_wait3A_332 = arith.constant 0 : i32
        %dma_wait3A_333 = arith.constant 0 : i32
        %dma_wait3A_334 = tpu.memref_slice %arg14[%dma_wait3A_332, %dma_wait3A_333] : memref<10008x128xf32, #tpu.memory_space<vmem_shared>> -> memref<10008x128xf32, #tpu.memory_space<vmem_shared>>
        tpu.wait_indirect_dma semaphore(%run_scoped3A : memref<!tpu.dma_semaphore, #tpu.memory_space<semaphore_mem>>) src(%arg12 : memref<128x128xf32, #tpu.memory_space<vmem>>) dst(%dma_wait3A_334 : memref<10008x128xf32, #tpu.memory_space<vmem_shared>>)
        tpu.yield
      }) : () -> ()
      %lt3A = arith.constant 39 : i32
      %lt3A_322 = arith.cmpi slt, %scan3A_168, %lt3A : i32
      %convert_element_type3A_323 = arith.extui %lt3A_322 : i1 to i32
      %cond3A_324 = arith.constant 0 : i32
      %cond3A_325 = arith.cmpi ne, %convert_element_type3A_323, %cond3A_324 : i32
      scf.if %cond3A_325 {
        %add3A_329 = arith.constant 2 : i32
        %add3A_330 = arith.addi %mul3A_170, %add3A_329 : i32
        %get3A_331 = arith.index_cast %add3A_330 : i32 to index
        %get3A_332 = arith.constant 0 : index
        %get3A_333 = tpu.vector_load %arg7[%get3A_331, %get3A_332] {strides = array<i32>} : memref<80x128xi32, #tpu.memory_space<vmem>>, vector<1x16xi32>,
        %get3A_334 = vector.shape_cast %get3A_333 : vector<1x16xi32> to vector<16xi32>
        %and3A_335 = arith.constant 65535 : i32
        %and3A_336 = vector.broadcast %and3A_335 : i32 to vector<16xi32>
        %and3A_337 = arith.andi %get3A_334, %and3A_336 : vector<16xi32>
        %swap3A_338 = arith.constant 0 : index
        %swap3A_339 = tpu.vector_load %arg8[%swap3A_338] {strides = array<i32>} : memref<128xi32, #tpu.memory_space<vmem>>, vector<16xi32>,
        %swap3A_340 = vector.shape_cast %swap3A_339 : vector<16xi32> to vector<16xi32>
        %swap3A_341 = vector.shape_cast %and3A_337 : vector<16xi32> to vector<16xi32>
        tpu.vector_store %arg8[%swap3A_338], %swap3A_341 {strides = array<i32>} : memref<128xi32, #tpu.memory_space<vmem>>, vector<16xi32>,
        %shift_right_logical3A_342 = arith.constant 16 : i32
        %shift_right_logical3A_343 = vector.broadcast %shift_right_logical3A_342 : i32 to vector<16xi32>
        %shift_right_logical3A_344 = arith.shrui %get3A_334, %shift_right_logical3A_343 : vector<16xi32>
        %swap3A_345 = arith.constant 0 : index
        %swap3A_346 = tpu.vector_load %arg9[%swap3A_345] {strides = array<i32>} : memref<128xi32, #tpu.memory_space<vmem>>, vector<16xi32>,
        %swap3A_347 = vector.shape_cast %swap3A_346 : vector<16xi32> to vector<16xi32>
        %swap3A_348 = vector.shape_cast %shift_right_logical3A_344 : vector<16xi32> to vector<16xi32>
        tpu.vector_store %arg9[%swap3A_345], %swap3A_348 {strides = array<i32>} : memref<128xi32, #tpu.memory_space<vmem>>, vector<16xi32>,
        %get3A_349 = arith.index_cast %add3A_330 : i32 to index
        %get3A_350 = arith.constant 16 : index
        %get3A_351 = tpu.vector_load %arg7[%get3A_349, %get3A_350] {strides = array<i32>} : memref<80x128xi32, #tpu.memory_space<vmem>>, vector<1x16xi32>,
        %get3A_352 = vector.shape_cast %get3A_351 : vector<1x16xi32> to vector<16xi32>
        %and3A_353 = arith.constant 65535 : i32
        %and3A_354 = vector.broadcast %and3A_353 : i32 to vector<16xi32>
        %and3A_355 = arith.andi %get3A_352, %and3A_354 : vector<16xi32>
        %swap3A_356 = arith.constant 16 : index
        %swap3A_357 = tpu.vector_load %arg8[%swap3A_356] {strides = array<i32>} : memref<128xi32, #tpu.memory_space<vmem>>, vector<16xi32>,
        %swap3A_358 = vector.shape_cast %swap3A_357 : vector<16xi32> to vector<16xi32>
        %swap3A_359 = vector.shape_cast %and3A_355 : vector<16xi32> to vector<16xi32>
        tpu.vector_store %arg8[%swap3A_356], %swap3A_359 {strides = array<i32>} : memref<128xi32, #tpu.memory_space<vmem>>, vector<16xi32>,
        %shift_right_logical3A_360 = arith.constant 16 : i32
        %shift_right_logical3A_361 = vector.broadcast %shift_right_logical3A_360 : i32 to vector<16xi32>
        %shift_right_logical3A_362 = arith.shrui %get3A_352, %shift_right_logical3A_361 : vector<16xi32>
        %swap3A_363 = arith.constant 16 : index
        %swap3A_364 = tpu.vector_load %arg9[%swap3A_363] {strides = array<i32>} : memref<128xi32, #tpu.memory_space<vmem>>, vector<16xi32>,
        %swap3A_365 = vector.shape_cast %swap3A_364 : vector<16xi32> to vector<16xi32>
        %swap3A_366 = vector.shape_cast %shift_right_logical3A_362 : vector<16xi32> to vector<16xi32>
        tpu.vector_store %arg9[%swap3A_363], %swap3A_366 {strides = array<i32>} : memref<128xi32, #tpu.memory_space<vmem>>, vector<16xi32>,
        %get3A_367 = arith.index_cast %add3A_330 : i32 to index
        %get3A_368 = arith.constant 32 : index
        %get3A_369 = tpu.vector_load %arg7[%get3A_367, %get3A_368] {strides = array<i32>} : memref<80x128xi32, #tpu.memory_space<vmem>>, vector<1x16xi32>,
        %get3A_370 = vector.shape_cast %get3A_369 : vector<1x16xi32> to vector<16xi32>
        %and3A_371 = arith.constant 65535 : i32
        %and3A_372 = vector.broadcast %and3A_371 : i32 to vector<16xi32>
        %and3A_373 = arith.andi %get3A_370, %and3A_372 : vector<16xi32>
        %swap3A_374 = arith.constant 32 : index
        %swap3A_375 = tpu.vector_load %arg8[%swap3A_374] {strides = array<i32>} : memref<128xi32, #tpu.memory_space<vmem>>, vector<16xi32>,
        %swap3A_376 = vector.shape_cast %swap3A_375 : vector<16xi32> to vector<16xi32>
        %swap3A_377 = vector.shape_cast %and3A_373 : vector<16xi32> to vector<16xi32>
        tpu.vector_store %arg8[%swap3A_374], %swap3A_377 {strides = array<i32>} : memref<128xi32, #tpu.memory_space<vmem>>, vector<16xi32>,
        %shift_right_logical3A_378 = arith.constant 16 : i32
        %shift_right_logical3A_379 = vector.broadcast %shift_right_logical3A_378 : i32 to vector<16xi32>
        %shift_right_logical3A_380 = arith.shrui %get3A_370, %shift_right_logical3A_379 : vector<16xi32>
        %swap3A_381 = arith.constant 32 : index
        %swap3A_382 = tpu.vector_load %arg9[%swap3A_381] {strides = array<i32>} : memref<128xi32, #tpu.memory_space<vmem>>, vector<16xi32>,
        %swap3A_383 = vector.shape_cast %swap3A_382 : vector<16xi32> to vector<16xi32>
        %swap3A_384 = vector.shape_cast %shift_right_logical3A_380 : vector<16xi32> to vector<16xi32>
        tpu.vector_store %arg9[%swap3A_381], %swap3A_384 {strides = array<i32>} : memref<128xi32, #tpu.memory_space<vmem>>, vector<16xi32>,
        %get3A_385 = arith.index_cast %add3A_330 : i32 to index
        %get3A_386 = arith.constant 48 : index
        %get3A_387 = tpu.vector_load %arg7[%get3A_385, %get3A_386] {strides = array<i32>} : memref<80x128xi32, #tpu.memory_space<vmem>>, vector<1x16xi32>,
        %get3A_388 = vector.shape_cast %get3A_387 : vector<1x16xi32> to vector<16xi32>
        %and3A_389 = arith.constant 65535 : i32
        %and3A_390 = vector.broadcast %and3A_389 : i32 to vector<16xi32>
        %and3A_391 = arith.andi %get3A_388, %and3A_390 : vector<16xi32>
        %swap3A_392 = arith.constant 48 : index
        %swap3A_393 = tpu.vector_load %arg8[%swap3A_392] {strides = array<i32>} : memref<128xi32, #tpu.memory_space<vmem>>, vector<16xi32>,
        %swap3A_394 = vector.shape_cast %swap3A_393 : vector<16xi32> to vector<16xi32>
        %swap3A_395 = vector.shape_cast %and3A_391 : vector<16xi32> to vector<16xi32>
        tpu.vector_store %arg8[%swap3A_392], %swap3A_395 {strides = array<i32>} : memref<128xi32, #tpu.memory_space<vmem>>, vector<16xi32>,
        %shift_right_logical3A_396 = arith.constant 16 : i32
        %shift_right_logical3A_397 = vector.broadcast %shift_right_logical3A_396 : i32 to vector<16xi32>
        %shift_right_logical3A_398 = arith.shrui %get3A_388, %shift_right_logical3A_397 : vector<16xi32>
        %swap3A_399 = arith.constant 48 : index
        %swap3A_400 = tpu.vector_load %arg9[%swap3A_399] {strides = array<i32>} : memref<128xi32, #tpu.memory_space<vmem>>, vector<16xi32>,
        %swap3A_401 = vector.shape_cast %swap3A_400 : vector<16xi32> to vector<16xi32>
        %swap3A_402 = vector.shape_cast %shift_right_logical3A_398 : vector<16xi32> to vector<16xi32>
        tpu.vector_store %arg9[%swap3A_399], %swap3A_402 {strides = array<i32>} : memref<128xi32, #tpu.memory_space<vmem>>, vector<16xi32>,
        %get3A_403 = arith.index_cast %add3A_330 : i32 to index
        %get3A_404 = arith.constant 64 : index
        %get3A_405 = tpu.vector_load %arg7[%get3A_403, %get3A_404] {strides = array<i32>} : memref<80x128xi32, #tpu.memory_space<vmem>>, vector<1x16xi32>,
        %get3A_406 = vector.shape_cast %get3A_405 : vector<1x16xi32> to vector<16xi32>
        %and3A_407 = arith.constant 65535 : i32
        %and3A_408 = vector.broadcast %and3A_407 : i32 to vector<16xi32>
        %and3A_409 = arith.andi %get3A_406, %and3A_408 : vector<16xi32>
        %swap3A_410 = arith.constant 64 : index
        %swap3A_411 = tpu.vector_load %arg8[%swap3A_410] {strides = array<i32>} : memref<128xi32, #tpu.memory_space<vmem>>, vector<16xi32>,
        %swap3A_412 = vector.shape_cast %swap3A_411 : vector<16xi32> to vector<16xi32>
        %swap3A_413 = vector.shape_cast %and3A_409 : vector<16xi32> to vector<16xi32>
        tpu.vector_store %arg8[%swap3A_410], %swap3A_413 {strides = array<i32>} : memref<128xi32, #tpu.memory_space<vmem>>, vector<16xi32>,
        %shift_right_logical3A_414 = arith.constant 16 : i32
        %shift_right_logical3A_415 = vector.broadcast %shift_right_logical3A_414 : i32 to vector<16xi32>
        %shift_right_logical3A_416 = arith.shrui %get3A_406, %shift_right_logical3A_415 : vector<16xi32>
        %swap3A_417 = arith.constant 64 : index
        %swap3A_418 = tpu.vector_load %arg9[%swap3A_417] {strides = array<i32>} : memref<128xi32, #tpu.memory_space<vmem>>, vector<16xi32>,
        %swap3A_419 = vector.shape_cast %swap3A_418 : vector<16xi32> to vector<16xi32>
        %swap3A_420 = vector.shape_cast %shift_right_logical3A_416 : vector<16xi32> to vector<16xi32>
        tpu.vector_store %arg9[%swap3A_417], %swap3A_420 {strides = array<i32>} : memref<128xi32, #tpu.memory_space<vmem>>, vector<16xi32>,
        %get3A_421 = arith.index_cast %add3A_330 : i32 to index
        %get3A_422 = arith.constant 80 : index
        %get3A_423 = tpu.vector_load %arg7[%get3A_421, %get3A_422] {strides = array<i32>} : memref<80x128xi32, #tpu.memory_space<vmem>>, vector<1x16xi32>,
        %get3A_424 = vector.shape_cast %get3A_423 : vector<1x16xi32> to vector<16xi32>
        %and3A_425 = arith.constant 65535 : i32
        %and3A_426 = vector.broadcast %and3A_425 : i32 to vector<16xi32>
        %and3A_427 = arith.andi %get3A_424, %and3A_426 : vector<16xi32>
        %swap3A_428 = arith.constant 80 : index
        %swap3A_429 = tpu.vector_load %arg8[%swap3A_428] {strides = array<i32>} : memref<128xi32, #tpu.memory_space<vmem>>, vector<16xi32>,
        %swap3A_430 = vector.shape_cast %swap3A_429 : vector<16xi32> to vector<16xi32>
        %swap3A_431 = vector.shape_cast %and3A_427 : vector<16xi32> to vector<16xi32>
        tpu.vector_store %arg8[%swap3A_428], %swap3A_431 {strides = array<i32>} : memref<128xi32, #tpu.memory_space<vmem>>, vector<16xi32>,
        %shift_right_logical3A_432 = arith.constant 16 : i32
        %shift_right_logical3A_433 = vector.broadcast %shift_right_logical3A_432 : i32 to vector<16xi32>
        %shift_right_logical3A_434 = arith.shrui %get3A_424, %shift_right_logical3A_433 : vector<16xi32>
        %swap3A_435 = arith.constant 80 : index
        %swap3A_436 = tpu.vector_load %arg9[%swap3A_435] {strides = array<i32>} : memref<128xi32, #tpu.memory_space<vmem>>, vector<16xi32>,
        %swap3A_437 = vector.shape_cast %swap3A_436 : vector<16xi32> to vector<16xi32>
        %swap3A_438 = vector.shape_cast %shift_right_logical3A_434 : vector<16xi32> to vector<16xi32>
        tpu.vector_store %arg9[%swap3A_435], %swap3A_438 {strides = array<i32>} : memref<128xi32, #tpu.memory_space<vmem>>, vector<16xi32>,
        %get3A_439 = arith.index_cast %add3A_330 : i32 to index
        %get3A_440 = arith.constant 96 : index
        %get3A_441 = tpu.vector_load %arg7[%get3A_439, %get3A_440] {strides = array<i32>} : memref<80x128xi32, #tpu.memory_space<vmem>>, vector<1x16xi32>,
        %get3A_442 = vector.shape_cast %get3A_441 : vector<1x16xi32> to vector<16xi32>
        %and3A_443 = arith.constant 65535 : i32
        %and3A_444 = vector.broadcast %and3A_443 : i32 to vector<16xi32>
        %and3A_445 = arith.andi %get3A_442, %and3A_444 : vector<16xi32>
        %swap3A_446 = arith.constant 96 : index
        %swap3A_447 = tpu.vector_load %arg8[%swap3A_446] {strides = array<i32>} : memref<128xi32, #tpu.memory_space<vmem>>, vector<16xi32>,
        %swap3A_448 = vector.shape_cast %swap3A_447 : vector<16xi32> to vector<16xi32>
        %swap3A_449 = vector.shape_cast %and3A_445 : vector<16xi32> to vector<16xi32>
        tpu.vector_store %arg8[%swap3A_446], %swap3A_449 {strides = array<i32>} : memref<128xi32, #tpu.memory_space<vmem>>, vector<16xi32>,
        %shift_right_logical3A_450 = arith.constant 16 : i32
        %shift_right_logical3A_451 = vector.broadcast %shift_right_logical3A_450 : i32 to vector<16xi32>
        %shift_right_logical3A_452 = arith.shrui %get3A_442, %shift_right_logical3A_451 : vector<16xi32>
        %swap3A_453 = arith.constant 96 : index
        %swap3A_454 = tpu.vector_load %arg9[%swap3A_453] {strides = array<i32>} : memref<128xi32, #tpu.memory_space<vmem>>, vector<16xi32>,
        %swap3A_455 = vector.shape_cast %swap3A_454 : vector<16xi32> to vector<16xi32>
        %swap3A_456 = vector.shape_cast %shift_right_logical3A_452 : vector<16xi32> to vector<16xi32>
        tpu.vector_store %arg9[%swap3A_453], %swap3A_456 {strides = array<i32>} : memref<128xi32, #tpu.memory_space<vmem>>, vector<16xi32>,
        %get3A_457 = arith.index_cast %add3A_330 : i32 to index
        %get3A_458 = arith.constant 112 : index
        %get3A_459 = tpu.vector_load %arg7[%get3A_457, %get3A_458] {strides = array<i32>} : memref<80x128xi32, #tpu.memory_space<vmem>>, vector<1x16xi32>,
        %get3A_460 = vector.shape_cast %get3A_459 : vector<1x16xi32> to vector<16xi32>
        %and3A_461 = arith.constant 65535 : i32
        %and3A_462 = vector.broadcast %and3A_461 : i32 to vector<16xi32>
        %and3A_463 = arith.andi %get3A_460, %and3A_462 : vector<16xi32>
        %swap3A_464 = arith.constant 112 : index
        %swap3A_465 = tpu.vector_load %arg8[%swap3A_464] {strides = array<i32>} : memref<128xi32, #tpu.memory_space<vmem>>, vector<16xi32>,
        %swap3A_466 = vector.shape_cast %swap3A_465 : vector<16xi32> to vector<16xi32>
        %swap3A_467 = vector.shape_cast %and3A_463 : vector<16xi32> to vector<16xi32>
        tpu.vector_store %arg8[%swap3A_464], %swap3A_467 {strides = array<i32>} : memref<128xi32, #tpu.memory_space<vmem>>, vector<16xi32>,
        %shift_right_logical3A_468 = arith.constant 16 : i32
        %shift_right_logical3A_469 = vector.broadcast %shift_right_logical3A_468 : i32 to vector<16xi32>
        %shift_right_logical3A_470 = arith.shrui %get3A_460, %shift_right_logical3A_469 : vector<16xi32>
        %swap3A_471 = arith.constant 112 : index
        %swap3A_472 = tpu.vector_load %arg9[%swap3A_471] {strides = array<i32>} : memref<128xi32, #tpu.memory_space<vmem>>, vector<16xi32>,
        %swap3A_473 = vector.shape_cast %swap3A_472 : vector<16xi32> to vector<16xi32>
        %swap3A_474 = vector.shape_cast %shift_right_logical3A_470 : vector<16xi32> to vector<16xi32>
        tpu.vector_store %arg9[%swap3A_471], %swap3A_474 {strides = array<i32>} : memref<128xi32, #tpu.memory_space<vmem>>, vector<16xi32>,
        %dma_start3A_475 = arith.constant 0 : i32
        %dma_start3A_476 = arith.constant 0 : i32
        %dma_start3A_477 = tpu.memref_slice %arg2[%dma_start3A_475, %dma_start3A_476] : memref<10000x128xf32, #tpu.memory_space<hbm>> -> memref<10000x128xf32, #tpu.memory_space<hbm>>
        tpu.enqueue_indirect_dma source(%dma_start3A_477 : memref<10000x128xf32, #tpu.memory_space<hbm>>) target(%arg12 : memref<128x128xf32, #tpu.memory_space<vmem>>) offsets(%arg8 : memref<128xi32, #tpu.memory_space<vmem>>) semaphore(%arg15 : memref<!tpu.dma_semaphore, #tpu.memory_space<semaphore_mem>>)
      } else {
      }
      %dma_wait3A_326 = arith.constant 0 : i32
      %dma_wait3A_327 = arith.constant 0 : i32
      %dma_wait3A_328 = tpu.memref_slice %arg2[%dma_wait3A_326, %dma_wait3A_327] : memref<10000x128xf32, #tpu.memory_space<hbm>> -> memref<10000x128xf32, #tpu.memory_space<hbm>>
      tpu.wait_indirect_dma semaphore(%arg16 : memref<!tpu.dma_semaphore, #tpu.memory_space<semaphore_mem>>) src(%dma_wait3A_328 : memref<10000x128xf32, #tpu.memory_space<hbm>>) dst(%arg13 : memref<128x128xf32, #tpu.memory_space<vmem>>)
      "tpu.region"() ({
        %run_scoped3A = tpu.sem_alloc : memref<!tpu.dma_semaphore, #tpu.memory_space<semaphore_mem>>
        %dma_start3A_329 = arith.constant 0 : i32
        %dma_start3A_330 = arith.constant 0 : i32
        %dma_start3A_331 = tpu.memref_slice %arg14[%dma_start3A_329, %dma_start3A_330] : memref<10008x128xf32, #tpu.memory_space<vmem_shared>> -> memref<10008x128xf32, #tpu.memory_space<vmem_shared>>
        tpu.enqueue_indirect_dma source(%arg13 : memref<128x128xf32, #tpu.memory_space<vmem>>) target(%dma_start3A_331 : memref<10008x128xf32, #tpu.memory_space<vmem_shared>>) offsets(%arg11 : memref<128xi32, #tpu.memory_space<vmem>>) semaphore(%run_scoped3A : memref<!tpu.dma_semaphore, #tpu.memory_space<semaphore_mem>>) {add = true}
        %dma_wait3A_332 = arith.constant 0 : i32
        %dma_wait3A_333 = arith.constant 0 : i32
        %dma_wait3A_334 = tpu.memref_slice %arg14[%dma_wait3A_332, %dma_wait3A_333] : memref<10008x128xf32, #tpu.memory_space<vmem_shared>> -> memref<10008x128xf32, #tpu.memory_space<vmem_shared>>
        tpu.wait_indirect_dma semaphore(%run_scoped3A : memref<!tpu.dma_semaphore, #tpu.memory_space<semaphore_mem>>) src(%arg13 : memref<128x128xf32, #tpu.memory_space<vmem>>) dst(%dma_wait3A_334 : memref<10008x128xf32, #tpu.memory_space<vmem_shared>>)
        tpu.yield
      }) : () -> ()
    }
    %scan3A_161 = arith.constant 40 : i32
    %barrier3A_162 = arith.constant 0 : index
    tpu.barrier barrier_id(%barrier3A_162)
    "tpu.region"() ({
      %run_scoped3A = tpu.sem_alloc : memref<!tpu.dma_semaphore, #tpu.memory_space<semaphore_mem>>
      %dma_start3A_168 = arith.constant 0 : i32
      %dma_start3A_169 = tpu.memref_slice %arg6[%arg0, %mul3A_2, %dma_start3A_168] : memref<2x10000x128xf32, #tpu.memory_space<hbm>> -> memref<1x624x128xf32, #tpu.memory_space<hbm>>
      %dma_start3A_170 = tpu.memref_squeeze %dma_start3A_169 : memref<1x624x128xf32, #tpu.memory_space<hbm>> -> memref<624x128xf32, #tpu.memory_space<hbm>>
      %dma_start3A_171 = arith.constant 0 : i32
      %dma_start3A_172 = tpu.memref_slice %arg14[%mul3A_2, %dma_start3A_171] : memref<10008x128xf32, #tpu.memory_space<vmem_shared>> -> memref<624x128xf32, #tpu.memory_space<vmem_shared>>
      tpu.enqueue_dma source(%dma_start3A_172 : memref<624x128xf32, #tpu.memory_space<vmem_shared>>) target(%dma_start3A_170 : memref<624x128xf32, #tpu.memory_space<hbm>>) target_semaphore(%run_scoped3A : memref<!tpu.dma_semaphore, #tpu.memory_space<semaphore_mem>>)
      %dma_wait3A = arith.constant 0 : i32
      %dma_wait3A_173 = tpu.memref_slice %arg6[%arg0, %mul3A_2, %dma_wait3A] : memref<2x10000x128xf32, #tpu.memory_space<hbm>> -> memref<1x624x128xf32, #tpu.memory_space<hbm>>
      %dma_wait3A_174 = tpu.memref_squeeze %dma_wait3A_173 : memref<1x624x128xf32, #tpu.memory_space<hbm>> -> memref<624x128xf32, #tpu.memory_space<hbm>>
      %dma_wait3A_175 = arith.constant 0 : i32
      %dma_wait3A_176 = tpu.memref_slice %arg14[%mul3A_2, %dma_wait3A_175] : memref<10008x128xf32, #tpu.memory_space<vmem_shared>> -> memref<624x128xf32, #tpu.memory_space<vmem_shared>>
      tpu.wait_dma2 semaphore(%run_scoped3A : memref<!tpu.dma_semaphore, #tpu.memory_space<semaphore_mem>>) src(%dma_wait3A_176 : memref<624x128xf32, #tpu.memory_space<vmem_shared>>) dst(%dma_wait3A_174 : memref<624x128xf32, #tpu.memory_space<hbm>>)
      tpu.yield
    }) : () -> ()
    %eq3A_163 = arith.constant 0 : i32
    %eq3A_164 = arith.cmpi eq, %arg1, %eq3A_163 : i32
    %convert_element_type3A_165 = arith.extui %eq3A_164 : i1 to i32
    %cond3A_166 = arith.constant 0 : i32
    %cond3A_167 = arith.cmpi ne, %convert_element_type3A_165, %cond3A_166 : i32
    scf.if %cond3A_167 {
      "tpu.region"() ({
        %run_scoped3A = tpu.sem_alloc : memref<!tpu.dma_semaphore, #tpu.memory_space<semaphore_mem>>
        %dma_start3A_168 = arith.constant 9984 : i32
        %dma_start3A_169 = arith.constant 0 : i32
        %dma_start3A_170 = tpu.memref_slice %arg6[%arg0, %dma_start3A_168, %dma_start3A_169] : memref<2x10000x128xf32, #tpu.memory_space<hbm>> -> memref<1x16x128xf32, #tpu.memory_space<hbm>>
        %dma_start3A_171 = tpu.memref_squeeze %dma_start3A_170 : memref<1x16x128xf32, #tpu.memory_space<hbm>> -> memref<16x128xf32, #tpu.memory_space<hbm>>
        %dma_start3A_172 = arith.constant 9984 : i32
        %dma_start3A_173 = arith.constant 0 : i32
        %dma_start3A_174 = tpu.memref_slice %arg14[%dma_start3A_172, %dma_start3A_173] : memref<10008x128xf32, #tpu.memory_space<vmem_shared>> -> memref<16x128xf32, #tpu.memory_space<vmem_shared>>
        tpu.enqueue_dma source(%dma_start3A_174 : memref<16x128xf32, #tpu.memory_space<vmem_shared>>) target(%dma_start3A_171 : memref<16x128xf32, #tpu.memory_space<hbm>>) target_semaphore(%run_scoped3A : memref<!tpu.dma_semaphore, #tpu.memory_space<semaphore_mem>>)
        %dma_wait3A = arith.constant 9984 : i32
        %dma_wait3A_175 = arith.constant 0 : i32
        %dma_wait3A_176 = tpu.memref_slice %arg6[%arg0, %dma_wait3A, %dma_wait3A_175] : memref<2x10000x128xf32, #tpu.memory_space<hbm>> -> memref<1x16x128xf32, #tpu.memory_space<hbm>>
        %dma_wait3A_177 = tpu.memref_squeeze %dma_wait3A_176 : memref<1x16x128xf32, #tpu.memory_space<hbm>> -> memref<16x128xf32, #tpu.memory_space<hbm>>
        %dma_wait3A_178 = arith.constant 9984 : i32
        %dma_wait3A_179 = arith.constant 0 : i32
        %dma_wait3A_180 = tpu.memref_slice %arg14[%dma_wait3A_178, %dma_wait3A_179] : memref<10008x128xf32, #tpu.memory_space<vmem_shared>> -> memref<16x128xf32, #tpu.memory_space<vmem_shared>>
        tpu.wait_dma2 semaphore(%run_scoped3A : memref<!tpu.dma_semaphore, #tpu.memory_space<semaphore_mem>>) src(%dma_wait3A_180 : memref<16x128xf32, #tpu.memory_space<vmem_shared>>) dst(%dma_wait3A_177 : memref<16x128xf32, #tpu.memory_space<hbm>>)
        tpu.yield
      }) : () -> ()
    } else {
    }
    return
  }
}

module attributes {stable_mosaic.version = 14 : i64} {
  func.func @_tc_body(%arg0: i32, %arg1: memref<2x1000x128xf32, #tpu.memory_space<vmem>>, %arg2: memref<2x1000x128xf32, #tpu.memory_space<vmem>>, %arg3: memref<1000x128xf32, #tpu.memory_space<vmem>>, %arg4: memref<128x128xf32, #tpu.memory_space<vmem>>, %arg5: memref<128x128xf32, #tpu.memory_space<vmem>>, %arg6: memref<1x128xf32, #tpu.memory_space<vmem>>, %arg7: memref<1000x128xf32, #tpu.memory_space<vmem>>) attributes {dimension_semantics = [#tpu.dimension_semantics<arbitrary>], iteration_bounds = array<i64: 10>, scalar_prefetch = 0 : i64, scratch_operands = 0 : i64, tpu.core_type = #tpu.core_type<tc>, window_params = [{transform_indices = @transform_0, window_bounds = array<i64: 2, 1000, 128>}, {transform_indices = @transform_1, window_bounds = array<i64: 2, 1000, 128>}, {transform_indices = @transform_2, window_bounds = array<i64: 1000, 128>}, {pipeline_mode = #tpu.pipeline_mode<synchronous>, transform_indices = @transform_3, window_bounds = array<i64: 128, 128>}, {pipeline_mode = #tpu.pipeline_mode<synchronous>, transform_indices = @transform_4, window_bounds = array<i64: 128, 128>}, {pipeline_mode = #tpu.pipeline_mode<synchronous>, transform_indices = @transform_5, window_bounds = array<i64: 1, 128>}, {transform_indices = @transform_6, window_bounds = array<i64: 1000, 128>}]} {
    %get3A = arith.constant 0 : index
    %get3A_0 = arith.constant 0 : index
    %get3A_1 = arith.constant 0 : index
    %get3A_2 = vector.load %arg1[%get3A, %get3A_0, %get3A_1] : memref<2x1000x128xf32, #tpu.memory_space<vmem>>, vector<1x1000x128xf32>
    %get3A_3 = vector.shape_cast %get3A_2 : vector<1x1000x128xf32> to vector<1000x128xf32>
    %get3A_4 = arith.constant 1 : index
    %get3A_5 = arith.constant 0 : index
    %get3A_6 = arith.constant 0 : index
    %get3A_7 = vector.load %arg1[%get3A_4, %get3A_5, %get3A_6] : memref<2x1000x128xf32, #tpu.memory_space<vmem>>, vector<1x1000x128xf32>
    %get3A_8 = vector.shape_cast %get3A_7 : vector<1x1000x128xf32> to vector<1000x128xf32>
    %add3A = arith.addf %get3A_3, %get3A_8 : vector<1000x128xf32>
    %get3A_9 = arith.constant 0 : index
    %get3A_10 = arith.constant 0 : index
    %get3A_11 = arith.constant 0 : index
    %get3A_12 = vector.load %arg2[%get3A_9, %get3A_10, %get3A_11] : memref<2x1000x128xf32, #tpu.memory_space<vmem>>, vector<1x1000x1xf32>
    %get3A_13 = vector.shape_cast %get3A_12 : vector<1x1000x1xf32> to vector<1000x1xf32>
    %get3A_14 = arith.constant 1 : index
    %get3A_15 = arith.constant 0 : index
    %get3A_16 = arith.constant 0 : index
    %get3A_17 = vector.load %arg2[%get3A_14, %get3A_15, %get3A_16] : memref<2x1000x128xf32, #tpu.memory_space<vmem>>, vector<1x1000x1xf32>
    %get3A_18 = vector.shape_cast %get3A_17 : vector<1x1000x1xf32> to vector<1000x1xf32>
    %add3A_19 = arith.addf %get3A_13, %get3A_18 : vector<1000x1xf32>
    %max3A = arith.constant 1.000000e+00 : f32
    %max3A_20 = vector.broadcast %max3A : f32 to vector<1000x1xf32>
    %max3A_21 = arith.maximumf %add3A_19, %max3A_20 : vector<1000x1xf32>
    %div3A = vector.broadcast %max3A_21 : vector<1000x1xf32> to vector<1000x128xf32>
    %div3A_22 = arith.divf %add3A, %div3A : vector<1000x128xf32>
    %get3A_23 = arith.constant 0 : index
    %get3A_24 = arith.constant 0 : index
    %get3A_25 = vector.load %arg4[%get3A_23, %get3A_24] : memref<128x128xf32, #tpu.memory_space<vmem>>, vector<128x128xf32>
    %dot_general3A = arith.constant dense<0.000000e+00> : vector<1000x128xf32>
    %dot_general3A_26 = tpu.matmul %div3A_22, %get3A_25, %dot_general3A {dimension_numbers = #tpu.dot_dimension_numbers<[1], [0], [0], [1], [0, 0, 1, 1], [], []>, transpose_lhs_hint = false} : vector<1000x128xf32>, vector<128x128xf32>, vector<1000x128xf32> -> vector<1000x128xf32>
    %get3A_27 = arith.constant 0 : index
    %get3A_28 = arith.constant 0 : index
    %get3A_29 = vector.load %arg3[%get3A_27, %get3A_28] : memref<1000x128xf32, #tpu.memory_space<vmem>>, vector<1000x128xf32>
    %get3A_30 = arith.constant 0 : index
    %get3A_31 = arith.constant 0 : index
    %get3A_32 = vector.load %arg5[%get3A_30, %get3A_31] : memref<128x128xf32, #tpu.memory_space<vmem>>, vector<128x128xf32>
    %dot_general3A_33 = arith.constant dense<0.000000e+00> : vector<1000x128xf32>
    %dot_general3A_34 = tpu.matmul %get3A_29, %get3A_32, %dot_general3A_33 {dimension_numbers = #tpu.dot_dimension_numbers<[1], [0], [0], [1], [0, 0, 1, 1], [], []>, transpose_lhs_hint = false} : vector<1000x128xf32>, vector<128x128xf32>, vector<1000x128xf32> -> vector<1000x128xf32>
    %add3A_35 = arith.addf %dot_general3A_26, %dot_general3A_34 : vector<1000x128xf32>
    %get3A_36 = arith.constant 0 : index
    %get3A_37 = arith.constant 0 : index
    %get3A_38 = vector.load %arg6[%get3A_36, %get3A_37] : memref<1x128xf32, #tpu.memory_space<vmem>>, vector<1x128xf32>
    %add3A_39 = vector.broadcast %get3A_38 : vector<1x128xf32> to vector<1000x128xf32>
    %add3A_40 = arith.addf %add3A_35, %add3A_39 : vector<1000x128xf32>
    %logistic3A = arith.negf %add3A_40 : vector<1000x128xf32>
    %logistic3A_41 = math.exp %logistic3A : vector<1000x128xf32>
    %logistic3A_42 = arith.constant 1.000000e+00 : f32
    %logistic3A_43 = vector.broadcast %logistic3A_42 : f32 to vector<1000x128xf32>
    %logistic3A_44 = arith.addf %logistic3A_43, %logistic3A_41 : vector<1000x128xf32>
    %logistic3A_45 = arith.divf %logistic3A_43, %logistic3A_44 : vector<1000x128xf32>
    %swap3A = arith.constant 0 : index
    %swap3A_46 = arith.constant 0 : index
    %swap3A_47 = vector.load %arg7[%swap3A, %swap3A_46] : memref<1000x128xf32, #tpu.memory_space<vmem>>, vector<1000x128xf32>
    tpu.vector_store %arg7[%swap3A, %swap3A_46], %logistic3A_45 {strides = array<i32>} : memref<1000x128xf32, #tpu.memory_space<vmem>>, vector<1000x128xf32>,
    return
  }
  func.func @transform_0(%arg0: i32) -> (i32, i32, i32) {
    %c0_i32 = arith.constant 0 : i32
    %c0_i32_0 = arith.constant 0 : i32
    %c0_i32_1 = arith.constant 0 : i32
    return %c0_i32, %arg0, %c0_i32_0 : i32, i32, i32
  }
  func.func @transform_1(%arg0: i32) -> (i32, i32, i32) {
    %c0_i32 = arith.constant 0 : i32
    %c0_i32_0 = arith.constant 0 : i32
    %c0_i32_1 = arith.constant 0 : i32
    return %c0_i32, %arg0, %c0_i32_0 : i32, i32, i32
  }
  func.func @transform_2(%arg0: i32) -> (i32, i32) {
    %c0_i32 = arith.constant 0 : i32
    %c0_i32_0 = arith.constant 0 : i32
    return %arg0, %c0_i32 : i32, i32
  }
  func.func @transform_3(%arg0: i32) -> (i32, i32) {
    %c0_i32 = arith.constant 0 : i32
    %c0_i32_0 = arith.constant 0 : i32
    %c0_i32_1 = arith.constant 0 : i32
    return %c0_i32, %c0_i32_0 : i32, i32
  }
  func.func @transform_4(%arg0: i32) -> (i32, i32) {
    %c0_i32 = arith.constant 0 : i32
    %c0_i32_0 = arith.constant 0 : i32
    %c0_i32_1 = arith.constant 0 : i32
    return %c0_i32, %c0_i32_0 : i32, i32
  }
  func.func @transform_5(%arg0: i32) -> (i32, i32) {
    %c0_i32 = arith.constant 0 : i32
    %c0_i32_0 = arith.constant 0 : i32
    %c0_i32_1 = arith.constant 0 : i32
    return %c0_i32, %c0_i32_0 : i32, i32
  }
  func.func @transform_6(%arg0: i32) -> (i32, i32) {
    %c0_i32 = arith.constant 0 : i32
    %c0_i32_0 = arith.constant 0 : i32
    return %arg0, %c0_i32 : i32, i32
  }
}

module attributes {stable_mosaic.version = 14 : i64} {
  func.func @_tc_body(%arg0: i32, %arg1: memref<2x1000x128xf32, #tpu.memory_space<vmem>>, %arg2: memref<2x1000x128xf32, #tpu.memory_space<vmem>>, %arg3: memref<1000x128xf32, #tpu.memory_space<vmem>>, %arg4: memref<128x128xf32, #tpu.memory_space<vmem>>, %arg5: memref<128x128xf32, #tpu.memory_space<vmem>>, %arg6: memref<1x128xf32, #tpu.memory_space<vmem>>, %arg7: memref<1x128xf32, #tpu.memory_space<vmem>>) attributes {dimension_semantics = [#tpu.dimension_semantics<arbitrary>], iteration_bounds = array<i64: 10>, scalar_prefetch = 0 : i64, scratch_operands = 0 : i64, tpu.core_type = #tpu.core_type<tc>, window_params = [{transform_indices = @transform_0, window_bounds = array<i64: 2, 1000, 128>}, {transform_indices = @transform_1, window_bounds = array<i64: 2, 1000, 128>}, {transform_indices = @transform_2, window_bounds = array<i64: 1000, 128>}, {pipeline_mode = #tpu.pipeline_mode<synchronous>, transform_indices = @transform_3, window_bounds = array<i64: 128, 128>}, {pipeline_mode = #tpu.pipeline_mode<synchronous>, transform_indices = @transform_4, window_bounds = array<i64: 128, 128>}, {pipeline_mode = #tpu.pipeline_mode<synchronous>, transform_indices = @transform_5, window_bounds = array<i64: 1, 128>}, {pipeline_mode = #tpu.pipeline_mode<synchronous>, transform_indices = @transform_6, window_bounds = array<i64: 1, 128>}]} {
    %get3A = arith.constant 0 : index
    %get3A_0 = arith.constant 0 : index
    %get3A_1 = arith.constant 0 : index
    %get3A_2 = vector.load %arg1[%get3A, %get3A_0, %get3A_1] : memref<2x1000x128xf32, #tpu.memory_space<vmem>>, vector<1x1000x128xf32>
    %get3A_3 = vector.shape_cast %get3A_2 : vector<1x1000x128xf32> to vector<1000x128xf32>
    %get3A_4 = arith.constant 1 : index
    %get3A_5 = arith.constant 0 : index
    %get3A_6 = arith.constant 0 : index
    %get3A_7 = vector.load %arg1[%get3A_4, %get3A_5, %get3A_6] : memref<2x1000x128xf32, #tpu.memory_space<vmem>>, vector<1x1000x128xf32>
    %get3A_8 = vector.shape_cast %get3A_7 : vector<1x1000x128xf32> to vector<1000x128xf32>
    %add3A = arith.addf %get3A_3, %get3A_8 : vector<1000x128xf32>
    %get3A_9 = arith.constant 0 : index
    %get3A_10 = arith.constant 0 : index
    %get3A_11 = arith.constant 0 : index
    %get3A_12 = vector.load %arg2[%get3A_9, %get3A_10, %get3A_11] : memref<2x1000x128xf32, #tpu.memory_space<vmem>>, vector<1x1000x1xf32>
    %get3A_13 = vector.shape_cast %get3A_12 : vector<1x1000x1xf32> to vector<1000x1xf32>
    %get3A_14 = arith.constant 1 : index
    %get3A_15 = arith.constant 0 : index
    %get3A_16 = arith.constant 0 : index
    %get3A_17 = vector.load %arg2[%get3A_14, %get3A_15, %get3A_16] : memref<2x1000x128xf32, #tpu.memory_space<vmem>>, vector<1x1000x1xf32>
    %get3A_18 = vector.shape_cast %get3A_17 : vector<1x1000x1xf32> to vector<1000x1xf32>
    %add3A_19 = arith.addf %get3A_13, %get3A_18 : vector<1000x1xf32>
    %max3A = arith.constant 1.000000e+00 : f32
    %max3A_20 = vector.broadcast %max3A : f32 to vector<1000x1xf32>
    %max3A_21 = arith.maximumf %add3A_19, %max3A_20 : vector<1000x1xf32>
    %div3A = vector.broadcast %max3A_21 : vector<1000x1xf32> to vector<1000x128xf32>
    %div3A_22 = arith.divf %add3A, %div3A : vector<1000x128xf32>
    %get3A_23 = arith.constant 0 : index
    %get3A_24 = arith.constant 0 : index
    %get3A_25 = vector.load %arg4[%get3A_23, %get3A_24] : memref<128x128xf32, #tpu.memory_space<vmem>>, vector<128x128xf32>
    %dot_general3A = arith.constant dense<0.000000e+00> : vector<1000x128xf32>
    %dot_general3A_26 = tpu.matmul %div3A_22, %get3A_25, %dot_general3A {dimension_numbers = #tpu.dot_dimension_numbers<[1], [0], [0], [1], [0, 0, 1, 1], [], []>, transpose_lhs_hint = false} : vector<1000x128xf32>, vector<128x128xf32>, vector<1000x128xf32> -> vector<1000x128xf32>
    %get3A_27 = arith.constant 0 : index
    %get3A_28 = arith.constant 0 : index
    %get3A_29 = vector.load %arg3[%get3A_27, %get3A_28] : memref<1000x128xf32, #tpu.memory_space<vmem>>, vector<1000x128xf32>
    %get3A_30 = arith.constant 0 : index
    %get3A_31 = arith.constant 0 : index
    %get3A_32 = vector.load %arg5[%get3A_30, %get3A_31] : memref<128x128xf32, #tpu.memory_space<vmem>>, vector<128x128xf32>
    %dot_general3A_33 = arith.constant dense<0.000000e+00> : vector<1000x128xf32>
    %dot_general3A_34 = tpu.matmul %get3A_29, %get3A_32, %dot_general3A_33 {dimension_numbers = #tpu.dot_dimension_numbers<[1], [0], [0], [1], [0, 0, 1, 1], [], []>, transpose_lhs_hint = false} : vector<1000x128xf32>, vector<128x128xf32>, vector<1000x128xf32> -> vector<1000x128xf32>
    %add3A_35 = arith.addf %dot_general3A_26, %dot_general3A_34 : vector<1000x128xf32>
    %get3A_36 = arith.constant 0 : index
    %get3A_37 = arith.constant 0 : index
    %get3A_38 = vector.load %arg6[%get3A_36, %get3A_37] : memref<1x128xf32, #tpu.memory_space<vmem>>, vector<1x128xf32>
    %add3A_39 = vector.broadcast %get3A_38 : vector<1x128xf32> to vector<1000x128xf32>
    %add3A_40 = arith.addf %add3A_35, %add3A_39 : vector<1000x128xf32>
    %logistic3A = arith.negf %add3A_40 : vector<1000x128xf32>
    %logistic3A_41 = math.exp %logistic3A : vector<1000x128xf32>
    %logistic3A_42 = arith.constant 1.000000e+00 : f32
    %logistic3A_43 = vector.broadcast %logistic3A_42 : f32 to vector<1000x128xf32>
    %logistic3A_44 = arith.addf %logistic3A_43, %logistic3A_41 : vector<1000x128xf32>
    %logistic3A_45 = arith.divf %logistic3A_43, %logistic3A_44 : vector<1000x128xf32>
    %eq3A = arith.constant 0 : i32
    %eq3A_46 = arith.cmpi eq, %arg0, %eq3A : i32
    %convert_element_type3A = arith.extui %eq3A_46 : i1 to i32
    %cond3A = arith.constant 0 : i32
    %cond3A_47 = arith.cmpi ne, %convert_element_type3A, %cond3A : i32
    scf.if %cond3A_47 {
      %broadcast_in_dim3A_55 = arith.constant 0.000000e+00 : f32
      %broadcast_in_dim3A_56 = vector.broadcast %broadcast_in_dim3A_55 : f32 to vector<1x128xf32>
      %swap3A_57 = arith.constant 0 : index
      %swap3A_58 = arith.constant 0 : index
      %swap3A_59 = vector.load %arg7[%swap3A_57, %swap3A_58] : memref<1x128xf32, #tpu.memory_space<vmem>>, vector<1x128xf32>
      tpu.vector_store %arg7[%swap3A_57, %swap3A_58], %broadcast_in_dim3A_56 {strides = array<i32>} : memref<1x128xf32, #tpu.memory_space<vmem>>, vector<1x128xf32>,
    } else {
    }
    %get3A_48 = arith.constant 0 : index
    %get3A_49 = arith.constant 0 : index
    %get3A_50 = vector.load %arg7[%get3A_48, %get3A_49] : memref<1x128xf32, #tpu.memory_space<vmem>>, vector<1x128xf32>
    %reduce_sum3A = arith.constant dense<0.000000e+00> : vector<128xf32>
    %reduce_sum3A_51 = vector.multi_reduction <add>, %logistic3A_45, %reduce_sum3A [0] : vector<1000x128xf32> to vector<128xf32>
    %broadcast_in_dim3A = vector.shape_cast %reduce_sum3A_51 : vector<128xf32> to vector<1x128xf32>
    %add3A_52 = arith.addf %get3A_50, %broadcast_in_dim3A : vector<1x128xf32>
    %swap3A = arith.constant 0 : index
    %swap3A_53 = arith.constant 0 : index
    %swap3A_54 = vector.load %arg7[%swap3A, %swap3A_53] : memref<1x128xf32, #tpu.memory_space<vmem>>, vector<1x128xf32>
    tpu.vector_store %arg7[%swap3A, %swap3A_53], %add3A_52 {strides = array<i32>} : memref<1x128xf32, #tpu.memory_space<vmem>>, vector<1x128xf32>,
    return
  }
  func.func @transform_0(%arg0: i32) -> (i32, i32, i32) {
    %c0_i32 = arith.constant 0 : i32
    %c0_i32_0 = arith.constant 0 : i32
    %c0_i32_1 = arith.constant 0 : i32
    return %c0_i32, %arg0, %c0_i32_0 : i32, i32, i32
  }
  func.func @transform_1(%arg0: i32) -> (i32, i32, i32) {
    %c0_i32 = arith.constant 0 : i32
    %c0_i32_0 = arith.constant 0 : i32
    %c0_i32_1 = arith.constant 0 : i32
    return %c0_i32, %arg0, %c0_i32_0 : i32, i32, i32
  }
  func.func @transform_2(%arg0: i32) -> (i32, i32) {
    %c0_i32 = arith.constant 0 : i32
    %c0_i32_0 = arith.constant 0 : i32
    return %arg0, %c0_i32 : i32, i32
  }
  func.func @transform_3(%arg0: i32) -> (i32, i32) {
    %c0_i32 = arith.constant 0 : i32
    %c0_i32_0 = arith.constant 0 : i32
    %c0_i32_1 = arith.constant 0 : i32
    return %c0_i32, %c0_i32_0 : i32, i32
  }
  func.func @transform_4(%arg0: i32) -> (i32, i32) {
    %c0_i32 = arith.constant 0 : i32
    %c0_i32_0 = arith.constant 0 : i32
    %c0_i32_1 = arith.constant 0 : i32
    return %c0_i32, %c0_i32_0 : i32, i32
  }
  func.func @transform_5(%arg0: i32) -> (i32, i32) {
    %c0_i32 = arith.constant 0 : i32
    %c0_i32_0 = arith.constant 0 : i32
    %c0_i32_1 = arith.constant 0 : i32
    return %c0_i32, %c0_i32_0 : i32, i32
  }
  func.func @transform_6(%arg0: i32) -> (i32, i32) {
    %c0_i32 = arith.constant 0 : i32
    %c0_i32_0 = arith.constant 0 : i32
    %c0_i32_1 = arith.constant 0 : i32
    return %c0_i32, %c0_i32_0 : i32, i32
  }
}

</mosaic_0001>

<sc_bundles>
// kernel: kernel.11.cloned.1.call-start
scs
__scs_entry_jumppad:
0x0: {  	(pc) =	sbr.rel $0x88, $3  }
0x1: {  	(tag) =	ssettag $0x0;
	lr =	simm.s32 $0x1  }
0x2: {  	[smem:$0x3F96] =	sst lr;
	_ =	strace $0xD0000000  }
0x3: {  	_ = 	snop  }
0x4: {  	_ = 	snop  }
0x5: {  	_ = 	snop  }
0x6: {  	_ = 	snop  }
0x7: {  	_ = 	snop  }
__scs_overlays_trampoline_lowered:
0x8: {  	[smem:$0x3FA5] =	sst s0  }
0x9: {  	[smem:$0x3FA6] =	sst s1  }
0xa: {  	[smem:$0x3FA7] =	sst s2  }
0xb: {  	[smem:$0x3FA8] =	sst s3  }
0xc: {  	[smem:$0x3FA9] =	sst s4  }
0xd: {  	[smem:$0x3FAA] =	sst s5  }
0xe: {  	[smem:$0x3FAB] =	sst s6  }
0xf: {  	[smem:$0x3FAC] =	sst s7  }
0x10: {  	[smem:$0x3FAD] =	sst s8  }
0x11: {  	[smem:$0x3FAE] =	sst s9;
	s0 =	simm.s32 @!p0 $0x0  }
0x12: {  	s1 =	sld [smem:$0x3F94];
	s0 =	simm.s32 @p0 $0x1  }
0x13: {  	[smem:$0x3FAF] =	sst s0;
	s0 =	simm.s32 @!p1 $0x0  }
0x14: {  	s2 =	sld [smem:$0x3F93];
	s0 =	simm.s32 @p1 $0x1  }
0x15: {  	[smem:$0x3FB0] =	sst s0;
	s0 =	simm.s32 @!p2 $0x0  }
0x16: {  	s3 =	sld [smem:$0x3FDB];
	s0 =	simm.s32 @p2 $0x1  }
0x17: {  	s4 =	simm.s32 $0x1BF5;
	[smem:$0x3FB2] =	sst s0  }
0x18: {  	s0 =	sld [smem:$0x3F95];
	_ =	swait.ge [sflag:s4], $0x0  }
0x19: {  	s7 =	sld [smem:$0x3F96]  }
0x1a: {  	s8 =	sadd.s32 $0xFFFFE003, lr  }
0x1b: {  	s9 =	sadd.s32 $0xFFFFFEF7, lr;
	s5 =	simm.s32 $0xFFFFFFFF;
	p2 =	slt.u32 s8, $0xFFFFF086  }
0x1c: {  	p1 =	slt.u32 s9, $0xF7A;
	s5 =	simm.s32 @!p2 $0x0  }
0x1d: {  	s5 =	simm.s32 @p1 $0x1;
	p0 =	seq.s32 s7, s2  }
0x1e: {  	s7 =	smul.u32 @!p0 $0xF7A, s2;
	p2 =	seq.s32 @!p0 s5, $0x0  }
0x1f: {  	s9 =	smul.u32 $0xF7A, s1;
	s8 =	simm.s32 @!p0 $0x1BF5;
	p2 =	por !p2, p0  }
0x20: {  	[sflag:s8] =	ssyncset.s32 @!p0 $0xFFFFF086;
	s6 =	sadd.s32 @!p0 s3, s7;
	s7 =	simm.s32 @!p0 $0x108  }
0x21: {  	s3 =	sadd.s32 s3, s9;
	s6 =	sadd.s32 @!p0 $0x88, s6;
	s7 =	simm.s32 @p2 $0x1082  }
0x22: {  	[simem:s7], [sflag:s8] =	dma.local @!p0 [hbm:s6], $0xF7A  }
0x23: {  	s9 =	sor.u32 $0xD0000000, s2;
	s6 =	simm.s32 $0x108;
	_ =	swait.ge @!p0 [sflag:s8], $0x0  }
0x24: {  	s3 =	sadd.s32 $0x88, s3;
	s6 =	simm.s32 @!p1 $0x1082;
	[sflag:s4] =	ssyncset.s32 $0xFFFFF086  }
0x25: {  	[simem:s6], [sflag:s4] =	dma.local [hbm:s3], $0xF7A  }
0x26: {  	[smem:$0x3F96] =	sst s1;
	(tag) =	ssettag s2;
	_ =	strace s9  }
0x27: {  	s1 =	sld [smem:$0x3FA6]  }
0x28: {  	s2 =	sld [smem:$0x3FA7]  }
0x29: {  	s4 =	sld [smem:$0x3FA9]  }
0x2a: {  	p0 =	seq.s32 s5, $0x0;
	s5 =	sld [smem:$0x3FAA]  }
0x2b: {  	s6 =	sld [smem:$0x3FAB]  }
0x2c: {  	s7 =	sld [smem:$0x3FAC]  }
0x2d: {  	s3 =	simm.s32 $0x108;
	s8 =	sld [smem:$0x3FAD]  }
0x2e: {  	s3 =	simm.s32 @!p0 $0x1082;
	s9 =	sld [smem:$0x3FAE]  }
0x2f: {  	lr =	sadd.s32 s0, s3;
	s0 =	sld [smem:$0x3FA5]  }
0x30: {  	s3 =	sld [smem:$0x3FA8]  }
0x31: {  	[smem:$0x3FB1] =	sst s10  }
0x32: {  	s10 =	sld [smem:$0x3FAF];
	_ =	sdelay $0x3  }
0x33: {  	p0 =	seq.s32 s10, $0x1;
	s10 =	sld [smem:$0x3FB1];
	_ =	sdelay $0x3  }
0x34: {  	[smem:$0x3FB1] =	sst s10  }
0x35: {  	s10 =	sld [smem:$0x3FB0];
	_ =	sdelay $0x3  }
0x36: {  	p1 =	seq.s32 s10, $0x1;
	s10 =	sld [smem:$0x3FB1];
	_ =	sdelay $0x3  }
0x37: {  	[smem:$0x3FB1] =	sst s10  }
0x38: {  	s10 =	sld [smem:$0x3FB2]  }
0x39: {  	_ = 	snop;
	(pc) =	sbr.ind lr, $3  }
0x3a: {  	_ = 	snop  }
0x3b: {  	_ = 	snop  }
0x3c: {  	p2 =	seq.s32 s10, $0x1;
	s10 =	sld [smem:$0x3FB1]  }
0x3d: {  	_ =	shalt  }
0x3e: {  	_ =	shalt  }
0x3f: {  	_ =	shalt  }
0x40: {  	_ =	shalt  }
0x41: {  	_ =	shalt  }
0x42: {  	_ =	shalt  }
0x43: {  	_ =	shalt  }
0x44: {  	_ =	shalt  }
0x45: {  	_ =	shalt  }
0x46: {  	_ =	shalt  }
0x47: {  	_ =	shalt  }
0x48: {  	_ =	shalt  }
0x49: {  	_ =	shalt  }
0x4a: {  	_ =	shalt  }
0x4b: {  	_ =	shalt  }
0x4c: {  	_ =	shalt  }
0x4d: {  	_ =	shalt  }
0x4e: {  	_ =	shalt  }
0x4f: {  	_ =	shalt  }
0x50: {  	_ =	shalt  }
0x51: {  	_ =	shalt  }
0x52: {  	_ =	shalt  }
0x53: {  	_ =	shalt  }
0x54: {  	_ =	shalt  }
0x55: {  	_ =	shalt  }
0x56: {  	_ =	shalt  }
0x57: {  	_ =	shalt  }
0x58: {  	_ =	shalt  }
0x59: {  	_ =	shalt  }
0x5a: {  	_ =	shalt  }
0x5b: {  	_ =	shalt  }
0x5c: {  	_ =	shalt  }
0x5d: {  	_ =	shalt  }
0x5e: {  	_ =	shalt  }
0x5f: {  	_ =	shalt  }
0x60: {  	_ =	shalt  }
0x61: {  	_ =	shalt  }
0x62: {  	_ =	shalt  }
0x63: {  	_ =	shalt  }
0x64: {  	_ =	shalt  }
0x65: {  	_ =	shalt  }
0x66: {  	_ =	shalt  }
0x67: {  	_ =	shalt  }
0x68: {  	_ =	shalt  }
0x69: {  	_ =	shalt  }
0x6a: {  	_ =	shalt  }
0x6b: {  	_ =	shalt  }
0x6c: {  	_ =	shalt  }
0x6d: {  	_ =	shalt  }
0x6e: {  	_ =	shalt  }
0x6f: {  	_ =	shalt  }
0x70: {  	_ =	shalt  }
0x71: {  	_ =	shalt  }
0x72: {  	_ =	shalt  }
0x73: {  	_ =	shalt  }
0x74: {  	_ =	shalt  }
0x75: {  	_ =	shalt  }
0x76: {  	_ =	shalt  }
0x77: {  	_ =	shalt  }
0x78: {  	_ =	shalt  }
0x79: {  	_ =	shalt  }
0x7a: {  	_ =	shalt  }
0x7b: {  	_ =	shalt  }
0x7c: {  	_ =	shalt  }
0x7d: {  	_ =	shalt  }
0x7e: {  	_ =	shalt  }
0x7f: {  	_ =	shalt  }
0x80: {  	_ =	shalt  }
0x81: {  	_ =	shalt  }
0x82: {  	_ =	shalt  }
0x83: {  	_ =	shalt  }
0x84: {  	_ =	shalt  }
0x85: {  	_ =	shalt  }
0x86: {  	_ =	shalt  }
0x87: {  	_ =	shalt  }
.Lfunc_end0:
.L_simem_size_0:
called_computation.1_lowered:
.L_overlay_start_0:
0x88: {  	s2 =	sld [smem:$0x3FD9]  }
0x89: {  	s3 =	sld [smem:$0x3FFE];
	_ =	sdelay $0x1  }
0x8a: {  	s1 =	srdreg.scid  }
0x8b: {  	s0 =	sand.u32 $0x1, s1  }
0x8c: {  	s16 =	sshll.u32 s0, $0xA;
	s2 =	sadd.s32 s3, s2  }
0x8d: {  	s2 =	sadd.s32 s2, s16  }
0x8e: {  	[smem:$0x3FBD] =	sst s2  }
0x8f: {  	_ = 	snop  }
0x90: {  	(tm) =	ssettm $0x1  }
0x91: {  	s17 =	sld [smem:$0x3FFB];
	_ =	sdelay $0x3  }
0x92: {  	_ =	strace s17  }
0x93: {  	s2 =	sld [smem:$0x3FFC];
	_ =	sdelay $0x3  }
0x94: {  	_ =	strace s2  }
0x95: {  	s2 =	sld [smem:$0x3FFD];
	_ =	sdelay $0x3  }
0x96: {  	_ =	strace s2  }
0x97: {  	_ =	strace $0x8FFFFFFF  }
0x98: {  	s18 =	sld [smem:$0x3FDB];
	_ =	sdelay $0x1  }
0x99: {  	s19 =	simm.s32 $_scs_section_size  }
0x9a: {  	s4 =	simm.s32 $_size__tile_overlayer_lowered;
	s5 =	simm.s32 $_tile_overlayer_lowered  }
0x9b: {  	s22 =	simm.s32 $0x1BFF;
	s21 =	sshll.u32 s5, $0x1;
	s2 =	sadd.s32 s19, s18  }
0x9c: {  	s6 =	simm.s32 $0x0;
	s20 =	sshll.u32 s4, $0x1;
	s4 =	sadd.s32 s21, s2  }
0x9d: {  	[timem:s6], [sflag:s22] =	dma.local [hbm:s4], s20  }
0x9e: {  	_ =	swait.ge [sflag:s22], s20  }
0x9f: {  	s3 =	ssub.s32 $0x0, s20;
	[sflag:s22] =	ssyncset.done $0x0  }
0xa0: {  	[sflag:s22] =	ssyncadd.s32 s3;
	_ =	sdelay $0x1  }
0xa1: {  	s23 =	simm.s32 $0x1B8B  }
0xa2: {  	_ =	swait.ge [sflag:s23], $0x1  }
0xa3: {  	[sflag:s23] =	ssyncset.done $0x0  }
0xa4: {  	s25 =	simm.s32 $0x1B8E;
	s24 =	sld [smem:$0x3FFE];
	[sflag:s23] =	ssyncadd.s32 $0xFFFFFFFF  }
0xa5: {  	s26 =	simm.s32 $execute0_lowered;
	[smem:$0x3FD2] =	sst s25  }
0xa6: {  	s4 =	sshll.u32 s26, $0x1;
	_ =	strace $0x80000049;
	[dreg:$0x1] =	wrdreg $0xFFFFFFFF  }
0xa7: {  	s28 =	simm.s32 $_size_execute0_lowered;
	s2 =	sadd.s32 s2, s4;
	[dreg:$0x0] =	wrdreg $0x0  }
0xa8: {  	s4 =	sshll.u32 s28, $0x1;
	[dreg:$0x2] =	wrdreg s2  }
0xa9: {  	[dreg:$0x3] =	wrdreg s4  }
0xaa: {  	[dreg:$0x4] =	wrdreg $0xC0  }
0xab: {  	_ =	task [dreg:s6], $0x5FFFF  }
0xac: {  	[dreg:$0x1] =	wrdreg $0xFFFFFFFF  }
0xad: {  	[dreg:$0x0] =	wrdreg $0x60  }
0xae: {  	[dreg:$0x2] =	wrdreg s24  }
0xaf: {  	[dreg:$0x3] =	wrdreg $0xAA000  }
0xb0: {  	[dreg:$0x4] =	wrdreg $0x9  }
0xb1: {  	_ =	task.clear_ibuf [dreg:s6], $0x5FFFF;
	_ =	strace $0x90000049  }
0xb2: {  	s29 =	simm.s32 $0x9;
	_ =	strace $0x8000004B  }
0xb3: {  	_ =	swait.ge [sflag:s29], $0x1  }
0xb4: {  	[sflag:s29] =	ssyncadd.s32 $0xFFFFFFFF  }
0xb5: {  	_ =	strace $0x9000004B  }
0xb6: {  	_ =	sfence  }
0xb7: {  	s30 =	sld [smem:$0x0];
	_ =	sdelay $0x2  }
0xb8: {  	s31 =	sshll.u32 s1, $0xD;
	s1 =	sshrl.u32 s1, $0x2  }
0xb9: {  	s3 =	sand.u32 $0x4000, s31;
	s1 =	sadd.s32 s1, s30  }
0xba: {  	s0 =	sor.u32 s3, s0;
	s1 =	sshll.u32 s1, $0x11  }
0xbb: {  	s0 =	sor.u32 s1, s0  }
0xbc: {  	s0 =	sadd.s32 $0x8F2B, s0  }
0xbd: {  	[sflag:s0] =	ssyncadd.remote.s32 $0x1  }
0xbe: {  	_ =	sfence.sel $0xFFFF  }
0xbf: {  	[dreg:$0x0] =	wrdreg $0xFFFFFFFF;
	(pc) =	sbr.abs _section_cstart, $3  }
0xc0: {  	[dreg:$0x1] =	wrdreg $0xFFFFFFFF  }
0xc1: {  	_ =	task.clear_ibuf [dreg:s6], $0x2FFFF;
	_ =	strace $0x9FFFFFFF  }
0xc2: {  	(tm) =	ssettm $0x7FFFFFFF  }
0xc3: {  	_ =	shalt  }
tec
execute0_lowered:
.L_overlay_start_1:
0x0: {  	(tag) =	ssettag $0x1  }
0x1: {  	s0 =	srdreg.scid;
	s6 =	rddreg [dreg:$0x0]  }
0x2: {  	s10 =	stileid.u32;
	s1 =	rddreg [dreg:$0x1]  }
0x3: {  	s2 =	simm.s32 $0x0;
	s16 =	simm.s32 $0x2A00;
	s17 =	simm.s32 $0x1  }
0x4: {  	s18 =	simm.s32 $0x2900;
	s19 =	simm.s32 $0x6A00;
	s20 =	simm.s32 $0x2880  }
0x5: {  	s21 =	simm.s32 $0x2;
	s22 =	simm.s32 $0x2980;
	s23 =	simm.s32 $0x0  }
0x6: {  	s4 =	sand.u32 $0x1, s0;
	[smem:$0x7FF] =	sst s2;
	s7 =	smul.u32 $0x13800, s10  }
0x7: {  	s11 =	smul.u32 $0x4E000, s10;
	s12 =	sadd.s32 $0xD0E00, s6;
	s15 =	sadd.s32 $0x138000, s1  }
0x8: {  	s31 =	sshll.u32 s10, $0x6;
	p0 =	sne.s32 s10, $0x0;
	s0 =	sshll.u32 s4, $0x4  }
0x9: {  	s9 =	ssub.s32 $0x2, s4;
	s14 =	smul.u32 $0x138800, s4;
	s3 =	sor.u32 s10, s0  }
0xa: {  	s0 =	rddreg [dreg:$0x2];
	_ =	strace $0x8000004A;
	s8 =	sshrl.u32 s7, $0x3  }
0xb: {  	s13 =	sshrl.u32 s9, $0x1;
	s28 =	sshrl.u32 s11, $0x2;
	s10 =	simm.s32 $0x3  }
0xc: {  	s11 =	sor.u32 $0x1C03, s31;
	s5 =	smul.u32 $0x500, s3;
	s3 =	sadd.s32 $0x34A00, s6  }
0xd: {  	s8 =	sadd.s32 s8, s6;
	s9 =	ssub.s32 s9, s13;
	s29 =	sadd.s32 s28, s1  }
0xe: {  	s7 =	sadd.s32 s7, s14;
	s30 =	sshrl.u32 s14, $0x3;
	s13 =	sshrl.u32 @!p0 s15, $0x3  }
0xf: {  	s14 =	simm.s32 $0x80;
	s15 =	simm.s32 $0x2800;
	s7 =	sshrl.u32 s7, $0x3  }
0x10: {  	s9 =	smax.u32 s9, $0x1;
	s5 =	sadd.s32 s5, s6;
	s6 =	sadd.s32 $0x34000, s6  }
0x11: {  	s4 =	sadd.s32 $0x3000, s5;
	s5 =	sadd.s32 $0xD000, s8;
	s8 =	sadd.s32 s12, s30  }
0x12: {  	s7 =	sadd.s32 s12, s7;
	s12 =	sshrl.u32 s29, $0x3;
	s8 =	sadd.s32 $0x27000, s8  }
.LBB2_1:
0x13: {  	[tilespmem:s2], [sflag:$0x3] =	stream.linear.gather [hbm4b:s4+s2], $0x2800, $0x38;
	[tilespmem:$0x1E2C0] =	vst v63  }
0x14: {  	_ =	swait.ge [sflag:s10], $0x2800  }
0x15: {  	[sflag:s10] =	ssyncset.done $0x0  }
0x16: {  	[sflag:s10] =	ssyncadd.s32 $0xFFFFD800  }
0x17: {  	[spmem:s12], [sflag:s11] =	dma.local [hbm:s5], $0x2700  }
0x18: {  	_ =	swait.ge [sflag:s10], $0x2700  }
0x19: {  	[sflag:s10] =	ssyncset.done $0x0  }
0x1a: {  	s24 =	simm.s32 @!p0 $0x3;
	[sflag:s10] =	ssyncadd.s32 $0xFFFFD900  }
0x1b: {  	[spmem:s13], [sflag:s11] =	dma.local @!p0 [hbm:s6], $0x100  }
0x1c: {  	_ =	swait.ge @!p0 [sflag:s24], $0x100  }
0x1d: {  	[sflag:s24] =	ssyncset.done @!p0 $0x0  }
0x1e: {  	[sflag:s24] =	ssyncadd.s32 @!p0 $0xFFFFFF00  }
0x1f: {  	[bflag:$0x0] =	sbarrier.arrive $0xFFFF  }
0x20: {  	v0 =	vld [tilespmem:$0x0];
	_ =	sdelay $0x1  }
0x21: {  	v1 =	vld [tilespmem:$0x10];
	_ =	sdelay $0x1  }
0x22: {  	v2 =	vld [tilespmem:$0x20]  }
0x23: {  	v3 =	vand.u32 $0xFFFF, v0  }
0x24: {  	v0 =	vshrl.u32 v0, $0x10;
	[tilespmem:$0x2800] =	vst v3;
	v3 =	vld [tilespmem:$0x30]  }
0x25: {  	[tilespmem:$0x2880] =	vst v0;
	v0 =	vand.u32 $0xFFFF, v1  }
0x26: {  	[tilespmem:$0x2810] =	vst v0;
	v0 =	vshrl.u32 v1, $0x10;
	v1 =	vld [tilespmem:$0x40]  }
0x27: {  	[tilespmem:$0x2890] =	vst v0;
	v0 =	vand.u32 $0xFFFF, v2  }
0x28: {  	[tilespmem:$0x2820] =	vst v0;
	v0 =	vshrl.u32 v2, $0x10;
	v2 =	vld [tilespmem:$0x50]  }
0x29: {  	[tilespmem:$0x28A0] =	vst v0;
	v0 =	vand.u32 $0xFFFF, v3  }
0x2a: {  	[tilespmem:$0x2830] =	vst v0;
	v0 =	vshrl.u32 v3, $0x10;
	v3 =	vld [tilespmem:$0x60]  }
0x2b: {  	[tilespmem:$0x28B0] =	vst v0;
	v0 =	vand.u32 $0xFFFF, v1  }
0x2c: {  	[tilespmem:$0x2840] =	vst v0;
	v0 =	vshrl.u32 v1, $0x10;
	v1 =	vld [tilespmem:$0x70]  }
0x2d: {  	[tilespmem:$0x28C0] =	vst v0;
	v0 =	vand.u32 $0xFFFF, v2  }
0x2e: {  	[tilespmem:$0x2850] =	vst v0;
	v0 =	vshrl.u32 v2, $0x10  }
0x2f: {  	[tilespmem:$0x28D0] =	vst v0;
	v0 =	vand.u32 $0xFFFF, v3  }
0x30: {  	[tilespmem:$0x2860] =	vst v0;
	v0 =	vshrl.u32 v3, $0x10  }
0x31: {  	[tilespmem:$0x28E0] =	vst v0;
	v0 =	vand.u32 $0xFFFF, v1  }
0x32: {  	[tilespmem:$0x2870] =	vst v0;
	v0 =	vshrl.u32 v1, $0x10  }
0x33: {  	s31 =	simm.s32 $0x0;
	[tilespmem:$0x28F0] =	vst v0  }
0x34: {  	[tilespmem:s16], [sflag:$0x1] =	stream.indirect.gather [hbm4b:s3+s14], $0x80, s15, s14, $0xb8;
	[tilespmem:$0x1E2C0] =	vst v63  }
0x35: {  	v0 =	vld [tilespmem:s31+$0x80];
	_ =	sdelay $0x4  }
0x36: {  	v1 =	vand.u32 $0xFFFF, v0  }
0x37: {  	v0 =	vshrl.u32 v0, $0x10;
	[tilespmem:$0x2900] =	vst v1  }
0x38: {  	[tilespmem:$0x2980] =	vst v0  }
0x39: {  	v0 =	vld [tilespmem:s31+$0x90];
	_ =	sdelay $0x4  }
0x3a: {  	v1 =	vand.u32 $0xFFFF, v0  }
0x3b: {  	v0 =	vshrl.u32 v0, $0x10;
	[tilespmem:$0x2910] =	vst v1  }
0x3c: {  	[tilespmem:$0x2990] =	vst v0  }
0x3d: {  	v0 =	vld [tilespmem:s31+$0xA0];
	_ =	sdelay $0x4  }
0x3e: {  	v1 =	vand.u32 $0xFFFF, v0  }
0x3f: {  	v0 =	vshrl.u32 v0, $0x10;
	[tilespmem:$0x2920] =	vst v1  }
0x40: {  	[tilespmem:$0x29A0] =	vst v0  }
0x41: {  	v0 =	vld [tilespmem:s31+$0xB0];
	_ =	sdelay $0x4  }
0x42: {  	v1 =	vand.u32 $0xFFFF, v0  }
0x43: {  	v0 =	vshrl.u32 v0, $0x10;
	[tilespmem:$0x2930] =	vst v1  }
0x44: {  	[tilespmem:$0x29B0] =	vst v0  }
0x45: {  	v0 =	vld [tilespmem:s31+$0xC0];
	_ =	sdelay $0x4  }
0x46: {  	v1 =	vand.u32 $0xFFFF, v0  }
0x47: {  	v0 =	vshrl.u32 v0, $0x10;
	[tilespmem:$0x2940] =	vst v1  }
0x48: {  	[tilespmem:$0x29C0] =	vst v0  }
0x49: {  	v0 =	vld [tilespmem:s31+$0xD0];
	_ =	sdelay $0x4  }
0x4a: {  	v1 =	vand.u32 $0xFFFF, v0  }
0x4b: {  	v0 =	vshrl.u32 v0, $0x10;
	[tilespmem:$0x2950] =	vst v1  }
0x4c: {  	[tilespmem:$0x29D0] =	vst v0  }
0x4d: {  	v0 =	vld [tilespmem:s31+$0xE0];
	_ =	sdelay $0x4  }
0x4e: {  	v1 =	vand.u32 $0xFFFF, v0  }
0x4f: {  	v0 =	vshrl.u32 v0, $0x10;
	[tilespmem:$0x2960] =	vst v1  }
0x50: {  	[tilespmem:$0x29E0] =	vst v0  }
0x51: {  	v0 =	vld [tilespmem:s31+$0xF0];
	_ =	sdelay $0x4  }
0x52: {  	v1 =	vand.u32 $0xFFFF, v0  }
0x53: {  	v0 =	vshrl.u32 v0, $0x10;
	[tilespmem:$0x2970] =	vst v1  }
0x54: {  	[tilespmem:$0x29F0] =	vst v0  }
0x55: {  	_ =	swait.ge [sflag:s17], $0x4000  }
0x56: {  	[sflag:s17] =	ssyncset.done $0x0  }
0x57: {  	[sflag:s17] =	ssyncadd.s32 $0xFFFFC000  }
0x58: {  	[tilespmem:s19], [sflag:$0x2] =	stream.indirect.gather [hbm4b:s3+s14], $0x80, s18, s14, $0xb8;
	[tilespmem:$0x1E2C0] =	vst v63  }
0x59: {  	_ = 	snop  }
0x5a: {  	[spmem:s1] =	stream.indirect.scatter.add.f32 [tilespmem:s16], [sflag:$0x3], $0x80, s20, s14, $0xb8;
	[tilespmem:$0x1E2C0] =	vst v63  }
0x5b: {  	_ =	swait.ge [sflag:s10], $0x4000  }
0x5c: {  	p2 =	por $0x0, $0x0;
	[sflag:s10] =	ssyncset.done $0x0  }
0x5d: {  	s25 =	simm.s32 @!p2 $0x0;
	[sflag:s10] =	ssyncadd.s32 $0xFFFFC000  }
0x5e: {  	v0 =	vld @!p2 [tilespmem:s25+$0x100];
	_ =	sdelay $0x4  }
0x5f: {  	v1 =	vand.u32 @!p2 $0xFFFF, v0  }
0x60: {  	v0 =	vshrl.u32 @!p2 v0, $0x10;
	[tilespmem:$0x2800] =	vst @!p2 v1  }
0x61: {  	[tilespmem:$0x2880] =	vst @!p2 v0  }
0x62: {  	v0 =	vld @!p2 [tilespmem:s25+$0x110];
	_ =	sdelay $0x4  }
0x63: {  	v1 =	vand.u32 @!p2 $0xFFFF, v0  }
0x64: {  	v0 =	vshrl.u32 @!p2 v0, $0x10;
	[tilespmem:$0x2810] =	vst @!p2 v1  }
0x65: {  	[tilespmem:$0x2890] =	vst @!p2 v0  }
0x66: {  	v0 =	vld @!p2 [tilespmem:s25+$0x120];
	_ =	sdelay $0x4  }
0x67: {  	v1 =	vand.u32 @!p2 $0xFFFF, v0  }
0x68: {  	v0 =	vshrl.u32 @!p2 v0, $0x10;
	[tilespmem:$0x2820] =	vst @!p2 v1  }
0x69: {  	[tilespmem:$0x28A0] =	vst @!p2 v0  }
0x6a: {  	v0 =	vld @!p2 [tilespmem:s25+$0x130];
	_ =	sdelay $0x4  }
0x6b: {  	v1 =	vand.u32 @!p2 $0xFFFF, v0  }
0x6c: {  	v0 =	vshrl.u32 @!p2 v0, $0x10;
	[tilespmem:$0x2830] =	vst @!p2 v1  }
0x6d: {  	[tilespmem:$0x28B0] =	vst @!p2 v0  }
0x6e: {  	v0 =	vld @!p2 [tilespmem:s25+$0x140];
	_ =	sdelay $0x4  }
0x6f: {  	v1 =	vand.u32 @!p2 $0xFFFF, v0  }
0x70: {  	v0 =	vshrl.u32 @!p2 v0, $0x10;
	[tilespmem:$0x2840] =	vst @!p2 v1  }
0x71: {  	[tilespmem:$0x28C0] =	vst @!p2 v0  }
0x72: {  	v0 =	vld @!p2 [tilespmem:s25+$0x150];
	_ =	sdelay $0x4  }
0x73: {  	v1 =	vand.u32 @!p2 $0xFFFF, v0  }
0x74: {  	v0 =	vshrl.u32 @!p2 v0, $0x10;
	[tilespmem:$0x2850] =	vst @!p2 v1  }
0x75: {  	[tilespmem:$0x28D0] =	vst @!p2 v0  }
0x76: {  	v0 =	vld @!p2 [tilespmem:s25+$0x160];
	_ =	sdelay $0x4  }
0x77: {  	s28 =	simm.s32 @!p2 $0x80;
	v1 =	vand.u32 @!p2 $0xFFFF, v0  }
0x78: {  	s29 =	simm.s32 @!p2 $0x2800;
	s30 =	simm.s32 @!p2 $0x2A00;
	s24 =	simm.s32 $0x400;
	v0 =	vshrl.u32 @!p2 v0, $0x10;
	[tilespmem:$0x2860] =	vst @!p2 v1  }
.LBB2_2:
0x79: {  	[tilespmem:$0x28E0] =	vst @!p2 v0;
	s26 =	smov.u32 s24;
	s24 =	sadd.s32 $0x400, s24  }
0x7a: {  	p1 =	sne.s32 s24, $0xA000;
	v0 =	vld @!p2 [tilespmem:s25+$0x170];
	_ =	sdelay $0x4  }
0x7b: {  	v1 =	vand.u32 @!p2 $0xFFFF, v0;
	v0 =	vshrl.u32 @!p2 v0, $0x10  }
0x7c: {  	[tilespmem:$0x2870] =	vst @!p2 v1  }
0x7d: {  	[tilespmem:$0x28F0] =	vst @!p2 v0  }
0x7e: {  	[tilespmem:s30], [sflag:$0x1] =	stream.indirect.gather @!p2 [hbm4b:s3+s28], $0x80, s29, s28, $0xb8;
	[tilespmem:$0x1E2C0] =	vst v63  }
0x7f: {  	_ =	swait.ge [sflag:s21], $0x4000  }
0x80: {  	[sflag:s21] =	ssyncset.done $0x0  }
0x81: {  	[sflag:s21] =	ssyncadd.s32 $0xFFFFC000  }
0x82: {  	[spmem:s1] =	stream.indirect.scatter.add.f32 [tilespmem:s19], [sflag:$0x3], $0x80, s22, s14, $0xb8;
	[tilespmem:$0x1E2C0] =	vst v63  }
0x83: {  	_ =	swait.ge [sflag:s10], $0x4000  }
0x84: {  	[sflag:s10] =	ssyncset.done $0x0  }
0x85: {  	s25 =	sshra.s32 s26, $0x2;
	[sflag:s10] =	ssyncadd.s32 $0xFFFFC000  }
0x86: {  	v0 =	vld [tilespmem:s25+$0x80];
	_ =	sdelay $0x4  }
0x87: {  	v1 =	vand.u32 $0xFFFF, v0;
	v0 =	vshrl.u32 v0, $0x10  }
0x88: {  	[tilespmem:$0x2900] =	vst v1  }
0x89: {  	[tilespmem:$0x2980] =	vst v0  }
0x8a: {  	v0 =	vld [tilespmem:s25+$0x90];
	_ =	sdelay $0x4  }
0x8b: {  	v1 =	vand.u32 $0xFFFF, v0;
	v0 =	vshrl.u32 v0, $0x10  }
0x8c: {  	[tilespmem:$0x2910] =	vst v1  }
0x8d: {  	[tilespmem:$0x2990] =	vst v0  }
0x8e: {  	v0 =	vld [tilespmem:s25+$0xA0];
	_ =	sdelay $0x4  }
0x8f: {  	v1 =	vand.u32 $0xFFFF, v0;
	v0 =	vshrl.u32 v0, $0x10  }
0x90: {  	[tilespmem:$0x2920] =	vst v1  }
0x91: {  	[tilespmem:$0x29A0] =	vst v0  }
0x92: {  	v0 =	vld [tilespmem:s25+$0xB0];
	_ =	sdelay $0x4  }
0x93: {  	v1 =	vand.u32 $0xFFFF, v0;
	v0 =	vshrl.u32 v0, $0x10  }
0x94: {  	[tilespmem:$0x2930] =	vst v1  }
0x95: {  	[tilespmem:$0x29B0] =	vst v0  }
0x96: {  	v0 =	vld [tilespmem:s25+$0xC0];
	_ =	sdelay $0x4  }
0x97: {  	v1 =	vand.u32 $0xFFFF, v0;
	v0 =	vshrl.u32 v0, $0x10  }
0x98: {  	[tilespmem:$0x2940] =	vst v1  }
0x99: {  	[tilespmem:$0x29C0] =	vst v0  }
0x9a: {  	v0 =	vld [tilespmem:s25+$0xD0];
	_ =	sdelay $0x4  }
0x9b: {  	v1 =	vand.u32 $0xFFFF, v0;
	v0 =	vshrl.u32 v0, $0x10  }
0x9c: {  	[tilespmem:$0x2950] =	vst v1  }
0x9d: {  	[tilespmem:$0x29D0] =	vst v0  }
0x9e: {  	v0 =	vld [tilespmem:s25+$0xE0];
	_ =	sdelay $0x4  }
0x9f: {  	v1 =	vand.u32 $0xFFFF, v0;
	v0 =	vshrl.u32 v0, $0x10  }
0xa0: {  	[tilespmem:$0x2960] =	vst v1  }
0xa1: {  	[tilespmem:$0x29E0] =	vst v0  }
0xa2: {  	v0 =	vld [tilespmem:s25+$0xF0];
	_ =	sdelay $0x4  }
0xa3: {  	v1 =	vand.u32 $0xFFFF, v0;
	v0 =	vshrl.u32 v0, $0x10  }
0xa4: {  	[tilespmem:$0x2970] =	vst v1  }
0xa5: {  	p2 =	seq.s32 s26, $0x9C00;
	[tilespmem:$0x29F0] =	vst v0  }
0xa6: {  	s25 =	sshra.s32 @!p2 s26, $0x2;
	_ =	swait.ge [sflag:s17], $0x4000  }
0xa7: {  	[sflag:s17] =	ssyncset.done $0x0  }
0xa8: {  	[sflag:s17] =	ssyncadd.s32 $0xFFFFC000  }
0xa9: {  	[tilespmem:s19], [sflag:$0x2] =	stream.indirect.gather [hbm4b:s3+s14], $0x80, s18, s14, $0xb8;
	[tilespmem:$0x1E2C0] =	vst v63  }
0xaa: {  	_ = 	snop  }
0xab: {  	[spmem:s1] =	stream.indirect.scatter.add.f32 [tilespmem:s16], [sflag:$0x3], $0x80, s20, s14, $0xb8;
	[tilespmem:$0x1E2C0] =	vst v63  }
0xac: {  	_ =	swait.ge [sflag:s10], $0x4000  }
0xad: {  	[sflag:s10] =	ssyncset.done $0x0  }
0xae: {  	[sflag:s10] =	ssyncadd.s32 $0xFFFFC000  }
0xaf: {  	v0 =	vld @!p2 [tilespmem:s25+$0x100];
	_ =	sdelay $0x4  }
0xb0: {  	v1 =	vand.u32 @!p2 $0xFFFF, v0;
	v0 =	vshrl.u32 @!p2 v0, $0x10  }
0xb1: {  	[tilespmem:$0x2800] =	vst @!p2 v1  }
0xb2: {  	[tilespmem:$0x2880] =	vst @!p2 v0  }
0xb3: {  	v0 =	vld @!p2 [tilespmem:s25+$0x110];
	_ =	sdelay $0x4  }
0xb4: {  	v1 =	vand.u32 @!p2 $0xFFFF, v0;
	v0 =	vshrl.u32 @!p2 v0, $0x10  }
0xb5: {  	[tilespmem:$0x2810] =	vst @!p2 v1  }
0xb6: {  	[tilespmem:$0x2890] =	vst @!p2 v0  }
0xb7: {  	v0 =	vld @!p2 [tilespmem:s25+$0x120];
	_ =	sdelay $0x4  }
0xb8: {  	v1 =	vand.u32 @!p2 $0xFFFF, v0;
	v0 =	vshrl.u32 @!p2 v0, $0x10  }
0xb9: {  	[tilespmem:$0x2820] =	vst @!p2 v1  }
0xba: {  	[tilespmem:$0x28A0] =	vst @!p2 v0  }
0xbb: {  	v0 =	vld @!p2 [tilespmem:s25+$0x130];
	_ =	sdelay $0x4  }
0xbc: {  	v1 =	vand.u32 @!p2 $0xFFFF, v0;
	v0 =	vshrl.u32 @!p2 v0, $0x10  }
0xbd: {  	[tilespmem:$0x2830] =	vst @!p2 v1  }
0xbe: {  	[tilespmem:$0x28B0] =	vst @!p2 v0  }
0xbf: {  	v0 =	vld @!p2 [tilespmem:s25+$0x140];
	_ =	sdelay $0x4  }
0xc0: {  	v1 =	vand.u32 @!p2 $0xFFFF, v0;
	v0 =	vshrl.u32 @!p2 v0, $0x10  }
0xc1: {  	[tilespmem:$0x2840] =	vst @!p2 v1  }
0xc2: {  	[tilespmem:$0x28C0] =	vst @!p2 v0  }
0xc3: {  	v0 =	vld @!p2 [tilespmem:s25+$0x150];
	_ =	sdelay $0x4  }
0xc4: {  	v1 =	vand.u32 @!p2 $0xFFFF, v0;
	v0 =	vshrl.u32 @!p2 v0, $0x10  }
0xc5: {  	[tilespmem:$0x2850] =	vst @!p2 v1  }
0xc6: {  	s28 =	simm.s32 @!p2 $0x80;
	s29 =	simm.s32 @!p2 $0x2800;
	s30 =	simm.s32 @!p2 $0x2A00;
	[tilespmem:$0x28D0] =	vst @!p2 v0  }
0xc7: {  	v0 =	vld @!p2 [tilespmem:s25+$0x160];
	_ =	sdelay $0x1  }
.Ltmp0:
0xc8: {  	(pc) =	sbr.rel @p1 .LBB2_2-.Ltmp0, $3  }
0xc9: {  	_ =	sdelay $0x1  }
0xca: {  	v1 =	vand.u32 @!p2 $0xFFFF, v0;
	v0 =	vshrl.u32 @!p2 v0, $0x10  }
0xcb: {  	[tilespmem:$0x2860] =	vst @!p2 v1  }
0xcc: {  	[tilespmem:$0x28E0] =	vst @!p2 v0  }
0xcd: {  	v0 =	vld @!p2 [tilespmem:s25+$0x170];
	_ =	sdelay $0x4  }
0xce: {  	v1 =	vand.u32 @!p2 $0xFFFF, v0  }
0xcf: {  	v0 =	vshrl.u32 @!p2 v0, $0x10;
	[tilespmem:$0x2870] =	vst @!p2 v1  }
0xd0: {  	[tilespmem:$0x28F0] =	vst @!p2 v0  }
0xd1: {  	[tilespmem:s30], [sflag:$0x1] =	stream.indirect.gather @!p2 [hbm4b:s3+s28], $0x80, s29, s28, $0xb8;
	[tilespmem:$0x1E2C0] =	vst v63  }
0xd2: {  	_ =	swait.ge [sflag:s21], $0x4000  }
0xd3: {  	[sflag:s21] =	ssyncset.done $0x0  }
0xd4: {  	[sflag:s21] =	ssyncadd.s32 $0xFFFFC000  }
0xd5: {  	[spmem:s1] =	stream.indirect.scatter.add.f32 [tilespmem:s19], [sflag:$0x3], $0x80, s22, s14, $0xb8;
	[tilespmem:$0x1E2C0] =	vst v63  }
0xd6: {  	_ =	swait.ge [sflag:s10], $0x4000  }
0xd7: {  	[sflag:s10] =	ssyncset.done $0x0  }
0xd8: {  	[sflag:s10] =	ssyncadd.s32 $0xFFFFC000  }
0xd9: {  	[bflag:$0x0] =	sbarrier.arrive $0xFFFF  }
0xda: {  	[hbm:s7], [sflag:s11] =	dma.local [spmem:s12], $0x2700  }
0xdb: {  	s23 =	sadd.s32 $0x1, s23;
	_ =	swait.ge [sflag:s10], $0x2700  }
0xdc: {  	p1 =	sne.s32 s23, s9;
	[sflag:s10] =	ssyncset.done $0x0  }
.Ltmp1:
0xdd: {  	s24 =	simm.s32 @!p0 $0x3;
	[sflag:s10] =	ssyncadd.s32 $0xFFFFD900;
	(pc) =	sbr.rel @p1 .LBB2_1-.Ltmp1, $4  }
0xde: {  	[hbm:s8], [sflag:s11] =	dma.local @!p0 [spmem:s13], $0x100  }
0xdf: {  	_ =	swait.ge @!p0 [sflag:s24], $0x100  }
0xe0: {  	[sflag:s24] =	ssyncset.done @!p0 $0x0  }
0xe1: {  	[sflag:s24] =	ssyncadd.s32 @!p0 $0xFFFFFF00  }
0xe2: {  	_ =	sfence.sel $0x180000  }
0xe3: {  	[bflag:$0x0] =	sbarrier.arrive $0xFFFF  }
0xe4: {  	_ =	strace $0x9000004A  }
0xe5: {  	s0 =	sadd.s32 @!p0 $0x100000, s0;
	[bflag:$0x2] =	sbarrier.arrive $0xFFFF  }
0xe6: {  	[sflag:s0] =	ssyncadd.tile.s32 @!p0 $0x1;
	_ =	shalt  }
.Lfunc_end2:
_tile_overlayer_lowered:
.L_overlay_start_2:
0xe7: {  	(tag) =	ssettag $0x2  }
0xe8: {  	s0 =	rddreg [dreg:$0x0];
	s2 =	stileid.u32  }
0xe9: {  	s1 =	rddreg [dreg:$0x1];
	p0 =	sne.s32 s2, $0x0  }
0xea: {  	s3 =	rddreg [dreg:$0x2];
	[bflag:$0x3] =	sbarrier.arrive $0xFFFF;
	s2 =	simm.s32 @!p0 $0x1C03  }
0xeb: {  	[timem:s3], [sflag:s2] =	dma.local @!p0 [hbm:s0], s1  }
0xec: {  	s0 =	simm.s32 @!p0 $0x3  }
0xed: {  	_ =	swait.ge @!p0 [sflag:s0], s1  }
0xee: {  	s1 =	ssub.s32 @!p0 $0x0, s1;
	[sflag:s0] =	ssyncset.done @!p0 $0x0  }
0xef: {  	[sflag:s0] =	ssyncadd.s32 @!p0 s1  }
0xf0: {  	[bflag:$0x3] =	sbarrier.arrive $0xFFFF  }
0xf1: {  	_ =	shalt  }

// kernel: kernel.14.cloned.1.call-start
scs
__scs_entry_jumppad:
0x0: {  	(pc) =	sbr.rel $0x88, $3  }
0x1: {  	(tag) =	ssettag $0x0;
	lr =	simm.s32 $0x1  }
0x2: {  	[smem:$0x3F96] =	sst lr;
	_ =	strace $0xD0000000  }
0x3: {  	_ = 	snop  }
0x4: {  	_ = 	snop  }
0x5: {  	_ = 	snop  }
0x6: {  	_ = 	snop  }
0x7: {  	_ = 	snop  }
__scs_overlays_trampoline_lowered:
0x8: {  	[smem:$0x3FA5] =	sst s0  }
0x9: {  	[smem:$0x3FA6] =	sst s1  }
0xa: {  	[smem:$0x3FA7] =	sst s2  }
0xb: {  	[smem:$0x3FA8] =	sst s3  }
0xc: {  	[smem:$0x3FA9] =	sst s4  }
0xd: {  	[smem:$0x3FAA] =	sst s5  }
0xe: {  	[smem:$0x3FAB] =	sst s6  }
0xf: {  	[smem:$0x3FAC] =	sst s7  }
0x10: {  	[smem:$0x3FAD] =	sst s8  }
0x11: {  	[smem:$0x3FAE] =	sst s9;
	s0 =	simm.s32 @!p0 $0x0  }
0x12: {  	s1 =	sld [smem:$0x3F94];
	s0 =	simm.s32 @p0 $0x1  }
0x13: {  	[smem:$0x3FAF] =	sst s0;
	s0 =	simm.s32 @!p1 $0x0  }
0x14: {  	s2 =	sld [smem:$0x3F93];
	s0 =	simm.s32 @p1 $0x1  }
0x15: {  	[smem:$0x3FB0] =	sst s0;
	s0 =	simm.s32 @!p2 $0x0  }
0x16: {  	s3 =	sld [smem:$0x3FDB];
	s0 =	simm.s32 @p2 $0x1  }
0x17: {  	s4 =	simm.s32 $0x1BF5;
	[smem:$0x3FB2] =	sst s0  }
0x18: {  	s0 =	sld [smem:$0x3F95];
	_ =	swait.ge [sflag:s4], $0x0  }
0x19: {  	s7 =	sld [smem:$0x3F96]  }
0x1a: {  	s8 =	sadd.s32 $0xFFFFE003, lr  }
0x1b: {  	s9 =	sadd.s32 $0xFFFFFEF7, lr;
	s5 =	simm.s32 $0xFFFFFFFF;
	p2 =	slt.u32 s8, $0xFFFFF086  }
0x1c: {  	p1 =	slt.u32 s9, $0xF7A;
	s5 =	simm.s32 @!p2 $0x0  }
0x1d: {  	s5 =	simm.s32 @p1 $0x1;
	p0 =	seq.s32 s7, s2  }
0x1e: {  	s7 =	smul.u32 @!p0 $0xF7A, s2;
	p2 =	seq.s32 @!p0 s5, $0x0  }
0x1f: {  	s9 =	smul.u32 $0xF7A, s1;
	s8 =	simm.s32 @!p0 $0x1BF5;
	p2 =	por !p2, p0  }
0x20: {  	[sflag:s8] =	ssyncset.s32 @!p0 $0xFFFFF086;
	s6 =	sadd.s32 @!p0 s3, s7;
	s7 =	simm.s32 @!p0 $0x108  }
0x21: {  	s3 =	sadd.s32 s3, s9;
	s6 =	sadd.s32 @!p0 $0x88, s6;
	s7 =	simm.s32 @p2 $0x1082  }
0x22: {  	[simem:s7], [sflag:s8] =	dma.local @!p0 [hbm:s6], $0xF7A  }
0x23: {  	s9 =	sor.u32 $0xD0000000, s2;
	s6 =	simm.s32 $0x108;
	_ =	swait.ge @!p0 [sflag:s8], $0x0  }
0x24: {  	s3 =	sadd.s32 $0x88, s3;
	s6 =	simm.s32 @!p1 $0x1082;
	[sflag:s4] =	ssyncset.s32 $0xFFFFF086  }
0x25: {  	[simem:s6], [sflag:s4] =	dma.local [hbm:s3], $0xF7A  }
0x26: {  	[smem:$0x3F96] =	sst s1;
	(tag) =	ssettag s2;
	_ =	strace s9  }
0x27: {  	s1 =	sld [smem:$0x3FA6]  }
0x28: {  	s2 =	sld [smem:$0x3FA7]  }
0x29: {  	s4 =	sld [smem:$0x3FA9]  }
0x2a: {  	p0 =	seq.s32 s5, $0x0;
	s5 =	sld [smem:$0x3FAA]  }
0x2b: {  	s6 =	sld [smem:$0x3FAB]  }
0x2c: {  	s7 =	sld [smem:$0x3FAC]  }
0x2d: {  	s3 =	simm.s32 $0x108;
	s8 =	sld [smem:$0x3FAD]  }
0x2e: {  	s3 =	simm.s32 @!p0 $0x1082;
	s9 =	sld [smem:$0x3FAE]  }
0x2f: {  	lr =	sadd.s32 s0, s3;
	s0 =	sld [smem:$0x3FA5]  }
0x30: {  	s3 =	sld [smem:$0x3FA8]  }
0x31: {  	[smem:$0x3FB1] =	sst s10  }
0x32: {  	s10 =	sld [smem:$0x3FAF];
	_ =	sdelay $0x3  }
0x33: {  	p0 =	seq.s32 s10, $0x1;
	s10 =	sld [smem:$0x3FB1];
	_ =	sdelay $0x3  }
0x34: {  	[smem:$0x3FB1] =	sst s10  }
0x35: {  	s10 =	sld [smem:$0x3FB0];
	_ =	sdelay $0x3  }
0x36: {  	p1 =	seq.s32 s10, $0x1;
	s10 =	sld [smem:$0x3FB1];
	_ =	sdelay $0x3  }
0x37: {  	[smem:$0x3FB1] =	sst s10  }
0x38: {  	s10 =	sld [smem:$0x3FB2]  }
0x39: {  	_ = 	snop;
	(pc) =	sbr.ind lr, $3  }
0x3a: {  	_ = 	snop  }
0x3b: {  	_ = 	snop  }
0x3c: {  	p2 =	seq.s32 s10, $0x1;
	s10 =	sld [smem:$0x3FB1]  }
0x3d: {  	_ =	shalt  }
0x3e: {  	_ =	shalt  }
0x3f: {  	_ =	shalt  }
0x40: {  	_ =	shalt  }
0x41: {  	_ =	shalt  }
0x42: {  	_ =	shalt  }
0x43: {  	_ =	shalt  }
0x44: {  	_ =	shalt  }
0x45: {  	_ =	shalt  }
0x46: {  	_ =	shalt  }
0x47: {  	_ =	shalt  }
0x48: {  	_ =	shalt  }
0x49: {  	_ =	shalt  }
0x4a: {  	_ =	shalt  }
0x4b: {  	_ =	shalt  }
0x4c: {  	_ =	shalt  }
0x4d: {  	_ =	shalt  }
0x4e: {  	_ =	shalt  }
0x4f: {  	_ =	shalt  }
0x50: {  	_ =	shalt  }
0x51: {  	_ =	shalt  }
0x52: {  	_ =	shalt  }
0x53: {  	_ =	shalt  }
0x54: {  	_ =	shalt  }
0x55: {  	_ =	shalt  }
0x56: {  	_ =	shalt  }
0x57: {  	_ =	shalt  }
0x58: {  	_ =	shalt  }
0x59: {  	_ =	shalt  }
0x5a: {  	_ =	shalt  }
0x5b: {  	_ =	shalt  }
0x5c: {  	_ =	shalt  }
0x5d: {  	_ =	shalt  }
0x5e: {  	_ =	shalt  }
0x5f: {  	_ =	shalt  }
0x60: {  	_ =	shalt  }
0x61: {  	_ =	shalt  }
0x62: {  	_ =	shalt  }
0x63: {  	_ =	shalt  }
0x64: {  	_ =	shalt  }
0x65: {  	_ =	shalt  }
0x66: {  	_ =	shalt  }
0x67: {  	_ =	shalt  }
0x68: {  	_ =	shalt  }
0x69: {  	_ =	shalt  }
0x6a: {  	_ =	shalt  }
0x6b: {  	_ =	shalt  }
0x6c: {  	_ =	shalt  }
0x6d: {  	_ =	shalt  }
0x6e: {  	_ =	shalt  }
0x6f: {  	_ =	shalt  }
0x70: {  	_ =	shalt  }
0x71: {  	_ =	shalt  }
0x72: {  	_ =	shalt  }
0x73: {  	_ =	shalt  }
0x74: {  	_ =	shalt  }
0x75: {  	_ =	shalt  }
0x76: {  	_ =	shalt  }
0x77: {  	_ =	shalt  }
0x78: {  	_ =	shalt  }
0x79: {  	_ =	shalt  }
0x7a: {  	_ =	shalt  }
0x7b: {  	_ =	shalt  }
0x7c: {  	_ =	shalt  }
0x7d: {  	_ =	shalt  }
0x7e: {  	_ =	shalt  }
0x7f: {  	_ =	shalt  }
0x80: {  	_ =	shalt  }
0x81: {  	_ =	shalt  }
0x82: {  	_ =	shalt  }
0x83: {  	_ =	shalt  }
0x84: {  	_ =	shalt  }
0x85: {  	_ =	shalt  }
0x86: {  	_ =	shalt  }
0x87: {  	_ =	shalt  }
.Lfunc_end0:
.L_simem_size_0:
called_computation.2_lowered:
.L_overlay_start_0:
0x88: {  	s2 =	sld [smem:$0x3FD9]  }
0x89: {  	s3 =	sld [smem:$0x3FFE];
	_ =	sdelay $0x1  }
0x8a: {  	s1 =	srdreg.scid  }
0x8b: {  	s0 =	sand.u32 $0x1, s1  }
0x8c: {  	s16 =	sshll.u32 s0, $0xA;
	s2 =	sadd.s32 s3, s2  }
0x8d: {  	s2 =	sadd.s32 s2, s16  }
0x8e: {  	[smem:$0x3FBD] =	sst s2  }
0x8f: {  	_ = 	snop  }
0x90: {  	(tm) =	ssettm $0x1  }
0x91: {  	s17 =	sld [smem:$0x3FFB];
	_ =	sdelay $0x3  }
0x92: {  	_ =	strace s17  }
0x93: {  	s2 =	sld [smem:$0x3FFC];
	_ =	sdelay $0x3  }
0x94: {  	_ =	strace s2  }
0x95: {  	s2 =	sld [smem:$0x3FFD];
	_ =	sdelay $0x3  }
0x96: {  	_ =	strace s2  }
0x97: {  	_ =	strace $0x8FFFFFFF  }
0x98: {  	s18 =	sld [smem:$0x3FDB];
	_ =	sdelay $0x1  }
0x99: {  	s19 =	simm.s32 $_scs_section_size  }
0x9a: {  	s4 =	simm.s32 $_size__tile_overlayer_lowered;
	s5 =	simm.s32 $_tile_overlayer_lowered  }
0x9b: {  	s22 =	simm.s32 $0x1BFF;
	s21 =	sshll.u32 s5, $0x1;
	s2 =	sadd.s32 s19, s18  }
0x9c: {  	s6 =	simm.s32 $0x0;
	s20 =	sshll.u32 s4, $0x1;
	s4 =	sadd.s32 s21, s2  }
0x9d: {  	[timem:s6], [sflag:s22] =	dma.local [hbm:s4], s20  }
0x9e: {  	_ =	swait.ge [sflag:s22], s20  }
0x9f: {  	s3 =	ssub.s32 $0x0, s20;
	[sflag:s22] =	ssyncset.done $0x0  }
0xa0: {  	[sflag:s22] =	ssyncadd.s32 s3;
	_ =	sdelay $0x1  }
0xa1: {  	s23 =	simm.s32 $0x1B8B  }
0xa2: {  	_ =	swait.ge [sflag:s23], $0x1  }
0xa3: {  	[sflag:s23] =	ssyncset.done $0x0  }
0xa4: {  	s25 =	simm.s32 $0x1B8E;
	s24 =	sld [smem:$0x3FFE];
	[sflag:s23] =	ssyncadd.s32 $0xFFFFFFFF  }
0xa5: {  	s26 =	simm.s32 $execute0_lowered;
	[smem:$0x3FD2] =	sst s25  }
0xa6: {  	s4 =	sshll.u32 s26, $0x1;
	_ =	strace $0x8000004C;
	[dreg:$0x1] =	wrdreg $0xFFFFFFFF  }
0xa7: {  	s28 =	simm.s32 $_size_execute0_lowered;
	s2 =	sadd.s32 s2, s4;
	[dreg:$0x0] =	wrdreg $0x0  }
0xa8: {  	s4 =	sshll.u32 s28, $0x1;
	[dreg:$0x2] =	wrdreg s2  }
0xa9: {  	[dreg:$0x3] =	wrdreg s4  }
0xaa: {  	[dreg:$0x4] =	wrdreg $0xC0  }
0xab: {  	_ =	task [dreg:s6], $0x5FFFF  }
0xac: {  	[dreg:$0x1] =	wrdreg $0xFFFFFFFF  }
0xad: {  	[dreg:$0x0] =	wrdreg $0x60  }
0xae: {  	[dreg:$0x2] =	wrdreg s24  }
0xaf: {  	[dreg:$0x3] =	wrdreg $0xAA000  }
0xb0: {  	[dreg:$0x4] =	wrdreg $0x9  }
0xb1: {  	_ =	task.clear_ibuf [dreg:s6], $0x5FFFF;
	_ =	strace $0x9000004C  }
0xb2: {  	s29 =	simm.s32 $0x9;
	_ =	strace $0x8000004E  }
0xb3: {  	_ =	swait.ge [sflag:s29], $0x1  }
0xb4: {  	[sflag:s29] =	ssyncadd.s32 $0xFFFFFFFF  }
0xb5: {  	_ =	strace $0x9000004E  }
0xb6: {  	_ =	sfence  }
0xb7: {  	s30 =	sld [smem:$0x0];
	_ =	sdelay $0x2  }
0xb8: {  	s31 =	sshll.u32 s1, $0xD;
	s1 =	sshrl.u32 s1, $0x2  }
0xb9: {  	s3 =	sand.u32 $0x4000, s31;
	s1 =	sadd.s32 s1, s30  }
0xba: {  	s0 =	sor.u32 s3, s0;
	s1 =	sshll.u32 s1, $0x11  }
0xbb: {  	s0 =	sor.u32 s1, s0  }
0xbc: {  	s0 =	sadd.s32 $0x8F2B, s0  }
0xbd: {  	[sflag:s0] =	ssyncadd.remote.s32 $0x1  }
0xbe: {  	_ =	sfence.sel $0xFFFF  }
0xbf: {  	[dreg:$0x0] =	wrdreg $0xFFFFFFFF;
	(pc) =	sbr.abs _section_cstart, $3  }
0xc0: {  	[dreg:$0x1] =	wrdreg $0xFFFFFFFF  }
0xc1: {  	_ =	task.clear_ibuf [dreg:s6], $0x2FFFF;
	_ =	strace $0x9FFFFFFF  }
0xc2: {  	(tm) =	ssettm $0x7FFFFFFF  }
0xc3: {  	_ =	shalt  }
tec
execute0_lowered:
.L_overlay_start_1:
0x0: {  	(tag) =	ssettag $0x1  }
0x1: {  	s0 =	srdreg.scid;
	s6 =	rddreg [dreg:$0x0]  }
0x2: {  	s10 =	stileid.u32;
	s1 =	rddreg [dreg:$0x1]  }
0x3: {  	s2 =	simm.s32 $0x0;
	s16 =	simm.s32 $0x2A00;
	s17 =	simm.s32 $0x1  }
0x4: {  	s18 =	simm.s32 $0x2900;
	s19 =	simm.s32 $0x6A00;
	s20 =	simm.s32 $0x2880  }
0x5: {  	s21 =	simm.s32 $0x2;
	s22 =	simm.s32 $0x2980;
	s23 =	simm.s32 $0x0  }
0x6: {  	s4 =	sand.u32 $0x1, s0;
	[smem:$0x7FF] =	sst s2;
	s7 =	smul.u32 $0x13800, s10  }
0x7: {  	s11 =	smul.u32 $0x4E000, s10;
	s12 =	sadd.s32 $0xD0E00, s6;
	s15 =	sadd.s32 $0x138000, s1  }
0x8: {  	s31 =	sshll.u32 s10, $0x6;
	p0 =	sne.s32 s10, $0x0;
	s0 =	sshll.u32 s4, $0x4  }
0x9: {  	s9 =	ssub.s32 $0x2, s4;
	s14 =	smul.u32 $0x138800, s4;
	s3 =	sor.u32 s10, s0  }
0xa: {  	s0 =	rddreg [dreg:$0x2];
	_ =	strace $0x8000004D;
	s8 =	sshrl.u32 s7, $0x3  }
0xb: {  	s13 =	sshrl.u32 s9, $0x1;
	s28 =	sshrl.u32 s11, $0x2;
	s10 =	simm.s32 $0x3  }
0xc: {  	s11 =	sor.u32 $0x1C03, s31;
	s5 =	smul.u32 $0x500, s3;
	s3 =	sadd.s32 $0x34A00, s6  }
0xd: {  	s8 =	sadd.s32 s8, s6;
	s9 =	ssub.s32 s9, s13;
	s29 =	sadd.s32 s28, s1  }
0xe: {  	s7 =	sadd.s32 s7, s14;
	s30 =	sshrl.u32 s14, $0x3;
	s13 =	sshrl.u32 @!p0 s15, $0x3  }
0xf: {  	s14 =	simm.s32 $0x80;
	s15 =	simm.s32 $0x2800;
	s7 =	sshrl.u32 s7, $0x3  }
0x10: {  	s9 =	smax.u32 s9, $0x1;
	s5 =	sadd.s32 s5, s6;
	s6 =	sadd.s32 $0x34000, s6  }
0x11: {  	s4 =	sadd.s32 $0x3000, s5;
	s5 =	sadd.s32 $0xD000, s8;
	s8 =	sadd.s32 s12, s30  }
0x12: {  	s7 =	sadd.s32 s12, s7;
	s12 =	sshrl.u32 s29, $0x3;
	s8 =	sadd.s32 $0x27000, s8  }
.LBB2_1:
0x13: {  	[tilespmem:s2], [sflag:$0x3] =	stream.linear.gather [hbm4b:s4+s2], $0x2800, $0x38;
	[tilespmem:$0x1E2C0] =	vst v63  }
0x14: {  	_ =	swait.ge [sflag:s10], $0x2800  }
0x15: {  	[sflag:s10] =	ssyncset.done $0x0  }
0x16: {  	[sflag:s10] =	ssyncadd.s32 $0xFFFFD800  }
0x17: {  	[spmem:s12], [sflag:s11] =	dma.local [hbm:s5], $0x2700  }
0x18: {  	_ =	swait.ge [sflag:s10], $0x2700  }
0x19: {  	[sflag:s10] =	ssyncset.done $0x0  }
0x1a: {  	s24 =	simm.s32 @!p0 $0x3;
	[sflag:s10] =	ssyncadd.s32 $0xFFFFD900  }
0x1b: {  	[spmem:s13], [sflag:s11] =	dma.local @!p0 [hbm:s6], $0x100  }
0x1c: {  	_ =	swait.ge @!p0 [sflag:s24], $0x100  }
0x1d: {  	[sflag:s24] =	ssyncset.done @!p0 $0x0  }
0x1e: {  	[sflag:s24] =	ssyncadd.s32 @!p0 $0xFFFFFF00  }
0x1f: {  	[bflag:$0x0] =	sbarrier.arrive $0xFFFF  }
0x20: {  	v0 =	vld [tilespmem:$0x0];
	_ =	sdelay $0x1  }
0x21: {  	v1 =	vld [tilespmem:$0x10];
	_ =	sdelay $0x1  }
0x22: {  	v2 =	vld [tilespmem:$0x20]  }
0x23: {  	v3 =	vand.u32 $0xFFFF, v0  }
0x24: {  	v0 =	vshrl.u32 v0, $0x10;
	[tilespmem:$0x2800] =	vst v3;
	v3 =	vld [tilespmem:$0x30]  }
0x25: {  	[tilespmem:$0x2880] =	vst v0;
	v0 =	vand.u32 $0xFFFF, v1  }
0x26: {  	[tilespmem:$0x2810] =	vst v0;
	v0 =	vshrl.u32 v1, $0x10;
	v1 =	vld [tilespmem:$0x40]  }
0x27: {  	[tilespmem:$0x2890] =	vst v0;
	v0 =	vand.u32 $0xFFFF, v2  }
0x28: {  	[tilespmem:$0x2820] =	vst v0;
	v0 =	vshrl.u32 v2, $0x10;
	v2 =	vld [tilespmem:$0x50]  }
0x29: {  	[tilespmem:$0x28A0] =	vst v0;
	v0 =	vand.u32 $0xFFFF, v3  }
0x2a: {  	[tilespmem:$0x2830] =	vst v0;
	v0 =	vshrl.u32 v3, $0x10;
	v3 =	vld [tilespmem:$0x60]  }
0x2b: {  	[tilespmem:$0x28B0] =	vst v0;
	v0 =	vand.u32 $0xFFFF, v1  }
0x2c: {  	[tilespmem:$0x2840] =	vst v0;
	v0 =	vshrl.u32 v1, $0x10;
	v1 =	vld [tilespmem:$0x70]  }
0x2d: {  	[tilespmem:$0x28C0] =	vst v0;
	v0 =	vand.u32 $0xFFFF, v2  }
0x2e: {  	[tilespmem:$0x2850] =	vst v0;
	v0 =	vshrl.u32 v2, $0x10  }
0x2f: {  	[tilespmem:$0x28D0] =	vst v0;
	v0 =	vand.u32 $0xFFFF, v3  }
0x30: {  	[tilespmem:$0x2860] =	vst v0;
	v0 =	vshrl.u32 v3, $0x10  }
0x31: {  	[tilespmem:$0x28E0] =	vst v0;
	v0 =	vand.u32 $0xFFFF, v1  }
0x32: {  	[tilespmem:$0x2870] =	vst v0;
	v0 =	vshrl.u32 v1, $0x10  }
0x33: {  	s31 =	simm.s32 $0x0;
	[tilespmem:$0x28F0] =	vst v0  }
0x34: {  	[tilespmem:s16], [sflag:$0x1] =	stream.indirect.gather [hbm4b:s3+s14], $0x80, s15, s14, $0xb8;
	[tilespmem:$0x1E2C0] =	vst v63  }
0x35: {  	v0 =	vld [tilespmem:s31+$0x80];
	_ =	sdelay $0x4  }
0x36: {  	v1 =	vand.u32 $0xFFFF, v0  }
0x37: {  	v0 =	vshrl.u32 v0, $0x10;
	[tilespmem:$0x2900] =	vst v1  }
0x38: {  	[tilespmem:$0x2980] =	vst v0  }
0x39: {  	v0 =	vld [tilespmem:s31+$0x90];
	_ =	sdelay $0x4  }
0x3a: {  	v1 =	vand.u32 $0xFFFF, v0  }
0x3b: {  	v0 =	vshrl.u32 v0, $0x10;
	[tilespmem:$0x2910] =	vst v1  }
0x3c: {  	[tilespmem:$0x2990] =	vst v0  }
0x3d: {  	v0 =	vld [tilespmem:s31+$0xA0];
	_ =	sdelay $0x4  }
0x3e: {  	v1 =	vand.u32 $0xFFFF, v0  }
0x3f: {  	v0 =	vshrl.u32 v0, $0x10;
	[tilespmem:$0x2920] =	vst v1  }
0x40: {  	[tilespmem:$0x29A0] =	vst v0  }
0x41: {  	v0 =	vld [tilespmem:s31+$0xB0];
	_ =	sdelay $0x4  }
0x42: {  	v1 =	vand.u32 $0xFFFF, v0  }
0x43: {  	v0 =	vshrl.u32 v0, $0x10;
	[tilespmem:$0x2930] =	vst v1  }
0x44: {  	[tilespmem:$0x29B0] =	vst v0  }
0x45: {  	v0 =	vld [tilespmem:s31+$0xC0];
	_ =	sdelay $0x4  }
0x46: {  	v1 =	vand.u32 $0xFFFF, v0  }
0x47: {  	v0 =	vshrl.u32 v0, $0x10;
	[tilespmem:$0x2940] =	vst v1  }
0x48: {  	[tilespmem:$0x29C0] =	vst v0  }
0x49: {  	v0 =	vld [tilespmem:s31+$0xD0];
	_ =	sdelay $0x4  }
0x4a: {  	v1 =	vand.u32 $0xFFFF, v0  }
0x4b: {  	v0 =	vshrl.u32 v0, $0x10;
	[tilespmem:$0x2950] =	vst v1  }
0x4c: {  	[tilespmem:$0x29D0] =	vst v0  }
0x4d: {  	v0 =	vld [tilespmem:s31+$0xE0];
	_ =	sdelay $0x4  }
0x4e: {  	v1 =	vand.u32 $0xFFFF, v0  }
0x4f: {  	v0 =	vshrl.u32 v0, $0x10;
	[tilespmem:$0x2960] =	vst v1  }
0x50: {  	[tilespmem:$0x29E0] =	vst v0  }
0x51: {  	v0 =	vld [tilespmem:s31+$0xF0];
	_ =	sdelay $0x4  }
0x52: {  	v1 =	vand.u32 $0xFFFF, v0  }
0x53: {  	v0 =	vshrl.u32 v0, $0x10;
	[tilespmem:$0x2970] =	vst v1  }
0x54: {  	[tilespmem:$0x29F0] =	vst v0  }
0x55: {  	_ =	swait.ge [sflag:s17], $0x4000  }
0x56: {  	[sflag:s17] =	ssyncset.done $0x0  }
0x57: {  	[sflag:s17] =	ssyncadd.s32 $0xFFFFC000  }
0x58: {  	[tilespmem:s19], [sflag:$0x2] =	stream.indirect.gather [hbm4b:s3+s14], $0x80, s18, s14, $0xb8;
	[tilespmem:$0x1E2C0] =	vst v63  }
0x59: {  	_ = 	snop  }
0x5a: {  	[spmem:s1] =	stream.indirect.scatter.add.f32 [tilespmem:s16], [sflag:$0x3], $0x80, s20, s14, $0xb8;
	[tilespmem:$0x1E2C0] =	vst v63  }
0x5b: {  	_ =	swait.ge [sflag:s10], $0x4000  }
0x5c: {  	p2 =	por $0x0, $0x0;
	[sflag:s10] =	ssyncset.done $0x0  }
0x5d: {  	s25 =	simm.s32 @!p2 $0x0;
	[sflag:s10] =	ssyncadd.s32 $0xFFFFC000  }
0x5e: {  	v0 =	vld @!p2 [tilespmem:s25+$0x100];
	_ =	sdelay $0x4  }
0x5f: {  	v1 =	vand.u32 @!p2 $0xFFFF, v0  }
0x60: {  	v0 =	vshrl.u32 @!p2 v0, $0x10;
	[tilespmem:$0x2800] =	vst @!p2 v1  }
0x61: {  	[tilespmem:$0x2880] =	vst @!p2 v0  }
0x62: {  	v0 =	vld @!p2 [tilespmem:s25+$0x110];
	_ =	sdelay $0x4  }
0x63: {  	v1 =	vand.u32 @!p2 $0xFFFF, v0  }
0x64: {  	v0 =	vshrl.u32 @!p2 v0, $0x10;
	[tilespmem:$0x2810] =	vst @!p2 v1  }
0x65: {  	[tilespmem:$0x2890] =	vst @!p2 v0  }
0x66: {  	v0 =	vld @!p2 [tilespmem:s25+$0x120];
	_ =	sdelay $0x4  }
0x67: {  	v1 =	vand.u32 @!p2 $0xFFFF, v0  }
0x68: {  	v0 =	vshrl.u32 @!p2 v0, $0x10;
	[tilespmem:$0x2820] =	vst @!p2 v1  }
0x69: {  	[tilespmem:$0x28A0] =	vst @!p2 v0  }
0x6a: {  	v0 =	vld @!p2 [tilespmem:s25+$0x130];
	_ =	sdelay $0x4  }
0x6b: {  	v1 =	vand.u32 @!p2 $0xFFFF, v0  }
0x6c: {  	v0 =	vshrl.u32 @!p2 v0, $0x10;
	[tilespmem:$0x2830] =	vst @!p2 v1  }
0x6d: {  	[tilespmem:$0x28B0] =	vst @!p2 v0  }
0x6e: {  	v0 =	vld @!p2 [tilespmem:s25+$0x140];
	_ =	sdelay $0x4  }
0x6f: {  	v1 =	vand.u32 @!p2 $0xFFFF, v0  }
0x70: {  	v0 =	vshrl.u32 @!p2 v0, $0x10;
	[tilespmem:$0x2840] =	vst @!p2 v1  }
0x71: {  	[tilespmem:$0x28C0] =	vst @!p2 v0  }
0x72: {  	v0 =	vld @!p2 [tilespmem:s25+$0x150];
	_ =	sdelay $0x4  }
0x73: {  	v1 =	vand.u32 @!p2 $0xFFFF, v0  }
0x74: {  	v0 =	vshrl.u32 @!p2 v0, $0x10;
	[tilespmem:$0x2850] =	vst @!p2 v1  }
0x75: {  	[tilespmem:$0x28D0] =	vst @!p2 v0  }
0x76: {  	v0 =	vld @!p2 [tilespmem:s25+$0x160];
	_ =	sdelay $0x4  }
0x77: {  	s28 =	simm.s32 @!p2 $0x80;
	v1 =	vand.u32 @!p2 $0xFFFF, v0  }
0x78: {  	s29 =	simm.s32 @!p2 $0x2800;
	s30 =	simm.s32 @!p2 $0x2A00;
	s24 =	simm.s32 $0x400;
	v0 =	vshrl.u32 @!p2 v0, $0x10;
	[tilespmem:$0x2860] =	vst @!p2 v1  }
.LBB2_2:
0x79: {  	[tilespmem:$0x28E0] =	vst @!p2 v0;
	s26 =	smov.u32 s24;
	s24 =	sadd.s32 $0x400, s24  }
0x7a: {  	p1 =	sne.s32 s24, $0xA000;
	v0 =	vld @!p2 [tilespmem:s25+$0x170];
	_ =	sdelay $0x4  }
0x7b: {  	v1 =	vand.u32 @!p2 $0xFFFF, v0;
	v0 =	vshrl.u32 @!p2 v0, $0x10  }
0x7c: {  	[tilespmem:$0x2870] =	vst @!p2 v1  }
0x7d: {  	[tilespmem:$0x28F0] =	vst @!p2 v0  }
0x7e: {  	[tilespmem:s30], [sflag:$0x1] =	stream.indirect.gather @!p2 [hbm4b:s3+s28], $0x80, s29, s28, $0xb8;
	[tilespmem:$0x1E2C0] =	vst v63  }
0x7f: {  	_ =	swait.ge [sflag:s21], $0x4000  }
0x80: {  	[sflag:s21] =	ssyncset.done $0x0  }
0x81: {  	[sflag:s21] =	ssyncadd.s32 $0xFFFFC000  }
0x82: {  	[spmem:s1] =	stream.indirect.scatter.add.f32 [tilespmem:s19], [sflag:$0x3], $0x80, s22, s14, $0xb8;
	[tilespmem:$0x1E2C0] =	vst v63  }
0x83: {  	_ =	swait.ge [sflag:s10], $0x4000  }
0x84: {  	[sflag:s10] =	ssyncset.done $0x0  }
0x85: {  	s25 =	sshra.s32 s26, $0x2;
	[sflag:s10] =	ssyncadd.s32 $0xFFFFC000  }
0x86: {  	v0 =	vld [tilespmem:s25+$0x80];
	_ =	sdelay $0x4  }
0x87: {  	v1 =	vand.u32 $0xFFFF, v0;
	v0 =	vshrl.u32 v0, $0x10  }
0x88: {  	[tilespmem:$0x2900] =	vst v1  }
0x89: {  	[tilespmem:$0x2980] =	vst v0  }
0x8a: {  	v0 =	vld [tilespmem:s25+$0x90];
	_ =	sdelay $0x4  }
0x8b: {  	v1 =	vand.u32 $0xFFFF, v0;
	v0 =	vshrl.u32 v0, $0x10  }
0x8c: {  	[tilespmem:$0x2910] =	vst v1  }
0x8d: {  	[tilespmem:$0x2990] =	vst v0  }
0x8e: {  	v0 =	vld [tilespmem:s25+$0xA0];
	_ =	sdelay $0x4  }
0x8f: {  	v1 =	vand.u32 $0xFFFF, v0;
	v0 =	vshrl.u32 v0, $0x10  }
0x90: {  	[tilespmem:$0x2920] =	vst v1  }
0x91: {  	[tilespmem:$0x29A0] =	vst v0  }
0x92: {  	v0 =	vld [tilespmem:s25+$0xB0];
	_ =	sdelay $0x4  }
0x93: {  	v1 =	vand.u32 $0xFFFF, v0;
	v0 =	vshrl.u32 v0, $0x10  }
0x94: {  	[tilespmem:$0x2930] =	vst v1  }
0x95: {  	[tilespmem:$0x29B0] =	vst v0  }
0x96: {  	v0 =	vld [tilespmem:s25+$0xC0];
	_ =	sdelay $0x4  }
0x97: {  	v1 =	vand.u32 $0xFFFF, v0;
	v0 =	vshrl.u32 v0, $0x10  }
0x98: {  	[tilespmem:$0x2940] =	vst v1  }
0x99: {  	[tilespmem:$0x29C0] =	vst v0  }
0x9a: {  	v0 =	vld [tilespmem:s25+$0xD0];
	_ =	sdelay $0x4  }
0x9b: {  	v1 =	vand.u32 $0xFFFF, v0;
	v0 =	vshrl.u32 v0, $0x10  }
0x9c: {  	[tilespmem:$0x2950] =	vst v1  }
0x9d: {  	[tilespmem:$0x29D0] =	vst v0  }
0x9e: {  	v0 =	vld [tilespmem:s25+$0xE0];
	_ =	sdelay $0x4  }
0x9f: {  	v1 =	vand.u32 $0xFFFF, v0;
	v0 =	vshrl.u32 v0, $0x10  }
0xa0: {  	[tilespmem:$0x2960] =	vst v1  }
0xa1: {  	[tilespmem:$0x29E0] =	vst v0  }
0xa2: {  	v0 =	vld [tilespmem:s25+$0xF0];
	_ =	sdelay $0x4  }
0xa3: {  	v1 =	vand.u32 $0xFFFF, v0;
	v0 =	vshrl.u32 v0, $0x10  }
0xa4: {  	[tilespmem:$0x2970] =	vst v1  }
0xa5: {  	p2 =	seq.s32 s26, $0x9C00;
	[tilespmem:$0x29F0] =	vst v0  }
0xa6: {  	s25 =	sshra.s32 @!p2 s26, $0x2;
	_ =	swait.ge [sflag:s17], $0x4000  }
0xa7: {  	[sflag:s17] =	ssyncset.done $0x0  }
0xa8: {  	[sflag:s17] =	ssyncadd.s32 $0xFFFFC000  }
0xa9: {  	[tilespmem:s19], [sflag:$0x2] =	stream.indirect.gather [hbm4b:s3+s14], $0x80, s18, s14, $0xb8;
	[tilespmem:$0x1E2C0] =	vst v63  }
0xaa: {  	_ = 	snop  }
0xab: {  	[spmem:s1] =	stream.indirect.scatter.add.f32 [tilespmem:s16], [sflag:$0x3], $0x80, s20, s14, $0xb8;
	[tilespmem:$0x1E2C0] =	vst v63  }
0xac: {  	_ =	swait.ge [sflag:s10], $0x4000  }
0xad: {  	[sflag:s10] =	ssyncset.done $0x0  }
0xae: {  	[sflag:s10] =	ssyncadd.s32 $0xFFFFC000  }
0xaf: {  	v0 =	vld @!p2 [tilespmem:s25+$0x100];
	_ =	sdelay $0x4  }
0xb0: {  	v1 =	vand.u32 @!p2 $0xFFFF, v0;
	v0 =	vshrl.u32 @!p2 v0, $0x10  }
0xb1: {  	[tilespmem:$0x2800] =	vst @!p2 v1  }
0xb2: {  	[tilespmem:$0x2880] =	vst @!p2 v0  }
0xb3: {  	v0 =	vld @!p2 [tilespmem:s25+$0x110];
	_ =	sdelay $0x4  }
0xb4: {  	v1 =	vand.u32 @!p2 $0xFFFF, v0;
	v0 =	vshrl.u32 @!p2 v0, $0x10  }
0xb5: {  	[tilespmem:$0x2810] =	vst @!p2 v1  }
0xb6: {  	[tilespmem:$0x2890] =	vst @!p2 v0  }
0xb7: {  	v0 =	vld @!p2 [tilespmem:s25+$0x120];
	_ =	sdelay $0x4  }
0xb8: {  	v1 =	vand.u32 @!p2 $0xFFFF, v0;
	v0 =	vshrl.u32 @!p2 v0, $0x10  }
0xb9: {  	[tilespmem:$0x2820] =	vst @!p2 v1  }
0xba: {  	[tilespmem:$0x28A0] =	vst @!p2 v0  }
0xbb: {  	v0 =	vld @!p2 [tilespmem:s25+$0x130];
	_ =	sdelay $0x4  }
0xbc: {  	v1 =	vand.u32 @!p2 $0xFFFF, v0;
	v0 =	vshrl.u32 @!p2 v0, $0x10  }
0xbd: {  	[tilespmem:$0x2830] =	vst @!p2 v1  }
0xbe: {  	[tilespmem:$0x28B0] =	vst @!p2 v0  }
0xbf: {  	v0 =	vld @!p2 [tilespmem:s25+$0x140];
	_ =	sdelay $0x4  }
0xc0: {  	v1 =	vand.u32 @!p2 $0xFFFF, v0;
	v0 =	vshrl.u32 @!p2 v0, $0x10  }
0xc1: {  	[tilespmem:$0x2840] =	vst @!p2 v1  }
0xc2: {  	[tilespmem:$0x28C0] =	vst @!p2 v0  }
0xc3: {  	v0 =	vld @!p2 [tilespmem:s25+$0x150];
	_ =	sdelay $0x4  }
0xc4: {  	v1 =	vand.u32 @!p2 $0xFFFF, v0;
	v0 =	vshrl.u32 @!p2 v0, $0x10  }
0xc5: {  	[tilespmem:$0x2850] =	vst @!p2 v1  }
0xc6: {  	s28 =	simm.s32 @!p2 $0x80;
	s29 =	simm.s32 @!p2 $0x2800;
	s30 =	simm.s32 @!p2 $0x2A00;
	[tilespmem:$0x28D0] =	vst @!p2 v0  }
0xc7: {  	v0 =	vld @!p2 [tilespmem:s25+$0x160];
	_ =	sdelay $0x1  }
.Ltmp0:
0xc8: {  	(pc) =	sbr.rel @p1 .LBB2_2-.Ltmp0, $3  }
0xc9: {  	_ =	sdelay $0x1  }
0xca: {  	v1 =	vand.u32 @!p2 $0xFFFF, v0;
	v0 =	vshrl.u32 @!p2 v0, $0x10  }
0xcb: {  	[tilespmem:$0x2860] =	vst @!p2 v1  }
0xcc: {  	[tilespmem:$0x28E0] =	vst @!p2 v0  }
0xcd: {  	v0 =	vld @!p2 [tilespmem:s25+$0x170];
	_ =	sdelay $0x4  }
0xce: {  	v1 =	vand.u32 @!p2 $0xFFFF, v0  }
0xcf: {  	v0 =	vshrl.u32 @!p2 v0, $0x10;
	[tilespmem:$0x2870] =	vst @!p2 v1  }
0xd0: {  	[tilespmem:$0x28F0] =	vst @!p2 v0  }
0xd1: {  	[tilespmem:s30], [sflag:$0x1] =	stream.indirect.gather @!p2 [hbm4b:s3+s28], $0x80, s29, s28, $0xb8;
	[tilespmem:$0x1E2C0] =	vst v63  }
0xd2: {  	_ =	swait.ge [sflag:s21], $0x4000  }
0xd3: {  	[sflag:s21] =	ssyncset.done $0x0  }
0xd4: {  	[sflag:s21] =	ssyncadd.s32 $0xFFFFC000  }
0xd5: {  	[spmem:s1] =	stream.indirect.scatter.add.f32 [tilespmem:s19], [sflag:$0x3], $0x80, s22, s14, $0xb8;
	[tilespmem:$0x1E2C0] =	vst v63  }
0xd6: {  	_ =	swait.ge [sflag:s10], $0x4000  }
0xd7: {  	[sflag:s10] =	ssyncset.done $0x0  }
0xd8: {  	[sflag:s10] =	ssyncadd.s32 $0xFFFFC000  }
0xd9: {  	[bflag:$0x0] =	sbarrier.arrive $0xFFFF  }
0xda: {  	[hbm:s7], [sflag:s11] =	dma.local [spmem:s12], $0x2700  }
0xdb: {  	s23 =	sadd.s32 $0x1, s23;
	_ =	swait.ge [sflag:s10], $0x2700  }
0xdc: {  	p1 =	sne.s32 s23, s9;
	[sflag:s10] =	ssyncset.done $0x0  }
.Ltmp1:
0xdd: {  	s24 =	simm.s32 @!p0 $0x3;
	[sflag:s10] =	ssyncadd.s32 $0xFFFFD900;
	(pc) =	sbr.rel @p1 .LBB2_1-.Ltmp1, $4  }
0xde: {  	[hbm:s8], [sflag:s11] =	dma.local @!p0 [spmem:s13], $0x100  }
0xdf: {  	_ =	swait.ge @!p0 [sflag:s24], $0x100  }
0xe0: {  	[sflag:s24] =	ssyncset.done @!p0 $0x0  }
0xe1: {  	[sflag:s24] =	ssyncadd.s32 @!p0 $0xFFFFFF00  }
0xe2: {  	_ =	sfence.sel $0x180000  }
0xe3: {  	[bflag:$0x0] =	sbarrier.arrive $0xFFFF  }
0xe4: {  	_ =	strace $0x9000004D  }
0xe5: {  	s0 =	sadd.s32 @!p0 $0x100000, s0;
	[bflag:$0x2] =	sbarrier.arrive $0xFFFF  }
0xe6: {  	[sflag:s0] =	ssyncadd.tile.s32 @!p0 $0x1;
	_ =	shalt  }
.Lfunc_end2:
_tile_overlayer_lowered:
.L_overlay_start_2:
0xe7: {  	(tag) =	ssettag $0x2  }
0xe8: {  	s0 =	rddreg [dreg:$0x0];
	s2 =	stileid.u32  }
0xe9: {  	s1 =	rddreg [dreg:$0x1];
	p0 =	sne.s32 s2, $0x0  }
0xea: {  	s3 =	rddreg [dreg:$0x2];
	[bflag:$0x3] =	sbarrier.arrive $0xFFFF;
	s2 =	simm.s32 @!p0 $0x1C03  }
0xeb: {  	[timem:s3], [sflag:s2] =	dma.local @!p0 [hbm:s0], s1  }
0xec: {  	s0 =	simm.s32 @!p0 $0x3  }
0xed: {  	_ =	swait.ge @!p0 [sflag:s0], s1  }
0xee: {  	s1 =	ssub.s32 @!p0 $0x0, s1;
	[sflag:s0] =	ssyncset.done @!p0 $0x0  }
0xef: {  	[sflag:s0] =	ssyncadd.s32 @!p0 s1  }
0xf0: {  	[bflag:$0x3] =	sbarrier.arrive $0xFFFF  }
0xf1: {  	_ =	shalt  }

// kernel: kernel.8.cloned.1.call-start
scs
__scs_entry_jumppad:
0x0: {  	(pc) =	sbr.rel $0x88, $3  }
0x1: {  	(tag) =	ssettag $0x0;
	lr =	simm.s32 $0x1  }
0x2: {  	[smem:$0x3F96] =	sst lr;
	_ =	strace $0xD0000000  }
0x3: {  	_ = 	snop  }
0x4: {  	_ = 	snop  }
0x5: {  	_ = 	snop  }
0x6: {  	_ = 	snop  }
0x7: {  	_ = 	snop  }
__scs_overlays_trampoline_lowered:
0x8: {  	[smem:$0x3FA5] =	sst s0  }
0x9: {  	[smem:$0x3FA6] =	sst s1  }
0xa: {  	[smem:$0x3FA7] =	sst s2  }
0xb: {  	[smem:$0x3FA8] =	sst s3  }
0xc: {  	[smem:$0x3FA9] =	sst s4  }
0xd: {  	[smem:$0x3FAA] =	sst s5  }
0xe: {  	[smem:$0x3FAB] =	sst s6  }
0xf: {  	[smem:$0x3FAC] =	sst s7  }
0x10: {  	[smem:$0x3FAD] =	sst s8  }
0x11: {  	[smem:$0x3FAE] =	sst s9;
	s0 =	simm.s32 @!p0 $0x0  }
0x12: {  	s1 =	sld [smem:$0x3F94];
	s0 =	simm.s32 @p0 $0x1  }
0x13: {  	[smem:$0x3FAF] =	sst s0;
	s0 =	simm.s32 @!p1 $0x0  }
0x14: {  	s2 =	sld [smem:$0x3F93];
	s0 =	simm.s32 @p1 $0x1  }
0x15: {  	[smem:$0x3FB0] =	sst s0;
	s0 =	simm.s32 @!p2 $0x0  }
0x16: {  	s3 =	sld [smem:$0x3FDB];
	s0 =	simm.s32 @p2 $0x1  }
0x17: {  	s4 =	simm.s32 $0x1BF5;
	[smem:$0x3FB2] =	sst s0  }
0x18: {  	s0 =	sld [smem:$0x3F95];
	_ =	swait.ge [sflag:s4], $0x0  }
0x19: {  	s7 =	sld [smem:$0x3F96]  }
0x1a: {  	s8 =	sadd.s32 $0xFFFFE003, lr  }
0x1b: {  	s9 =	sadd.s32 $0xFFFFFEF7, lr;
	s5 =	simm.s32 $0xFFFFFFFF;
	p2 =	slt.u32 s8, $0xFFFFF086  }
0x1c: {  	p1 =	slt.u32 s9, $0xF7A;
	s5 =	simm.s32 @!p2 $0x0  }
0x1d: {  	s5 =	simm.s32 @p1 $0x1;
	p0 =	seq.s32 s7, s2  }
0x1e: {  	s7 =	smul.u32 @!p0 $0xF7A, s2;
	p2 =	seq.s32 @!p0 s5, $0x0  }
0x1f: {  	s9 =	smul.u32 $0xF7A, s1;
	s8 =	simm.s32 @!p0 $0x1BF5;
	p2 =	por !p2, p0  }
0x20: {  	[sflag:s8] =	ssyncset.s32 @!p0 $0xFFFFF086;
	s6 =	sadd.s32 @!p0 s3, s7;
	s7 =	simm.s32 @!p0 $0x108  }
0x21: {  	s3 =	sadd.s32 s3, s9;
	s6 =	sadd.s32 @!p0 $0x88, s6;
	s7 =	simm.s32 @p2 $0x1082  }
0x22: {  	[simem:s7], [sflag:s8] =	dma.local @!p0 [hbm:s6], $0xF7A  }
0x23: {  	s9 =	sor.u32 $0xD0000000, s2;
	s6 =	simm.s32 $0x108;
	_ =	swait.ge @!p0 [sflag:s8], $0x0  }
0x24: {  	s3 =	sadd.s32 $0x88, s3;
	s6 =	simm.s32 @!p1 $0x1082;
	[sflag:s4] =	ssyncset.s32 $0xFFFFF086  }
0x25: {  	[simem:s6], [sflag:s4] =	dma.local [hbm:s3], $0xF7A  }
0x26: {  	[smem:$0x3F96] =	sst s1;
	(tag) =	ssettag s2;
	_ =	strace s9  }
0x27: {  	s1 =	sld [smem:$0x3FA6]  }
0x28: {  	s2 =	sld [smem:$0x3FA7]  }
0x29: {  	s4 =	sld [smem:$0x3FA9]  }
0x2a: {  	p0 =	seq.s32 s5, $0x0;
	s5 =	sld [smem:$0x3FAA]  }
0x2b: {  	s6 =	sld [smem:$0x3FAB]  }
0x2c: {  	s7 =	sld [smem:$0x3FAC]  }
0x2d: {  	s3 =	simm.s32 $0x108;
	s8 =	sld [smem:$0x3FAD]  }
0x2e: {  	s3 =	simm.s32 @!p0 $0x1082;
	s9 =	sld [smem:$0x3FAE]  }
0x2f: {  	lr =	sadd.s32 s0, s3;
	s0 =	sld [smem:$0x3FA5]  }
0x30: {  	s3 =	sld [smem:$0x3FA8]  }
0x31: {  	[smem:$0x3FB1] =	sst s10  }
0x32: {  	s10 =	sld [smem:$0x3FAF];
	_ =	sdelay $0x3  }
0x33: {  	p0 =	seq.s32 s10, $0x1;
	s10 =	sld [smem:$0x3FB1];
	_ =	sdelay $0x3  }
0x34: {  	[smem:$0x3FB1] =	sst s10  }
0x35: {  	s10 =	sld [smem:$0x3FB0];
	_ =	sdelay $0x3  }
0x36: {  	p1 =	seq.s32 s10, $0x1;
	s10 =	sld [smem:$0x3FB1];
	_ =	sdelay $0x3  }
0x37: {  	[smem:$0x3FB1] =	sst s10  }
0x38: {  	s10 =	sld [smem:$0x3FB2]  }
0x39: {  	_ = 	snop;
	(pc) =	sbr.ind lr, $3  }
0x3a: {  	_ = 	snop  }
0x3b: {  	_ = 	snop  }
0x3c: {  	p2 =	seq.s32 s10, $0x1;
	s10 =	sld [smem:$0x3FB1]  }
0x3d: {  	_ =	shalt  }
0x3e: {  	_ =	shalt  }
0x3f: {  	_ =	shalt  }
0x40: {  	_ =	shalt  }
0x41: {  	_ =	shalt  }
0x42: {  	_ =	shalt  }
0x43: {  	_ =	shalt  }
0x44: {  	_ =	shalt  }
0x45: {  	_ =	shalt  }
0x46: {  	_ =	shalt  }
0x47: {  	_ =	shalt  }
0x48: {  	_ =	shalt  }
0x49: {  	_ =	shalt  }
0x4a: {  	_ =	shalt  }
0x4b: {  	_ =	shalt  }
0x4c: {  	_ =	shalt  }
0x4d: {  	_ =	shalt  }
0x4e: {  	_ =	shalt  }
0x4f: {  	_ =	shalt  }
0x50: {  	_ =	shalt  }
0x51: {  	_ =	shalt  }
0x52: {  	_ =	shalt  }
0x53: {  	_ =	shalt  }
0x54: {  	_ =	shalt  }
0x55: {  	_ =	shalt  }
0x56: {  	_ =	shalt  }
0x57: {  	_ =	shalt  }
0x58: {  	_ =	shalt  }
0x59: {  	_ =	shalt  }
0x5a: {  	_ =	shalt  }
0x5b: {  	_ =	shalt  }
0x5c: {  	_ =	shalt  }
0x5d: {  	_ =	shalt  }
0x5e: {  	_ =	shalt  }
0x5f: {  	_ =	shalt  }
0x60: {  	_ =	shalt  }
0x61: {  	_ =	shalt  }
0x62: {  	_ =	shalt  }
0x63: {  	_ =	shalt  }
0x64: {  	_ =	shalt  }
0x65: {  	_ =	shalt  }
0x66: {  	_ =	shalt  }
0x67: {  	_ =	shalt  }
0x68: {  	_ =	shalt  }
0x69: {  	_ =	shalt  }
0x6a: {  	_ =	shalt  }
0x6b: {  	_ =	shalt  }
0x6c: {  	_ =	shalt  }
0x6d: {  	_ =	shalt  }
0x6e: {  	_ =	shalt  }
0x6f: {  	_ =	shalt  }
0x70: {  	_ =	shalt  }
0x71: {  	_ =	shalt  }
0x72: {  	_ =	shalt  }
0x73: {  	_ =	shalt  }
0x74: {  	_ =	shalt  }
0x75: {  	_ =	shalt  }
0x76: {  	_ =	shalt  }
0x77: {  	_ =	shalt  }
0x78: {  	_ =	shalt  }
0x79: {  	_ =	shalt  }
0x7a: {  	_ =	shalt  }
0x7b: {  	_ =	shalt  }
0x7c: {  	_ =	shalt  }
0x7d: {  	_ =	shalt  }
0x7e: {  	_ =	shalt  }
0x7f: {  	_ =	shalt  }
0x80: {  	_ =	shalt  }
0x81: {  	_ =	shalt  }
0x82: {  	_ =	shalt  }
0x83: {  	_ =	shalt  }
0x84: {  	_ =	shalt  }
0x85: {  	_ =	shalt  }
0x86: {  	_ =	shalt  }
0x87: {  	_ =	shalt  }
.Lfunc_end0:
.L_simem_size_0:
called_computation_lowered:
.L_overlay_start_0:
0x88: {  	s2 =	sld [smem:$0x3FD9]  }
0x89: {  	s3 =	sld [smem:$0x3FFE];
	_ =	sdelay $0x1  }
0x8a: {  	s1 =	srdreg.scid  }
0x8b: {  	s0 =	sand.u32 $0x1, s1  }
0x8c: {  	s17 =	sshll.u32 s0, $0xA;
	s2 =	sadd.s32 s3, s2  }
0x8d: {  	s2 =	sadd.s32 s2, s17  }
0x8e: {  	[smem:$0x3FBD] =	sst s2  }
0x8f: {  	_ = 	snop  }
0x90: {  	s2 =	sld [smem:$0x3FC9];
	(tm) =	ssettm $0x1  }
0x91: {  	s18 =	sld [smem:$0x3FFB];
	_ =	sdelay $0x3  }
0x92: {  	_ =	strace s18  }
0x93: {  	s3 =	sld [smem:$0x3FFC];
	_ =	sdelay $0x3  }
0x94: {  	_ =	strace s3  }
0x95: {  	s3 =	sld [smem:$0x3FFD];
	_ =	sdelay $0x3  }
0x96: {  	_ =	strace s3  }
0x97: {  	_ =	strace $0x8FFFFFFF  }
0x98: {  	s19 =	sld [smem:$0x3FDB];
	_ =	sdelay $0x1  }
0x99: {  	s4 =	simm.s32 $_scs_section_size  }
0x9a: {  	s5 =	simm.s32 $_size__tile_overlayer_lowered;
	s6 =	simm.s32 $_tile_overlayer_lowered  }
0x9b: {  	s22 =	simm.s32 $0x1BFF;
	s21 =	sshll.u32 s6, $0x1;
	s3 =	sadd.s32 s4, s19  }
0x9c: {  	s7 =	simm.s32 $0x0;
	s20 =	sshll.u32 s5, $0x1;
	s5 =	sadd.s32 s21, s3  }
0x9d: {  	[timem:s7], [sflag:s22] =	dma.local [hbm:s5], s20  }
0x9e: {  	_ =	swait.ge [sflag:s22], s20  }
0x9f: {  	s4 =	ssub.s32 $0x0, s20;
	[sflag:s22] =	ssyncset.done $0x0  }
0xa0: {  	[sflag:s22] =	ssyncadd.s32 s4;
	_ =	sdelay $0x1  }
0xa1: {  	s23 =	simm.s32 $0x1B8B  }
0xa2: {  	_ =	swait.ge [sflag:s23], $0x1  }
0xa3: {  	[sflag:s23] =	ssyncset.done $0x0  }
0xa4: {  	s25 =	simm.s32 $0x1B8E;
	s24 =	sld [smem:$0x3FFE];
	[sflag:s23] =	ssyncadd.s32 $0xFFFFFFFF  }
0xa5: {  	s26 =	simm.s32 $execute0_lowered;
	[smem:$0x3FD2] =	sst s25  }
0xa6: {  	s5 =	sshll.u32 s26, $0x1;
	_ =	strace $0x80000046;
	[dreg:$0x1] =	wrdreg $0xFFFFFFFF  }
0xa7: {  	s28 =	simm.s32 $_size_execute0_lowered;
	s3 =	sadd.s32 s3, s5;
	[dreg:$0x0] =	wrdreg $0x0  }
0xa8: {  	s5 =	sshll.u32 s28, $0x1;
	[dreg:$0x2] =	wrdreg s3  }
0xa9: {  	[dreg:$0x3] =	wrdreg s5  }
0xaa: {  	[dreg:$0x4] =	wrdreg $0xC0  }
0xab: {  	_ =	task [dreg:s7], $0x5FFFF  }
0xac: {  	[dreg:$0x1] =	wrdreg $0xFFFFFFFF  }
0xad: {  	[dreg:$0x0] =	wrdreg $0x60  }
0xae: {  	[dreg:$0x2] =	wrdreg s2  }
0xaf: {  	[dreg:$0x3] =	wrdreg s24  }
0xb0: {  	[dreg:$0x4] =	wrdreg $0xAA000  }
0xb1: {  	[dreg:$0x5] =	wrdreg $0x9  }
0xb2: {  	_ =	task.clear_ibuf [dreg:s7], $0x6FFFF;
	_ =	strace $0x90000046  }
0xb3: {  	s29 =	simm.s32 $0x9;
	_ =	strace $0x80000048  }
0xb4: {  	_ =	swait.ge [sflag:s29], $0x1  }
0xb5: {  	[sflag:s29] =	ssyncadd.s32 $0xFFFFFFFF  }
0xb6: {  	_ =	strace $0x90000048  }
0xb7: {  	_ =	sfence  }
0xb8: {  	s30 =	sld [smem:$0x0];
	_ =	sdelay $0x2  }
0xb9: {  	s31 =	sshll.u32 s1, $0xD;
	s1 =	sshrl.u32 s1, $0x2  }
0xba: {  	s3 =	sand.u32 $0x4000, s31;
	s1 =	sadd.s32 s1, s30  }
0xbb: {  	s0 =	sor.u32 s3, s0;
	s1 =	sshll.u32 s1, $0x11  }
0xbc: {  	s0 =	sor.u32 s1, s0  }
0xbd: {  	s0 =	sadd.s32 $0x8F2B, s0  }
0xbe: {  	[sflag:s0] =	ssyncadd.remote.s32 $0x1  }
0xbf: {  	_ =	sfence.sel $0xFFFF  }
0xc0: {  	[dreg:$0x0] =	wrdreg $0xFFFFFFFF;
	(pc) =	sbr.abs _section_cstart, $3  }
0xc1: {  	[dreg:$0x1] =	wrdreg $0xFFFFFFFF  }
0xc2: {  	_ =	task.clear_ibuf [dreg:s7], $0x2FFFF;
	_ =	strace $0x9FFFFFFF  }
0xc3: {  	(tm) =	ssettm $0x7FFFFFFF  }
tec
execute0_lowered:
.L_overlay_start_1:
0x0: {  	(tag) =	ssettag $0x1  }
0x1: {  	s0 =	rddreg [dreg:$0x0]  }
0x2: {  	s1 =	srdreg.scid;
	s3 =	rddreg [dreg:$0x1]  }
0x3: {  	s14 =	stileid.u32;
	s2 =	rddreg [dreg:$0x2];
	s5 =	simm.s32 $0x0  }
0x4: {  	s18 =	simm.s32 $0x2A00;
	s19 =	simm.s32 $0x80;
	s20 =	simm.s32 $0x2880  }
0x5: {  	s22 =	simm.s32 $0x1;
	s23 =	simm.s32 $0x2900;
	s24 =	simm.s32 $0x6A00  }
0x6: {  	s28 =	simm.s32 $0x0;
	s1 =	sand.u32 $0x1, s1;
	s8 =	smul.u32 $0x13800, s14  }
0x7: {  	[smem:$0x7FF] =	sst s5;
	s9 =	smul.u32 $0x4E000, s14;
	s12 =	sadd.s32 $0x34A00, s3  }
0x8: {  	s10 =	sadd.s32 $0x82C00, s3;
	s17 =	sadd.s32 $0x138000, s2;
	s31 =	sshll.u32 s14, $0x6  }
0x9: {  	p0 =	sne.s32 s14, $0x0;
	s4 =	sshll.u32 s1, $0x4;
	_ =	strace $0x80000047  }
0xa: {  	s26 =	ssub.s32 $0x2, s1;
	s1 =	smul.u32 $0x138800, s1;
	s15 =	sor.u32 $0x1C03, s31  }
0xb: {  	s17 =	sshrl.u32 @!p0 s17, $0x3;
	s4 =	sor.u32 s14, s4;
	s25 =	sshrl.u32 s8, $0x3  }
0xc: {  	s11 =	sshrl.u32 s26, $0x1;
	s9 =	sshrl.u32 s9, $0x2;
	s14 =	simm.s32 $0x3  }
0xd: {  	s4 =	smul.u32 $0x500, s4;
	s7 =	sadd.s32 s25, s3;
	s13 =	ssub.s32 s26, s11  }
0xe: {  	s29 =	sadd.s32 s8, s1;
	s1 =	sshrl.u32 s1, $0x3;
	s8 =	sadd.s32 $0x34000, s3  }
0xf: {  	s25 =	simm.s32 $0x2;
	s26 =	simm.s32 $0x2980;
	s7 =	sadd.s32 $0xD000, s7  }
0x10: {  	s30 =	sshrl.u32 s29, $0x3;
	s1 =	sadd.s32 $0x27000, s1;
	s13 =	smax.u32 s13, $0x1  }
0x11: {  	s6 =	sadd.s32 s4, s3;
	s4 =	sadd.s32 $0x34200, s3;
	s11 =	sadd.s32 s12, s30  }
0x12: {  	s12 =	sadd.s32 s12, s1;
	s5 =	sadd.s32 $0x3000, s6;
	s6 =	sadd.s32 s9, s2  }
0x13: {  	s9 =	sadd.s32 s10, s30;
	s10 =	sadd.s32 s10, s1;
	s16 =	sshrl.u32 s6, $0x3  }
.LBB2_1:
0x14: {  	s3 =	simm.s32 $0x0  }
0x15: {  	[tilespmem:s3], [sflag:$0x3] =	stream.linear.gather [hbm4b:s5+s3], $0x2800, $0x38;
	[tilespmem:$0x1E2C0] =	vst v63  }
0x16: {  	_ =	swait.ge [sflag:s14], $0x2800  }
0x17: {  	[sflag:s14] =	ssyncset.done $0x0  }
0x18: {  	[sflag:s14] =	ssyncadd.s32 $0xFFFFD800  }
0x19: {  	[spmem:s16], [sflag:s15] =	dma.local [hbm:s7], $0x2700  }
0x1a: {  	_ =	swait.ge [sflag:s14], $0x2700  }
0x1b: {  	[sflag:s14] =	ssyncset.done $0x0  }
0x1c: {  	s1 =	simm.s32 @!p0 $0x3;
	[sflag:s14] =	ssyncadd.s32 $0xFFFFD900  }
0x1d: {  	[spmem:s17], [sflag:s15] =	dma.local @!p0 [hbm:s8], $0x100  }
0x1e: {  	_ =	swait.ge @!p0 [sflag:s1], $0x100  }
0x1f: {  	[sflag:s1] =	ssyncset.done @!p0 $0x0  }
0x20: {  	[sflag:s1] =	ssyncadd.s32 @!p0 $0xFFFFFF00  }
0x21: {  	[tilespmem:s18], [sflag:$0x3] =	stream.linear.gather [hbm4b:s4+s3], $0x4000, $0x38;
	[tilespmem:$0x1E2C0] =	vst v63  }
0x22: {  	_ =	swait.ge [sflag:s14], $0x4000  }
0x23: {  	[sflag:s14] =	ssyncset.done $0x0  }
0x24: {  	[sflag:s14] =	ssyncadd.s32 $0xFFFFC000  }
0x25: {  	s31 =	simm.s32 $0x0;
	[bflag:$0x0] =	sbarrier.arrive $0xFFFF  }
0x26: {  	v0 =	vld [tilespmem:s31+$0x0];
	_ =	sdelay $0x4  }
0x27: {  	v1 =	vand.u32 $0xFFFF, v0  }
0x28: {  	v0 =	vshrl.u32 v0, $0x10;
	[tilespmem:$0x2800] =	vst v1  }
0x29: {  	[tilespmem:$0x2880] =	vst v0  }
0x2a: {  	v0 =	vld [tilespmem:s31+$0x10];
	_ =	sdelay $0x4  }
0x2b: {  	v1 =	vand.u32 $0xFFFF, v0  }
0x2c: {  	v0 =	vshrl.u32 v0, $0x10;
	[tilespmem:$0x2810] =	vst v1  }
0x2d: {  	[tilespmem:$0x2890] =	vst v0  }
0x2e: {  	v0 =	vld [tilespmem:s31+$0x20];
	_ =	sdelay $0x4  }
0x2f: {  	v1 =	vand.u32 $0xFFFF, v0  }
0x30: {  	v0 =	vshrl.u32 v0, $0x10;
	[tilespmem:$0x2820] =	vst v1  }
0x31: {  	[tilespmem:$0x28A0] =	vst v0  }
0x32: {  	v0 =	vld [tilespmem:s31+$0x30];
	_ =	sdelay $0x4  }
0x33: {  	v1 =	vand.u32 $0xFFFF, v0  }
0x34: {  	v0 =	vshrl.u32 v0, $0x10;
	[tilespmem:$0x2830] =	vst v1  }
0x35: {  	[tilespmem:$0x28B0] =	vst v0  }
0x36: {  	v0 =	vld [tilespmem:s31+$0x40];
	_ =	sdelay $0x4  }
0x37: {  	v1 =	vand.u32 $0xFFFF, v0  }
0x38: {  	v0 =	vshrl.u32 v0, $0x10;
	[tilespmem:$0x2840] =	vst v1  }
0x39: {  	[tilespmem:$0x28C0] =	vst v0  }
0x3a: {  	v0 =	vld [tilespmem:s31+$0x50];
	_ =	sdelay $0x4  }
0x3b: {  	v1 =	vand.u32 $0xFFFF, v0  }
0x3c: {  	v0 =	vshrl.u32 v0, $0x10;
	[tilespmem:$0x2850] =	vst v1  }
0x3d: {  	[tilespmem:$0x28D0] =	vst v0  }
0x3e: {  	v0 =	vld [tilespmem:s31+$0x60];
	_ =	sdelay $0x4  }
0x3f: {  	v1 =	vand.u32 $0xFFFF, v0  }
0x40: {  	v0 =	vshrl.u32 v0, $0x10;
	[tilespmem:$0x2860] =	vst v1  }
0x41: {  	[tilespmem:$0x28E0] =	vst v0  }
0x42: {  	s29 =	simm.s32 $0x200;
	v0 =	vld [tilespmem:s31+$0x70]  }
.LBB2_2:
0x43: {  	_ =	sdelay $0x1  }
0x44: {  	p1 =	sne.s32 s29, $0x9E00;
	s1 =	smov.u32 s29;
	s29 =	sadd.s32 $0x200, s29  }
0x45: {  	_ = 	snop  }
0x46: {  	v1 =	vand.u32 $0xFFFF, v0;
	v0 =	vshrl.u32 v0, $0x10  }
0x47: {  	[tilespmem:$0x2870] =	vst v1  }
0x48: {  	[tilespmem:$0x28F0] =	vst v0  }
0x49: {  	[spmem:s2] =	stream.indirect.scatter.add.f32 [tilespmem:s18], [sflag:$0x3], $0x80, s20, s19, $0xb8;
	[tilespmem:$0x1E2C0] =	vst v63  }
0x4a: {  	_ =	swait.ge [sflag:s14], $0x4000  }
0x4b: {  	[sflag:s14] =	ssyncset.done $0x0  }
0x4c: {  	s30 =	sshra.s32 s1, $0x2;
	[sflag:s14] =	ssyncadd.s32 $0xFFFFC000  }
0x4d: {  	v0 =	vld [tilespmem:s30+$0x0];
	_ =	sdelay $0x4  }
0x4e: {  	v1 =	vand.u32 $0xFFFF, v0;
	v0 =	vshrl.u32 v0, $0x10  }
0x4f: {  	[tilespmem:$0x2800] =	vst v1  }
0x50: {  	[tilespmem:$0x2880] =	vst v0  }
0x51: {  	v0 =	vld [tilespmem:s30+$0x10];
	_ =	sdelay $0x4  }
0x52: {  	v1 =	vand.u32 $0xFFFF, v0;
	v0 =	vshrl.u32 v0, $0x10  }
0x53: {  	[tilespmem:$0x2810] =	vst v1  }
0x54: {  	[tilespmem:$0x2890] =	vst v0  }
0x55: {  	v0 =	vld [tilespmem:s30+$0x20];
	_ =	sdelay $0x4  }
0x56: {  	v1 =	vand.u32 $0xFFFF, v0;
	v0 =	vshrl.u32 v0, $0x10  }
0x57: {  	[tilespmem:$0x2820] =	vst v1  }
0x58: {  	[tilespmem:$0x28A0] =	vst v0  }
0x59: {  	v0 =	vld [tilespmem:s30+$0x30];
	_ =	sdelay $0x4  }
0x5a: {  	v1 =	vand.u32 $0xFFFF, v0;
	v0 =	vshrl.u32 v0, $0x10  }
0x5b: {  	[tilespmem:$0x2830] =	vst v1  }
0x5c: {  	[tilespmem:$0x28B0] =	vst v0  }
0x5d: {  	v0 =	vld [tilespmem:s30+$0x40];
	_ =	sdelay $0x4  }
0x5e: {  	v1 =	vand.u32 $0xFFFF, v0;
	v0 =	vshrl.u32 v0, $0x10  }
0x5f: {  	[tilespmem:$0x2840] =	vst v1  }
0x60: {  	[tilespmem:$0x28C0] =	vst v0  }
0x61: {  	v0 =	vld [tilespmem:s30+$0x50];
	_ =	sdelay $0x4  }
0x62: {  	v1 =	vand.u32 $0xFFFF, v0;
	v0 =	vshrl.u32 v0, $0x10  }
0x63: {  	[tilespmem:$0x2850] =	vst v1  }
0x64: {  	[tilespmem:$0x28D0] =	vst v0  }
0x65: {  	v0 =	vld [tilespmem:s30+$0x60];
	_ =	sdelay $0x3  }
.Ltmp0:
0x66: {  	(pc) =	sbr.rel @p1 .LBB2_2-.Ltmp0, $4  }
0x67: {  	v1 =	vand.u32 $0xFFFF, v0;
	v0 =	vshrl.u32 v0, $0x10  }
0x68: {  	[tilespmem:$0x2860] =	vst v1  }
0x69: {  	[tilespmem:$0x28E0] =	vst v0  }
0x6a: {  	v0 =	vld [tilespmem:s30+$0x70]  }
0x6b: {  	_ =	sdelay $0x3  }
0x6c: {  	v1 =	vand.u32 $0xFFFF, v0  }
0x6d: {  	v0 =	vshrl.u32 v0, $0x10;
	[tilespmem:$0x2870] =	vst v1  }
0x6e: {  	[tilespmem:$0x28F0] =	vst v0  }
0x6f: {  	[spmem:s2] =	stream.indirect.scatter.add.f32 [tilespmem:s18], [sflag:$0x3], $0x80, s20, s19, $0xb8;
	[tilespmem:$0x1E2C0] =	vst v63  }
0x70: {  	_ =	swait.ge [sflag:s14], $0x4000  }
0x71: {  	[sflag:s14] =	ssyncset.done $0x0  }
0x72: {  	[sflag:s14] =	ssyncadd.s32 $0xFFFFC000  }
0x73: {  	[bflag:$0x0] =	sbarrier.arrive $0xFFFF  }
0x74: {  	[hbm:s9], [sflag:s15] =	dma.local [spmem:s16], $0x2700  }
0x75: {  	_ =	swait.ge [sflag:s14], $0x2700  }
0x76: {  	[sflag:s14] =	ssyncset.done $0x0  }
0x77: {  	[sflag:s14] =	ssyncadd.s32 $0xFFFFD900  }
0x78: {  	s1 =	sshrl.u32 @p0 s6, $0x3;
	[bflag:$0x0] =	sbarrier.arrive @p0 $0xFFFF  }
0x79: {  	[spmem:s1], [sflag:s15] =	dma.local @p0 [hbm:s7], $0x2700  }
0x7a: {  	s1 =	simm.s32 @p0 $0x3  }
0x7b: {  	_ =	swait.ge @p0 [sflag:s1], $0x2700  }
0x7c: {  	[sflag:s1] =	ssyncset.done @p0 $0x0  }
0x7d: {  	[sflag:s1] =	ssyncadd.s32 @p0 $0xFFFFD900;
	s1 =	simm.s32 @!p0 $0x3  }
0x7e: {  	[hbm:s10], [sflag:s15] =	dma.local @!p0 [spmem:s17], $0x100  }
0x7f: {  	_ =	swait.ge @!p0 [sflag:s1], $0x100  }
0x80: {  	[sflag:s1] =	ssyncset.done @!p0 $0x0  }
0x81: {  	[sflag:s1] =	ssyncadd.s32 @!p0 $0xFFFFFF00  }
0x82: {  	s3 =	sshrl.u32 @!p0 s6, $0x3;
	[bflag:$0x0] =	sbarrier.arrive @!p0 $0xFFFF  }
0x83: {  	[spmem:s3], [sflag:s15] =	dma.local @!p0 [hbm:s7], $0x2700  }
0x84: {  	_ =	swait.ge @!p0 [sflag:s1], $0x2700  }
0x85: {  	[sflag:s1] =	ssyncset.done @!p0 $0x0  }
0x86: {  	[sflag:s1] =	ssyncadd.s32 @!p0 $0xFFFFD900  }
0x87: {  	[spmem:s17], [sflag:s15] =	dma.local @!p0 [hbm:s8], $0x100  }
0x88: {  	_ =	swait.ge @!p0 [sflag:s1], $0x100  }
0x89: {  	[sflag:s1] =	ssyncset.done @!p0 $0x0  }
0x8a: {  	[sflag:s1] =	ssyncadd.s32 @!p0 $0xFFFFFF00  }
0x8b: {  	[bflag:$0x0] =	sbarrier.arrive $0xFFFF  }
0x8c: {  	v0 =	vld [tilespmem:$0x0];
	_ =	sdelay $0x1  }
0x8d: {  	v1 =	vld [tilespmem:$0x10];
	_ =	sdelay $0x1  }
0x8e: {  	v2 =	vld [tilespmem:$0x20]  }
0x8f: {  	v3 =	vand.u32 $0xFFFF, v0  }
0x90: {  	v0 =	vshrl.u32 v0, $0x10;
	[tilespmem:$0x2800] =	vst v3;
	v3 =	vld [tilespmem:$0x30]  }
0x91: {  	[tilespmem:$0x2880] =	vst v0;
	v0 =	vand.u32 $0xFFFF, v1  }
0x92: {  	[tilespmem:$0x2810] =	vst v0;
	v0 =	vshrl.u32 v1, $0x10;
	v1 =	vld [tilespmem:$0x40]  }
0x93: {  	[tilespmem:$0x2890] =	vst v0;
	v0 =	vand.u32 $0xFFFF, v2  }
0x94: {  	[tilespmem:$0x2820] =	vst v0;
	v0 =	vshrl.u32 v2, $0x10;
	v2 =	vld [tilespmem:$0x50]  }
0x95: {  	[tilespmem:$0x28A0] =	vst v0;
	v0 =	vand.u32 $0xFFFF, v3  }
0x96: {  	[tilespmem:$0x2830] =	vst v0;
	v0 =	vshrl.u32 v3, $0x10;
	v3 =	vld [tilespmem:$0x60]  }
0x97: {  	[tilespmem:$0x28B0] =	vst v0;
	v0 =	vand.u32 $0xFFFF, v1  }
0x98: {  	[tilespmem:$0x2840] =	vst v0;
	v0 =	vshrl.u32 v1, $0x10;
	v1 =	vld [tilespmem:$0x70]  }
0x99: {  	[tilespmem:$0x28C0] =	vst v0;
	v0 =	vand.u32 $0xFFFF, v2  }
0x9a: {  	[tilespmem:$0x2850] =	vst v0;
	v0 =	vshrl.u32 v2, $0x10  }
0x9b: {  	[tilespmem:$0x28D0] =	vst v0;
	v0 =	vand.u32 $0xFFFF, v3  }
0x9c: {  	[tilespmem:$0x2860] =	vst v0;
	v0 =	vshrl.u32 v3, $0x10  }
0x9d: {  	[tilespmem:$0x28E0] =	vst v0;
	v0 =	vand.u32 $0xFFFF, v1  }
0x9e: {  	[tilespmem:$0x2870] =	vst v0;
	v0 =	vshrl.u32 v1, $0x10  }
0x9f: {  	s21 =	simm.s32 $0x2800;
	s31 =	simm.s32 $0x0;
	[tilespmem:$0x28F0] =	vst v0  }
0xa0: {  	[tilespmem:s18], [sflag:$0x1] =	stream.indirect.gather [hbm4b:s0+s19], $0x80, s21, s19, $0xb8;
	[tilespmem:$0x1E2C0] =	vst v63  }
0xa1: {  	v0 =	vld [tilespmem:s31+$0x80];
	_ =	sdelay $0x4  }
0xa2: {  	v1 =	vand.u32 $0xFFFF, v0  }
0xa3: {  	v0 =	vshrl.u32 v0, $0x10;
	[tilespmem:$0x2900] =	vst v1  }
0xa4: {  	[tilespmem:$0x2980] =	vst v0  }
0xa5: {  	v0 =	vld [tilespmem:s31+$0x90];
	_ =	sdelay $0x4  }
0xa6: {  	v1 =	vand.u32 $0xFFFF, v0  }
0xa7: {  	v0 =	vshrl.u32 v0, $0x10;
	[tilespmem:$0x2910] =	vst v1  }
0xa8: {  	[tilespmem:$0x2990] =	vst v0  }
0xa9: {  	v0 =	vld [tilespmem:s31+$0xA0];
	_ =	sdelay $0x4  }
0xaa: {  	v1 =	vand.u32 $0xFFFF, v0  }
0xab: {  	v0 =	vshrl.u32 v0, $0x10;
	[tilespmem:$0x2920] =	vst v1  }
0xac: {  	[tilespmem:$0x29A0] =	vst v0  }
0xad: {  	v0 =	vld [tilespmem:s31+$0xB0];
	_ =	sdelay $0x4  }
0xae: {  	v1 =	vand.u32 $0xFFFF, v0  }
0xaf: {  	v0 =	vshrl.u32 v0, $0x10;
	[tilespmem:$0x2930] =	vst v1  }
0xb0: {  	[tilespmem:$0x29B0] =	vst v0  }
0xb1: {  	v0 =	vld [tilespmem:s31+$0xC0];
	_ =	sdelay $0x4  }
0xb2: {  	v1 =	vand.u32 $0xFFFF, v0  }
0xb3: {  	v0 =	vshrl.u32 v0, $0x10;
	[tilespmem:$0x2940] =	vst v1  }
0xb4: {  	[tilespmem:$0x29C0] =	vst v0  }
0xb5: {  	v0 =	vld [tilespmem:s31+$0xD0];
	_ =	sdelay $0x4  }
0xb6: {  	v1 =	vand.u32 $0xFFFF, v0  }
0xb7: {  	v0 =	vshrl.u32 v0, $0x10;
	[tilespmem:$0x2950] =	vst v1  }
0xb8: {  	[tilespmem:$0x29D0] =	vst v0  }
0xb9: {  	v0 =	vld [tilespmem:s31+$0xE0];
	_ =	sdelay $0x4  }
0xba: {  	v1 =	vand.u32 $0xFFFF, v0  }
0xbb: {  	v0 =	vshrl.u32 v0, $0x10;
	[tilespmem:$0x2960] =	vst v1  }
0xbc: {  	[tilespmem:$0x29E0] =	vst v0  }
0xbd: {  	v0 =	vld [tilespmem:s31+$0xF0];
	_ =	sdelay $0x4  }
0xbe: {  	v1 =	vand.u32 $0xFFFF, v0  }
0xbf: {  	v0 =	vshrl.u32 v0, $0x10;
	[tilespmem:$0x2970] =	vst v1  }
0xc0: {  	[tilespmem:$0x29F0] =	vst v0  }
0xc1: {  	_ =	swait.ge [sflag:s22], $0x4000  }
0xc2: {  	[sflag:s22] =	ssyncset.done $0x0  }
0xc3: {  	[sflag:s22] =	ssyncadd.s32 $0xFFFFC000  }
0xc4: {  	[tilespmem:s24], [sflag:$0x2] =	stream.indirect.gather [hbm4b:s0+s19], $0x80, s23, s19, $0xb8;
	[tilespmem:$0x1E2C0] =	vst v63  }
0xc5: {  	_ = 	snop  }
0xc6: {  	[spmem:s2] =	stream.indirect.scatter.add.f32 [tilespmem:s18], [sflag:$0x3], $0x80, s20, s19, $0xb8;
	[tilespmem:$0x1E2C0] =	vst v63  }
0xc7: {  	_ =	swait.ge [sflag:s14], $0x4000  }
0xc8: {  	p2 =	por $0x0, $0x0;
	[sflag:s14] =	ssyncset.done $0x0  }
0xc9: {  	s30 =	simm.s32 @!p2 $0x0;
	[sflag:s14] =	ssyncadd.s32 $0xFFFFC000  }
0xca: {  	v0 =	vld @!p2 [tilespmem:s30+$0x100];
	_ =	sdelay $0x4  }
0xcb: {  	v1 =	vand.u32 @!p2 $0xFFFF, v0  }
0xcc: {  	v0 =	vshrl.u32 @!p2 v0, $0x10;
	[tilespmem:$0x2800] =	vst @!p2 v1  }
0xcd: {  	[tilespmem:$0x2880] =	vst @!p2 v0  }
0xce: {  	v0 =	vld @!p2 [tilespmem:s30+$0x110];
	_ =	sdelay $0x4  }
0xcf: {  	v1 =	vand.u32 @!p2 $0xFFFF, v0  }
0xd0: {  	v0 =	vshrl.u32 @!p2 v0, $0x10;
	[tilespmem:$0x2810] =	vst @!p2 v1  }
0xd1: {  	[tilespmem:$0x2890] =	vst @!p2 v0  }
0xd2: {  	v0 =	vld @!p2 [tilespmem:s30+$0x120];
	_ =	sdelay $0x4  }
0xd3: {  	v1 =	vand.u32 @!p2 $0xFFFF, v0  }
0xd4: {  	v0 =	vshrl.u32 @!p2 v0, $0x10;
	[tilespmem:$0x2820] =	vst @!p2 v1  }
0xd5: {  	[tilespmem:$0x28A0] =	vst @!p2 v0  }
0xd6: {  	v0 =	vld @!p2 [tilespmem:s30+$0x130];
	_ =	sdelay $0x4  }
0xd7: {  	v1 =	vand.u32 @!p2 $0xFFFF, v0  }
0xd8: {  	v0 =	vshrl.u32 @!p2 v0, $0x10;
	[tilespmem:$0x2830] =	vst @!p2 v1  }
0xd9: {  	[tilespmem:$0x28B0] =	vst @!p2 v0  }
0xda: {  	v0 =	vld @!p2 [tilespmem:s30+$0x140];
	_ =	sdelay $0x4  }
0xdb: {  	v1 =	vand.u32 @!p2 $0xFFFF, v0  }
0xdc: {  	v0 =	vshrl.u32 @!p2 v0, $0x10;
	[tilespmem:$0x2840] =	vst @!p2 v1  }
0xdd: {  	[tilespmem:$0x28C0] =	vst @!p2 v0  }
0xde: {  	v0 =	vld @!p2 [tilespmem:s30+$0x150];
	_ =	sdelay $0x4  }
0xdf: {  	v1 =	vand.u32 @!p2 $0xFFFF, v0  }
0xe0: {  	v0 =	vshrl.u32 @!p2 v0, $0x10;
	[tilespmem:$0x2850] =	vst @!p2 v1  }
0xe1: {  	[tilespmem:$0x28D0] =	vst @!p2 v0  }
0xe2: {  	v0 =	vld @!p2 [tilespmem:s30+$0x160];
	_ =	sdelay $0x4  }
0xe3: {  	s29 =	simm.s32 $0x400;
	v1 =	vand.u32 @!p2 $0xFFFF, v0  }
0xe4: {  	s3 =	simm.s32 @!p2 $0x2A00;
	s1 =	simm.s32 @!p2 $0x80;
	s21 =	simm.s32 @!p2 $0x2800;
	v0 =	vshrl.u32 @!p2 v0, $0x10;
	[tilespmem:$0x2860] =	vst @!p2 v1  }
.LBB2_4:
0xe5: {  	[tilespmem:$0x28E0] =	vst @!p2 v0;
	s31 =	smov.u32 s29;
	s29 =	sadd.s32 $0x400, s29  }
0xe6: {  	p1 =	sne.s32 s29, $0xA000;
	v0 =	vld @!p2 [tilespmem:s30+$0x170];
	_ =	sdelay $0x4  }
0xe7: {  	v1 =	vand.u32 @!p2 $0xFFFF, v0;
	v0 =	vshrl.u32 @!p2 v0, $0x10  }
0xe8: {  	[tilespmem:$0x2870] =	vst @!p2 v1  }
0xe9: {  	[tilespmem:$0x28F0] =	vst @!p2 v0  }
0xea: {  	[tilespmem:s3], [sflag:$0x1] =	stream.indirect.gather @!p2 [hbm4b:s0+s1], $0x80, s21, s1, $0xb8;
	[tilespmem:$0x1E2C0] =	vst v63  }
0xeb: {  	_ =	swait.ge [sflag:s25], $0x4000  }
0xec: {  	[sflag:s25] =	ssyncset.done $0x0  }
0xed: {  	[sflag:s25] =	ssyncadd.s32 $0xFFFFC000  }
0xee: {  	[spmem:s2] =	stream.indirect.scatter.add.f32 [tilespmem:s24], [sflag:$0x3], $0x80, s26, s19, $0xb8;
	[tilespmem:$0x1E2C0] =	vst v63  }
0xef: {  	_ =	swait.ge [sflag:s14], $0x4000  }
0xf0: {  	[sflag:s14] =	ssyncset.done $0x0  }
0xf1: {  	s30 =	sshra.s32 s31, $0x2;
	[sflag:s14] =	ssyncadd.s32 $0xFFFFC000  }
0xf2: {  	v0 =	vld [tilespmem:s30+$0x80];
	_ =	sdelay $0x4  }
0xf3: {  	v1 =	vand.u32 $0xFFFF, v0;
	v0 =	vshrl.u32 v0, $0x10  }
0xf4: {  	[tilespmem:$0x2900] =	vst v1  }
0xf5: {  	[tilespmem:$0x2980] =	vst v0  }
0xf6: {  	v0 =	vld [tilespmem:s30+$0x90];
	_ =	sdelay $0x4  }
0xf7: {  	v1 =	vand.u32 $0xFFFF, v0;
	v0 =	vshrl.u32 v0, $0x10  }
0xf8: {  	[tilespmem:$0x2910] =	vst v1  }
0xf9: {  	[tilespmem:$0x2990] =	vst v0  }
0xfa: {  	v0 =	vld [tilespmem:s30+$0xA0];
	_ =	sdelay $0x4  }
0xfb: {  	v1 =	vand.u32 $0xFFFF, v0;
	v0 =	vshrl.u32 v0, $0x10  }
0xfc: {  	[tilespmem:$0x2920] =	vst v1  }
0xfd: {  	[tilespmem:$0x29A0] =	vst v0  }
0xfe: {  	v0 =	vld [tilespmem:s30+$0xB0];
	_ =	sdelay $0x4  }
0xff: {  	v1 =	vand.u32 $0xFFFF, v0;
	v0 =	vshrl.u32 v0, $0x10  }
0x100: {  	[tilespmem:$0x2930] =	vst v1  }
0x101: {  	[tilespmem:$0x29B0] =	vst v0  }
0x102: {  	v0 =	vld [tilespmem:s30+$0xC0];
	_ =	sdelay $0x4  }
0x103: {  	v1 =	vand.u32 $0xFFFF, v0;
	v0 =	vshrl.u32 v0, $0x10  }
0x104: {  	[tilespmem:$0x2940] =	vst v1  }
0x105: {  	[tilespmem:$0x29C0] =	vst v0  }
0x106: {  	v0 =	vld [tilespmem:s30+$0xD0];
	_ =	sdelay $0x4  }
0x107: {  	v1 =	vand.u32 $0xFFFF, v0;
	v0 =	vshrl.u32 v0, $0x10  }
0x108: {  	[tilespmem:$0x2950] =	vst v1  }
0x109: {  	[tilespmem:$0x29D0] =	vst v0  }
0x10a: {  	v0 =	vld [tilespmem:s30+$0xE0];
	_ =	sdelay $0x4  }
0x10b: {  	v1 =	vand.u32 $0xFFFF, v0;
	v0 =	vshrl.u32 v0, $0x10  }
0x10c: {  	[tilespmem:$0x2960] =	vst v1  }
0x10d: {  	[tilespmem:$0x29E0] =	vst v0  }
0x10e: {  	v0 =	vld [tilespmem:s30+$0xF0];
	_ =	sdelay $0x4  }
0x10f: {  	v1 =	vand.u32 $0xFFFF, v0;
	v0 =	vshrl.u32 v0, $0x10  }
0x110: {  	[tilespmem:$0x2970] =	vst v1  }
0x111: {  	p2 =	seq.s32 s31, $0x9C00;
	[tilespmem:$0x29F0] =	vst v0  }
0x112: {  	s30 =	sshra.s32 @!p2 s31, $0x2;
	_ =	swait.ge [sflag:s22], $0x4000  }
0x113: {  	[sflag:s22] =	ssyncset.done $0x0  }
0x114: {  	[sflag:s22] =	ssyncadd.s32 $0xFFFFC000  }
0x115: {  	[tilespmem:s24], [sflag:$0x2] =	stream.indirect.gather [hbm4b:s0+s19], $0x80, s23, s19, $0xb8;
	[tilespmem:$0x1E2C0] =	vst v63  }
0x116: {  	_ = 	snop  }
0x117: {  	[spmem:s2] =	stream.indirect.scatter.add.f32 [tilespmem:s18], [sflag:$0x3], $0x80, s20, s19, $0xb8;
	[tilespmem:$0x1E2C0] =	vst v63  }
0x118: {  	_ =	swait.ge [sflag:s14], $0x4000  }
0x119: {  	[sflag:s14] =	ssyncset.done $0x0  }
0x11a: {  	[sflag:s14] =	ssyncadd.s32 $0xFFFFC000  }
0x11b: {  	v0 =	vld @!p2 [tilespmem:s30+$0x100];
	_ =	sdelay $0x4  }
0x11c: {  	v1 =	vand.u32 @!p2 $0xFFFF, v0;
	v0 =	vshrl.u32 @!p2 v0, $0x10  }
0x11d: {  	[tilespmem:$0x2800] =	vst @!p2 v1  }
0x11e: {  	[tilespmem:$0x2880] =	vst @!p2 v0  }
0x11f: {  	v0 =	vld @!p2 [tilespmem:s30+$0x110];
	_ =	sdelay $0x4  }
0x120: {  	v1 =	vand.u32 @!p2 $0xFFFF, v0;
	v0 =	vshrl.u32 @!p2 v0, $0x10  }
0x121: {  	[tilespmem:$0x2810] =	vst @!p2 v1  }
0x122: {  	[tilespmem:$0x2890] =	vst @!p2 v0  }
0x123: {  	v0 =	vld @!p2 [tilespmem:s30+$0x120];
	_ =	sdelay $0x4  }
0x124: {  	v1 =	vand.u32 @!p2 $0xFFFF, v0;
	v0 =	vshrl.u32 @!p2 v0, $0x10  }
0x125: {  	[tilespmem:$0x2820] =	vst @!p2 v1  }
0x126: {  	[tilespmem:$0x28A0] =	vst @!p2 v0  }
0x127: {  	v0 =	vld @!p2 [tilespmem:s30+$0x130];
	_ =	sdelay $0x4  }
0x128: {  	v1 =	vand.u32 @!p2 $0xFFFF, v0;
	v0 =	vshrl.u32 @!p2 v0, $0x10  }
0x129: {  	[tilespmem:$0x2830] =	vst @!p2 v1  }
0x12a: {  	[tilespmem:$0x28B0] =	vst @!p2 v0  }
0x12b: {  	v0 =	vld @!p2 [tilespmem:s30+$0x140];
	_ =	sdelay $0x4  }
0x12c: {  	v1 =	vand.u32 @!p2 $0xFFFF, v0;
	v0 =	vshrl.u32 @!p2 v0, $0x10  }
0x12d: {  	[tilespmem:$0x2840] =	vst @!p2 v1  }
0x12e: {  	[tilespmem:$0x28C0] =	vst @!p2 v0  }
0x12f: {  	v0 =	vld @!p2 [tilespmem:s30+$0x150];
	_ =	sdelay $0x4  }
0x130: {  	v1 =	vand.u32 @!p2 $0xFFFF, v0;
	v0 =	vshrl.u32 @!p2 v0, $0x10  }
0x131: {  	[tilespmem:$0x2850] =	vst @!p2 v1  }
0x132: {  	s1 =	simm.s32 @!p2 $0x80;
	s21 =	simm.s32 @!p2 $0x2800;
	s3 =	simm.s32 @!p2 $0x2A00;
	[tilespmem:$0x28D0] =	vst @!p2 v0  }
0x133: {  	v0 =	vld @!p2 [tilespmem:s30+$0x160];
	_ =	sdelay $0x1  }
.Ltmp1:
0x134: {  	(pc) =	sbr.rel @p1 .LBB2_4-.Ltmp1, $3  }
0x135: {  	_ =	sdelay $0x1  }
0x136: {  	v1 =	vand.u32 @!p2 $0xFFFF, v0;
	v0 =	vshrl.u32 @!p2 v0, $0x10  }
0x137: {  	[tilespmem:$0x2860] =	vst @!p2 v1  }
0x138: {  	[tilespmem:$0x28E0] =	vst @!p2 v0  }
0x139: {  	v0 =	vld @!p2 [tilespmem:s30+$0x170];
	_ =	sdelay $0x4  }
0x13a: {  	v1 =	vand.u32 @!p2 $0xFFFF, v0  }
0x13b: {  	v0 =	vshrl.u32 @!p2 v0, $0x10;
	[tilespmem:$0x2870] =	vst @!p2 v1  }
0x13c: {  	[tilespmem:$0x28F0] =	vst @!p2 v0  }
0x13d: {  	[tilespmem:s3], [sflag:$0x1] =	stream.indirect.gather @!p2 [hbm4b:s0+s1], $0x80, s21, s1, $0xb8;
	[tilespmem:$0x1E2C0] =	vst v63  }
0x13e: {  	_ =	swait.ge [sflag:s25], $0x4000  }
0x13f: {  	[sflag:s25] =	ssyncset.done $0x0  }
0x140: {  	[sflag:s25] =	ssyncadd.s32 $0xFFFFC000  }
0x141: {  	[spmem:s2] =	stream.indirect.scatter.add.f32 [tilespmem:s24], [sflag:$0x3], $0x80, s26, s19, $0xb8;
	[tilespmem:$0x1E2C0] =	vst v63  }
0x142: {  	_ =	swait.ge [sflag:s14], $0x4000  }
0x143: {  	[sflag:s14] =	ssyncset.done $0x0  }
0x144: {  	[sflag:s14] =	ssyncadd.s32 $0xFFFFC000  }
0x145: {  	[bflag:$0x0] =	sbarrier.arrive $0xFFFF  }
0x146: {  	[hbm:s11], [sflag:s15] =	dma.local [spmem:s16], $0x2700  }
0x147: {  	s28 =	sadd.s32 $0x1, s28;
	_ =	swait.ge [sflag:s14], $0x2700  }
0x148: {  	p1 =	sne.s32 s28, s13;
	[sflag:s14] =	ssyncset.done $0x0  }
.Ltmp2:
0x149: {  	s1 =	simm.s32 @!p0 $0x3;
	[sflag:s14] =	ssyncadd.s32 $0xFFFFD900;
	(pc) =	sbr.rel @p1 .LBB2_1-.Ltmp2, $4  }
0x14a: {  	[hbm:s12], [sflag:s15] =	dma.local @!p0 [spmem:s17], $0x100  }
0x14b: {  	_ =	swait.ge @!p0 [sflag:s1], $0x100  }
0x14c: {  	[sflag:s1] =	ssyncset.done @!p0 $0x0  }
0x14d: {  	[sflag:s1] =	ssyncadd.s32 @!p0 $0xFFFFFF00  }
0x14e: {  	_ =	sfence.sel $0x180000  }
0x14f: {  	[bflag:$0x0] =	sbarrier.arrive $0xFFFF  }
0x150: {  	_ =	strace $0x90000047  }
0x151: {  	[bflag:$0x2] =	sbarrier.arrive $0xFFFF  }
0x152: {  	s0 =	rddreg [dreg:$0x3]  }
0x153: {  	s0 =	sadd.s32 @!p0 $0x100000, s0  }
0x154: {  	[sflag:s0] =	ssyncadd.tile.s32 @!p0 $0x1;
	_ =	shalt  }
.Lfunc_end2:
_tile_overlayer_lowered:
.L_overlay_start_2:
0x155: {  	(tag) =	ssettag $0x2  }
0x156: {  	s0 =	rddreg [dreg:$0x0];
	s2 =	stileid.u32  }
0x157: {  	s1 =	rddreg [dreg:$0x1];
	p0 =	sne.s32 s2, $0x0  }
0x158: {  	s3 =	rddreg [dreg:$0x2];
	[bflag:$0x3] =	sbarrier.arrive $0xFFFF;
	s2 =	simm.s32 @!p0 $0x1C03  }
0x159: {  	[timem:s3], [sflag:s2] =	dma.local @!p0 [hbm:s0], s1  }
0x15a: {  	s0 =	simm.s32 @!p0 $0x3  }
0x15b: {  	_ =	swait.ge @!p0 [sflag:s0], s1  }
0x15c: {  	s1 =	ssub.s32 @!p0 $0x0, s1;
	[sflag:s0] =	ssyncset.done @!p0 $0x0  }
0x15d: {  	[sflag:s0] =	ssyncadd.s32 @!p0 s1  }
0x15e: {  	[bflag:$0x3] =	sbarrier.arrive $0xFFFF  }
0x15f: {  	_ =	shalt  }

</sc_bundles>
